<compile_context>
chip_gen: v7x
topology: tpu7x:2x2x1
jax: 0.10.2.dev20260603
libtpu: 0.0.44.dev20260713+nightly
codegen_flags: <defaults>
</compile_context>

<pallas_src>
import functools

import jax
import jax.numpy as jnp
from jax import lax
from jax.experimental import pallas as pl
from jax.experimental.pallas import tpu as pltpu
from jax.experimental.pallas import tpu_sc as plsc

N_NODES_C = 10000
N_EDGES_C = 320000
D_C = 128

NC = 2
NS = 16
NW = NC * NS
CHUNK = 128
EPW = N_EDGES_C // NW
GRP = 8
NGRP = 10
NCHUNKS = NGRP * GRP
EPW_PAD = NCHUNKS * CHUNK
NACC = 10240
RPT = NACC // NS
DUMP_ROW = N_NODES_C


def _sc_body(x_hbm, srcs_hbm, dsts_hbm, part_hbm, cnt_hbm,
             sidx, didx, rows, rows2, cnt, acc, semA, semB):
    c = lax.axis_index("c")
    s = lax.axis_index("s")
    wid = s * NC + c
    base = s * RPT

    zeros16 = jnp.zeros((16,), jnp.float32)
    lane = lax.iota(jnp.int32, 16)

    def _fill(r, _):
        for k in range(8):
            rows[r, pl.ds(k * 16, 16)] = zeros16
        return 0
    lax.fori_loop(0, CHUNK, _fill, 0)

    def _fillc(i, _):
        cnt[pl.ds(i * 16, 16)] = zeros16
        return 0
    lax.fori_loop(0, NACC // 16, _fillc, 0)

    for j in range(RPT // CHUNK):
        pltpu.sync_copy(rows, acc.at[pl.ds(base + j * CHUNK, CHUNK)])

    plsc.subcore_barrier()

    def _group(g, _):
        pltpu.sync_copy(srcs_hbm.at[wid, pl.ds(g * GRP, GRP)], sidx)
        pltpu.sync_copy(dsts_hbm.at[wid, pl.ds(g * GRP, GRP)], didx)
        bufs = (rows, rows2)
        sems = (semA, semB)
        descs = [pltpu.async_copy(x_hbm.at[sidx.at[0]], bufs[0], sems[0]),
                 None]
        for k in range(GRP):
            b = k % 2
            if k + 1 < GRP:
                descs[1 - b] = pltpu.async_copy(
                    x_hbm.at[sidx.at[k + 1]], bufs[1 - b], sems[1 - b])
            descs[b].wait()
            pltpu.sync_copy(bufs[b], acc.at[didx.at[k]], add=True)

        def _cvec(m, _):
            d16 = didx[m // (CHUNK // 16), pl.ds((m % (CHUNK // 16)) * 16, 16)]
            for lp in range(16):
                d = d16[lp]
                off = (d // 16) * 16
                vec = cnt[pl.ds(off, 16)]
                cnt[pl.ds(off, 16)] = vec + jnp.where(
                    lane == d - off, 1.0, 0.0).astype(jnp.float32)
            return 0
        lax.fori_loop(0, GRP * CHUNK // 16, _cvec, 0)
        return 0
    lax.fori_loop(0, NGRP, _group, 0)

    plsc.subcore_barrier()

    for j in range(RPT // CHUNK):
        pltpu.sync_copy(acc.at[pl.ds(base + j * CHUNK, CHUNK)], rows)
        pltpu.sync_copy(rows, part_hbm.at[c, pl.ds(base + j * CHUNK, CHUNK)])
    pltpu.sync_copy(cnt, cnt_hbm.at[wid])


def _dense_body(part_ref, cnt_ref, x_ref, wl_ref, wr_ref, b_ref, g_ref,
                be_ref, o_ref):
    p = part_ref[0] + part_ref[1]
    cnt = jnp.sum(cnt_ref[...], axis=1, keepdims=True)
    mean_agg = p / jnp.maximum(cnt, 1.0)
    x = x_ref[...]
    h = (jnp.dot(mean_agg, wl_ref[...], precision=lax.Precision.HIGHEST)
         + jnp.dot(x, wr_ref[...], precision=lax.Precision.HIGHEST)
         + b_ref[...])
    h = 0.5 * h * (1.0 + lax.erf(h * (2.0 ** -0.5)))
    y = h + x
    mu = jnp.mean(y, axis=-1, keepdims=True)
    var = jnp.mean((y - mu) ** 2, axis=-1, keepdims=True)
    o_ref[...] = (y - mu) * lax.rsqrt(var + 1e-5) * g_ref[...] + be_ref[...]


def kernel(x_hidden, edge_index, W_l, W_r, b, gamma, beta):
    src = edge_index[0].astype(jnp.int32).reshape(NW, EPW)
    dst = edge_index[1].astype(jnp.int32).reshape(NW, EPW)
    pad = EPW_PAD - EPW
    src = jnp.pad(src, ((0, 0), (0, pad))).reshape(NW, NCHUNKS, CHUNK)
    dst = jnp.pad(dst, ((0, 0), (0, pad)),
                  constant_values=DUMP_ROW).reshape(NW, NCHUNKS, CHUNK)

    mesh = plsc.VectorSubcoreMesh(core_axis_name="c", subcore_axis_name="s")
    part, cnt = pl.kernel(
        _sc_body,
        out_type=(
            jax.ShapeDtypeStruct((NC, NACC, D_C), jnp.float32),
            jax.ShapeDtypeStruct((NW, NACC), jnp.float32),
        ),
        mesh=mesh,
        scratch_types=[
            pltpu.VMEM((GRP, CHUNK), jnp.int32),
            pltpu.VMEM((GRP, CHUNK), jnp.int32),
            pltpu.VMEM((CHUNK, D_C), jnp.float32),
            pltpu.VMEM((CHUNK, D_C), jnp.float32),
            pltpu.VMEM((NACC,), jnp.float32),
            pltpu.VMEM_SHARED((NACC, D_C), jnp.float32),
            pltpu.SemaphoreType.DMA,
            pltpu.SemaphoreType.DMA,
        ],
    )(x_hidden, src, dst)
    cnt = cnt.T

    R = 1000
    grid = (N_NODES_C // R,)
    out = pl.pallas_call(
        _dense_body,
        grid=grid,
        in_specs=[
            pl.BlockSpec((NC, R, D_C), lambda i: (0, i, 0)),
            pl.BlockSpec((R, NW), lambda i: (i, 0)),
            pl.BlockSpec((R, D_C), lambda i: (i, 0)),
            pl.BlockSpec((D_C, D_C), lambda i: (0, 0)),
            pl.BlockSpec((D_C, D_C), lambda i: (0, 0)),
            pl.BlockSpec((1, D_C), lambda i: (0, 0)),
            pl.BlockSpec((1, D_C), lambda i: (0, 0)),
            pl.BlockSpec((1, D_C), lambda i: (0, 0)),
        ],
        out_specs=pl.BlockSpec((R, D_C), lambda i: (i, 0)),
        out_shape=jax.ShapeDtypeStruct((N_NODES_C, D_C), jnp.float32),
    )(part, cnt, x_hidden, W_l, W_r, b.reshape(1, D_C),
      gamma.reshape(1, D_C), beta.reshape(1, D_C))
    return out

# --- scband reference (transcript-rebuilt; emitter-appended) ---
"""Pipeline reference for scband-processor-2619930050630 (READ-ONLY COPY).

The authoritative reference and input builder live on the scoring server;
editing this copy changes nothing except your own understanding.
"""

import jax, jax.numpy as jnp
import numpy as np

N_NODES = 10000
N_EDGES = 320000
D = 128


def setup_inputs(seed: int = 0) -> dict:
    key = jax.random.key(seed)
    k1, k2, k3, k4, k5 = jax.random.split(key, 5)
    x_hidden = jax.random.normal(k1, (N_NODES, D), dtype=jnp.float32)
    edge_index = jax.random.randint(k2, (2, N_EDGES), 0, N_NODES, dtype=jnp.int64)
    # SAGEConv params: lin_l applied to aggregated neighbors, lin_r to root/self
    scale = 1.0 / np.sqrt(D)
    W_l = jax.random.normal(k3, (D, D), dtype=jnp.float32) * scale
    W_r = jax.random.normal(k4, (D, D), dtype=jnp.float32) * scale
    b = jax.random.normal(k5, (D,), dtype=jnp.float32) * 0.01
    gamma = jnp.ones((D,), dtype=jnp.float32)
    beta = jnp.zeros((D,), dtype=jnp.float32)
    return {"x_hidden": x_hidden, "edge_index": edge_index, "W_l": W_l,
            "W_r": W_r, "b": b, "gamma": gamma, "beta": beta}


def _layer_norm(x, gamma, beta, eps=1e-5):
    mu = jnp.mean(x, axis=-1, keepdims=True)
    var = jnp.mean((x - mu) ** 2, axis=-1, keepdims=True)
    return (x - mu) / jnp.sqrt(var + eps) * gamma + beta


def reference(x_hidden, edge_index, W_l, W_r, b, gamma, beta):
    src = edge_index[0]
    dst = edge_index[1]
    # SAGEConv with mean aggregation: gather source features, scatter-mean to dst
    msgs = jnp.take(x_hidden, src, axis=0)                     # gather [E, D]
    summed = jax.ops.segment_sum(msgs, dst, num_segments=N_NODES)
    counts = jax.ops.segment_sum(jnp.ones((N_EDGES,), dtype=jnp.float32), dst,
                                 num_segments=N_NODES)
    mean_agg = summed / jnp.clip(counts, 1.0)[:, None]
    h = mean_agg @ W_l + x_hidden @ W_r + b                    # SAGEConv output
    # Processor: GELU activation (torch nn.GELU = exact erf), residual, LayerNorm
    h = jax.nn.gelu(h, approximate=False)
    out = _layer_norm(h + x_hidden, gamma, beta)
    return out

if __name__ == "__main__":
    import jax
    _d = setup_inputs()
    print(jax.jit(kernel)(*tuple(_d.values())))

</pallas_src>

<mosaic_0001>
#map = affine_map<(d0, d1) -> (0, 0)>
#map1 = affine_map<(d0, d1) -> (0, 0, 0)>
module attributes {stable_mosaic.version = 14 : i64} {
  func.func @_sc_body(%arg0: i32, %arg1: i32, %arg2: memref<10000x128xf32, #tpu.memory_space<hbm>>, %arg3: memref<32x80x128xi32, #tpu.memory_space<hbm>>, %arg4: memref<32x80x128xi32, #tpu.memory_space<hbm>>, %arg5: memref<2x10240x128xf32, #tpu.memory_space<hbm>>, %arg6: memref<32x10240xf32, #tpu.memory_space<hbm>>, %arg7: memref<8x128xi32, #tpu.memory_space<vmem>>, %arg8: memref<8x128xi32, #tpu.memory_space<vmem>>, %arg9: memref<128x128xf32, #tpu.memory_space<vmem>>, %arg10: memref<128x128xf32, #tpu.memory_space<vmem>>, %arg11: memref<10240xf32, #tpu.memory_space<vmem>>, %arg12: memref<10240x128xf32, #tpu.memory_space<vmem_shared>>, %arg13: memref<!tpu.dma_semaphore, #tpu.memory_space<semaphore_mem>>, %arg14: memref<!tpu.dma_semaphore, #tpu.memory_space<semaphore_mem>>) attributes {dimension_semantics = [#tpu.dimension_semantics<core_parallel>, #tpu.dimension_semantics<subcore_parallel>], iteration_bounds = array<i64: 2, 16>, scalar_prefetch = 0 : i64, scratch_operands = 8 : i64, tpu.core_type = #tpu.core_type<sc_vector_subcore>, window_params = [{transform_indices = #map}, {transform_indices = #map1}, {transform_indices = #map1}, {transform_indices = #map1}, {transform_indices = #map}]} {
    %mul3A = arith.constant 2 : i32
    %mul3A_0 = arith.muli %arg1, %mul3A : i32
    %add3A = arith.addi %mul3A_0, %arg0 : i32
    %mul3A_1 = arith.constant 640 : i32
    %mul3A_2 = arith.muli %arg1, %mul3A_1 : i32
    %broadcast_in_dim3A = arith.constant 0.000000e+00 : f32
    %broadcast_in_dim3A_3 = vector.broadcast %broadcast_in_dim3A : f32 to vector<16xf32>
    %iota3A = tpu.iota {dimensions = array<i32: 0>} : vector<16xi32>
    %scan3A = arith.constant 0 : i32
    %scan3A_4 = arith.constant 0 : i32
    %scan3A_5 = arith.constant 128 : i32
    %scan3A_6 = arith.addi %scan3A_4, %scan3A_5 : i32
    %scan3A_7 = arith.constant 1 : i32
    %scan3A_8 = scf.for %scan3A_55 = %scan3A_4 to %scan3A_6 step %scan3A_7 iter_args(%scan3A_56 = %scan3A) -> (i32)  : i32 {
      %swap3A = arith.index_cast %scan3A_55 : i32 to index
      %swap3A_57 = arith.constant 0 : index
      %swap3A_58 = tpu.vector_load %arg9[%swap3A, %swap3A_57] {strides = array<i32>} : memref<128x128xf32, #tpu.memory_space<vmem>>, vector<1x16xf32>,
      %swap3A_59 = vector.shape_cast %swap3A_58 : vector<1x16xf32> to vector<16xf32>
      %swap3A_60 = vector.shape_cast %broadcast_in_dim3A_3 : vector<16xf32> to vector<1x16xf32>
      tpu.vector_store %arg9[%swap3A, %swap3A_57], %swap3A_60 {strides = array<i32>} : memref<128x128xf32, #tpu.memory_space<vmem>>, vector<1x16xf32>,
      %swap3A_61 = arith.index_cast %scan3A_55 : i32 to index
      %swap3A_62 = arith.constant 16 : index
      %swap3A_63 = tpu.vector_load %arg9[%swap3A_61, %swap3A_62] {strides = array<i32>} : memref<128x128xf32, #tpu.memory_space<vmem>>, vector<1x16xf32>,
      %swap3A_64 = vector.shape_cast %swap3A_63 : vector<1x16xf32> to vector<16xf32>
      %swap3A_65 = vector.shape_cast %broadcast_in_dim3A_3 : vector<16xf32> to vector<1x16xf32>
      tpu.vector_store %arg9[%swap3A_61, %swap3A_62], %swap3A_65 {strides = array<i32>} : memref<128x128xf32, #tpu.memory_space<vmem>>, vector<1x16xf32>,
      %swap3A_66 = arith.index_cast %scan3A_55 : i32 to index
      %swap3A_67 = arith.constant 32 : index
      %swap3A_68 = tpu.vector_load %arg9[%swap3A_66, %swap3A_67] {strides = array<i32>} : memref<128x128xf32, #tpu.memory_space<vmem>>, vector<1x16xf32>,
      %swap3A_69 = vector.shape_cast %swap3A_68 : vector<1x16xf32> to vector<16xf32>
      %swap3A_70 = vector.shape_cast %broadcast_in_dim3A_3 : vector<16xf32> to vector<1x16xf32>
      tpu.vector_store %arg9[%swap3A_66, %swap3A_67], %swap3A_70 {strides = array<i32>} : memref<128x128xf32, #tpu.memory_space<vmem>>, vector<1x16xf32>,
      %swap3A_71 = arith.index_cast %scan3A_55 : i32 to index
      %swap3A_72 = arith.constant 48 : index
      %swap3A_73 = tpu.vector_load %arg9[%swap3A_71, %swap3A_72] {strides = array<i32>} : memref<128x128xf32, #tpu.memory_space<vmem>>, vector<1x16xf32>,
      %swap3A_74 = vector.shape_cast %swap3A_73 : vector<1x16xf32> to vector<16xf32>
      %swap3A_75 = vector.shape_cast %broadcast_in_dim3A_3 : vector<16xf32> to vector<1x16xf32>
      tpu.vector_store %arg9[%swap3A_71, %swap3A_72], %swap3A_75 {strides = array<i32>} : memref<128x128xf32, #tpu.memory_space<vmem>>, vector<1x16xf32>,
      %swap3A_76 = arith.index_cast %scan3A_55 : i32 to index
      %swap3A_77 = arith.constant 64 : index
      %swap3A_78 = tpu.vector_load %arg9[%swap3A_76, %swap3A_77] {strides = array<i32>} : memref<128x128xf32, #tpu.memory_space<vmem>>, vector<1x16xf32>,
      %swap3A_79 = vector.shape_cast %swap3A_78 : vector<1x16xf32> to vector<16xf32>
      %swap3A_80 = vector.shape_cast %broadcast_in_dim3A_3 : vector<16xf32> to vector<1x16xf32>
      tpu.vector_store %arg9[%swap3A_76, %swap3A_77], %swap3A_80 {strides = array<i32>} : memref<128x128xf32, #tpu.memory_space<vmem>>, vector<1x16xf32>,
      %swap3A_81 = arith.index_cast %scan3A_55 : i32 to index
      %swap3A_82 = arith.constant 80 : index
      %swap3A_83 = tpu.vector_load %arg9[%swap3A_81, %swap3A_82] {strides = array<i32>} : memref<128x128xf32, #tpu.memory_space<vmem>>, vector<1x16xf32>,
      %swap3A_84 = vector.shape_cast %swap3A_83 : vector<1x16xf32> to vector<16xf32>
      %swap3A_85 = vector.shape_cast %broadcast_in_dim3A_3 : vector<16xf32> to vector<1x16xf32>
      tpu.vector_store %arg9[%swap3A_81, %swap3A_82], %swap3A_85 {strides = array<i32>} : memref<128x128xf32, #tpu.memory_space<vmem>>, vector<1x16xf32>,
      %swap3A_86 = arith.index_cast %scan3A_55 : i32 to index
      %swap3A_87 = arith.constant 96 : index
      %swap3A_88 = tpu.vector_load %arg9[%swap3A_86, %swap3A_87] {strides = array<i32>} : memref<128x128xf32, #tpu.memory_space<vmem>>, vector<1x16xf32>,
      %swap3A_89 = vector.shape_cast %swap3A_88 : vector<1x16xf32> to vector<16xf32>
      %swap3A_90 = vector.shape_cast %broadcast_in_dim3A_3 : vector<16xf32> to vector<1x16xf32>
      tpu.vector_store %arg9[%swap3A_86, %swap3A_87], %swap3A_90 {strides = array<i32>} : memref<128x128xf32, #tpu.memory_space<vmem>>, vector<1x16xf32>,
      %swap3A_91 = arith.index_cast %scan3A_55 : i32 to index
      %swap3A_92 = arith.constant 112 : index
      %swap3A_93 = tpu.vector_load %arg9[%swap3A_91, %swap3A_92] {strides = array<i32>} : memref<128x128xf32, #tpu.memory_space<vmem>>, vector<1x16xf32>,
      %swap3A_94 = vector.shape_cast %swap3A_93 : vector<1x16xf32> to vector<16xf32>
      %swap3A_95 = vector.shape_cast %broadcast_in_dim3A_3 : vector<16xf32> to vector<1x16xf32>
      tpu.vector_store %arg9[%swap3A_91, %swap3A_92], %swap3A_95 {strides = array<i32>} : memref<128x128xf32, #tpu.memory_space<vmem>>, vector<1x16xf32>,
      %scan3A_96 = arith.constant 0 : i32
      scf.yield %scan3A_96 : i32
    }
    %scan3A_9 = arith.constant 128 : i32
    %scan3A_10 = arith.constant 0 : i32
    %scan3A_11 = arith.constant 0 : i32
    %scan3A_12 = arith.constant 640 : i32
    %scan3A_13 = arith.addi %scan3A_11, %scan3A_12 : i32
    %scan3A_14 = arith.constant 1 : i32
    %scan3A_15 = scf.for %scan3A_55 = %scan3A_11 to %scan3A_13 step %scan3A_14 iter_args(%scan3A_56 = %scan3A_10) -> (i32)  : i32 {
      %mul3A_57 = arith.constant 16 : i32
      %mul3A_58 = arith.muli %scan3A_55, %mul3A_57 : i32
      %swap3A = arith.index_cast %mul3A_58 : i32 to index
      %swap3A_59 = tpu.vector_load %arg11[%swap3A] {strides = array<i32>} : memref<10240xf32, #tpu.memory_space<vmem>>, vector<16xf32>,
      %swap3A_60 = vector.shape_cast %swap3A_59 : vector<16xf32> to vector<16xf32>
      %swap3A_61 = vector.shape_cast %broadcast_in_dim3A_3 : vector<16xf32> to vector<16xf32>
      tpu.vector_store %arg11[%swap3A], %swap3A_61 {strides = array<i32>} : memref<10240xf32, #tpu.memory_space<vmem>>, vector<16xf32>,
      %scan3A_62 = arith.constant 0 : i32
      scf.yield %scan3A_62 : i32
    }
    %scan3A_16 = arith.constant 640 : i32
    %add3A_17 = arith.constant 0 : i32
    %add3A_18 = arith.addi %mul3A_2, %add3A_17 : i32
    "tpu.region"() ({
      %run_scoped3A = tpu.sem_alloc : memref<!tpu.dma_semaphore, #tpu.memory_space<semaphore_mem>>
      %dma_start3A = arith.constant 0 : i32
      %dma_start3A_55 = tpu.memref_slice %arg12[%add3A_18, %dma_start3A] : memref<10240x128xf32, #tpu.memory_space<vmem_shared>> -> memref<128x128xf32, #tpu.memory_space<vmem_shared>>
      %dma_start3A_56 = arith.constant 0 : i32
      %dma_start3A_57 = tpu.memref_slice %arg12[%add3A_18, %dma_start3A_56] : memref<10240x128xf32, #tpu.memory_space<vmem_shared>> -> memref<128x128xf32, #tpu.memory_space<vmem_shared>>
      tpu.enqueue_dma source(%arg9 : memref<128x128xf32, #tpu.memory_space<vmem>>) target(%dma_start3A_57 : memref<128x128xf32, #tpu.memory_space<vmem_shared>>) target_semaphore(%run_scoped3A : memref<!tpu.dma_semaphore, #tpu.memory_space<semaphore_mem>>)
      %dma_wait3A = arith.constant 0 : i32
      %dma_wait3A_58 = tpu.memref_slice %arg12[%add3A_18, %dma_wait3A] : memref<10240x128xf32, #tpu.memory_space<vmem_shared>> -> memref<128x128xf32, #tpu.memory_space<vmem_shared>>
      %dma_wait3A_59 = arith.constant 0 : i32
      %dma_wait3A_60 = tpu.memref_slice %arg12[%add3A_18, %dma_wait3A_59] : memref<10240x128xf32, #tpu.memory_space<vmem_shared>> -> memref<128x128xf32, #tpu.memory_space<vmem_shared>>
      tpu.wait_dma2 semaphore(%run_scoped3A : memref<!tpu.dma_semaphore, #tpu.memory_space<semaphore_mem>>) src(%arg9 : memref<128x128xf32, #tpu.memory_space<vmem>>) dst(%dma_wait3A_60 : memref<128x128xf32, #tpu.memory_space<vmem_shared>>)
      tpu.yield
    }) : () -> ()
    %add3A_19 = arith.constant 128 : i32
    %add3A_20 = arith.addi %mul3A_2, %add3A_19 : i32
    "tpu.region"() ({
      %run_scoped3A = tpu.sem_alloc : memref<!tpu.dma_semaphore, #tpu.memory_space<semaphore_mem>>
      %dma_start3A = arith.constant 0 : i32
      %dma_start3A_55 = tpu.memref_slice %arg12[%add3A_20, %dma_start3A] : memref<10240x128xf32, #tpu.memory_space<vmem_shared>> -> memref<128x128xf32, #tpu.memory_space<vmem_shared>>
      %dma_start3A_56 = arith.constant 0 : i32
      %dma_start3A_57 = tpu.memref_slice %arg12[%add3A_20, %dma_start3A_56] : memref<10240x128xf32, #tpu.memory_space<vmem_shared>> -> memref<128x128xf32, #tpu.memory_space<vmem_shared>>
      tpu.enqueue_dma source(%arg9 : memref<128x128xf32, #tpu.memory_space<vmem>>) target(%dma_start3A_57 : memref<128x128xf32, #tpu.memory_space<vmem_shared>>) target_semaphore(%run_scoped3A : memref<!tpu.dma_semaphore, #tpu.memory_space<semaphore_mem>>)
      %dma_wait3A = arith.constant 0 : i32
      %dma_wait3A_58 = tpu.memref_slice %arg12[%add3A_20, %dma_wait3A] : memref<10240x128xf32, #tpu.memory_space<vmem_shared>> -> memref<128x128xf32, #tpu.memory_space<vmem_shared>>
      %dma_wait3A_59 = arith.constant 0 : i32
      %dma_wait3A_60 = tpu.memref_slice %arg12[%add3A_20, %dma_wait3A_59] : memref<10240x128xf32, #tpu.memory_space<vmem_shared>> -> memref<128x128xf32, #tpu.memory_space<vmem_shared>>
      tpu.wait_dma2 semaphore(%run_scoped3A : memref<!tpu.dma_semaphore, #tpu.memory_space<semaphore_mem>>) src(%arg9 : memref<128x128xf32, #tpu.memory_space<vmem>>) dst(%dma_wait3A_60 : memref<128x128xf32, #tpu.memory_space<vmem_shared>>)
      tpu.yield
    }) : () -> ()
    %add3A_21 = arith.constant 256 : i32
    %add3A_22 = arith.addi %mul3A_2, %add3A_21 : i32
    "tpu.region"() ({
      %run_scoped3A = tpu.sem_alloc : memref<!tpu.dma_semaphore, #tpu.memory_space<semaphore_mem>>
      %dma_start3A = arith.constant 0 : i32
      %dma_start3A_55 = tpu.memref_slice %arg12[%add3A_22, %dma_start3A] : memref<10240x128xf32, #tpu.memory_space<vmem_shared>> -> memref<128x128xf32, #tpu.memory_space<vmem_shared>>
      %dma_start3A_56 = arith.constant 0 : i32
      %dma_start3A_57 = tpu.memref_slice %arg12[%add3A_22, %dma_start3A_56] : memref<10240x128xf32, #tpu.memory_space<vmem_shared>> -> memref<128x128xf32, #tpu.memory_space<vmem_shared>>
      tpu.enqueue_dma source(%arg9 : memref<128x128xf32, #tpu.memory_space<vmem>>) target(%dma_start3A_57 : memref<128x128xf32, #tpu.memory_space<vmem_shared>>) target_semaphore(%run_scoped3A : memref<!tpu.dma_semaphore, #tpu.memory_space<semaphore_mem>>)
      %dma_wait3A = arith.constant 0 : i32
      %dma_wait3A_58 = tpu.memref_slice %arg12[%add3A_22, %dma_wait3A] : memref<10240x128xf32, #tpu.memory_space<vmem_shared>> -> memref<128x128xf32, #tpu.memory_space<vmem_shared>>
      %dma_wait3A_59 = arith.constant 0 : i32
      %dma_wait3A_60 = tpu.memref_slice %arg12[%add3A_22, %dma_wait3A_59] : memref<10240x128xf32, #tpu.memory_space<vmem_shared>> -> memref<128x128xf32, #tpu.memory_space<vmem_shared>>
      tpu.wait_dma2 semaphore(%run_scoped3A : memref<!tpu.dma_semaphore, #tpu.memory_space<semaphore_mem>>) src(%arg9 : memref<128x128xf32, #tpu.memory_space<vmem>>) dst(%dma_wait3A_60 : memref<128x128xf32, #tpu.memory_space<vmem_shared>>)
      tpu.yield
    }) : () -> ()
    %add3A_23 = arith.constant 384 : i32
    %add3A_24 = arith.addi %mul3A_2, %add3A_23 : i32
    "tpu.region"() ({
      %run_scoped3A = tpu.sem_alloc : memref<!tpu.dma_semaphore, #tpu.memory_space<semaphore_mem>>
      %dma_start3A = arith.constant 0 : i32
      %dma_start3A_55 = tpu.memref_slice %arg12[%add3A_24, %dma_start3A] : memref<10240x128xf32, #tpu.memory_space<vmem_shared>> -> memref<128x128xf32, #tpu.memory_space<vmem_shared>>
      %dma_start3A_56 = arith.constant 0 : i32
      %dma_start3A_57 = tpu.memref_slice %arg12[%add3A_24, %dma_start3A_56] : memref<10240x128xf32, #tpu.memory_space<vmem_shared>> -> memref<128x128xf32, #tpu.memory_space<vmem_shared>>
      tpu.enqueue_dma source(%arg9 : memref<128x128xf32, #tpu.memory_space<vmem>>) target(%dma_start3A_57 : memref<128x128xf32, #tpu.memory_space<vmem_shared>>) target_semaphore(%run_scoped3A : memref<!tpu.dma_semaphore, #tpu.memory_space<semaphore_mem>>)
      %dma_wait3A = arith.constant 0 : i32
      %dma_wait3A_58 = tpu.memref_slice %arg12[%add3A_24, %dma_wait3A] : memref<10240x128xf32, #tpu.memory_space<vmem_shared>> -> memref<128x128xf32, #tpu.memory_space<vmem_shared>>
      %dma_wait3A_59 = arith.constant 0 : i32
      %dma_wait3A_60 = tpu.memref_slice %arg12[%add3A_24, %dma_wait3A_59] : memref<10240x128xf32, #tpu.memory_space<vmem_shared>> -> memref<128x128xf32, #tpu.memory_space<vmem_shared>>
      tpu.wait_dma2 semaphore(%run_scoped3A : memref<!tpu.dma_semaphore, #tpu.memory_space<semaphore_mem>>) src(%arg9 : memref<128x128xf32, #tpu.memory_space<vmem>>) dst(%dma_wait3A_60 : memref<128x128xf32, #tpu.memory_space<vmem_shared>>)
      tpu.yield
    }) : () -> ()
    %add3A_25 = arith.constant 512 : i32
    %add3A_26 = arith.addi %mul3A_2, %add3A_25 : i32
    "tpu.region"() ({
      %run_scoped3A = tpu.sem_alloc : memref<!tpu.dma_semaphore, #tpu.memory_space<semaphore_mem>>
      %dma_start3A = arith.constant 0 : i32
      %dma_start3A_55 = tpu.memref_slice %arg12[%add3A_26, %dma_start3A] : memref<10240x128xf32, #tpu.memory_space<vmem_shared>> -> memref<128x128xf32, #tpu.memory_space<vmem_shared>>
      %dma_start3A_56 = arith.constant 0 : i32
      %dma_start3A_57 = tpu.memref_slice %arg12[%add3A_26, %dma_start3A_56] : memref<10240x128xf32, #tpu.memory_space<vmem_shared>> -> memref<128x128xf32, #tpu.memory_space<vmem_shared>>
      tpu.enqueue_dma source(%arg9 : memref<128x128xf32, #tpu.memory_space<vmem>>) target(%dma_start3A_57 : memref<128x128xf32, #tpu.memory_space<vmem_shared>>) target_semaphore(%run_scoped3A : memref<!tpu.dma_semaphore, #tpu.memory_space<semaphore_mem>>)
      %dma_wait3A = arith.constant 0 : i32
      %dma_wait3A_58 = tpu.memref_slice %arg12[%add3A_26, %dma_wait3A] : memref<10240x128xf32, #tpu.memory_space<vmem_shared>> -> memref<128x128xf32, #tpu.memory_space<vmem_shared>>
      %dma_wait3A_59 = arith.constant 0 : i32
      %dma_wait3A_60 = tpu.memref_slice %arg12[%add3A_26, %dma_wait3A_59] : memref<10240x128xf32, #tpu.memory_space<vmem_shared>> -> memref<128x128xf32, #tpu.memory_space<vmem_shared>>
      tpu.wait_dma2 semaphore(%run_scoped3A : memref<!tpu.dma_semaphore, #tpu.memory_space<semaphore_mem>>) src(%arg9 : memref<128x128xf32, #tpu.memory_space<vmem>>) dst(%dma_wait3A_60 : memref<128x128xf32, #tpu.memory_space<vmem_shared>>)
      tpu.yield
    }) : () -> ()
    %barrier3A = arith.constant 0 : index
    tpu.barrier barrier_id(%barrier3A)
    %scan3A_27 = arith.constant 0 : i32
    %scan3A_28 = arith.constant 0 : i32
    %scan3A_29 = arith.constant 10 : i32
    %scan3A_30 = arith.addi %scan3A_28, %scan3A_29 : i32
    %scan3A_31 = arith.constant 1 : i32
    %scan3A_32 = scf.for %scan3A_55 = %scan3A_28 to %scan3A_30 step %scan3A_31 iter_args(%scan3A_56 = %scan3A_27) -> (i32)  : i32 {
      %mul3A_57 = arith.constant 8 : i32
      %mul3A_58 = arith.muli %scan3A_55, %mul3A_57 : i32
      "tpu.region"() ({
        %run_scoped3A_186 = tpu.sem_alloc : memref<!tpu.dma_semaphore, #tpu.memory_space<semaphore_mem>>
        %dma_start3A_187 = arith.constant 0 : i32
        %dma_start3A_188 = tpu.memref_slice %arg3[%add3A, %mul3A_58, %dma_start3A_187] : memref<32x80x128xi32, #tpu.memory_space<hbm>> -> memref<1x8x128xi32, #tpu.memory_space<hbm>>
        %dma_start3A_189 = tpu.memref_squeeze %dma_start3A_188 : memref<1x8x128xi32, #tpu.memory_space<hbm>> -> memref<8x128xi32, #tpu.memory_space<hbm>>
        %dma_start3A_190 = arith.constant 0 : i32
        %dma_start3A_191 = tpu.memref_slice %arg3[%add3A, %mul3A_58, %dma_start3A_190] : memref<32x80x128xi32, #tpu.memory_space<hbm>> -> memref<1x8x128xi32, #tpu.memory_space<hbm>>
        %dma_start3A_192 = tpu.memref_squeeze %dma_start3A_191 : memref<1x8x128xi32, #tpu.memory_space<hbm>> -> memref<8x128xi32, #tpu.memory_space<hbm>>
        tpu.enqueue_dma source(%dma_start3A_192 : memref<8x128xi32, #tpu.memory_space<hbm>>) target(%arg7 : memref<8x128xi32, #tpu.memory_space<vmem>>) target_semaphore(%run_scoped3A_186 : memref<!tpu.dma_semaphore, #tpu.memory_space<semaphore_mem>>)
        %dma_wait3A_193 = arith.constant 0 : i32
        %dma_wait3A_194 = tpu.memref_slice %arg3[%add3A, %mul3A_58, %dma_wait3A_193] : memref<32x80x128xi32, #tpu.memory_space<hbm>> -> memref<1x8x128xi32, #tpu.memory_space<hbm>>
        %dma_wait3A_195 = tpu.memref_squeeze %dma_wait3A_194 : memref<1x8x128xi32, #tpu.memory_space<hbm>> -> memref<8x128xi32, #tpu.memory_space<hbm>>
        %dma_wait3A_196 = arith.constant 0 : i32
        %dma_wait3A_197 = tpu.memref_slice %arg3[%add3A, %mul3A_58, %dma_wait3A_196] : memref<32x80x128xi32, #tpu.memory_space<hbm>> -> memref<1x8x128xi32, #tpu.memory_space<hbm>>
        %dma_wait3A_198 = tpu.memref_squeeze %dma_wait3A_197 : memref<1x8x128xi32, #tpu.memory_space<hbm>> -> memref<8x128xi32, #tpu.memory_space<hbm>>
        tpu.wait_dma2 semaphore(%run_scoped3A_186 : memref<!tpu.dma_semaphore, #tpu.memory_space<semaphore_mem>>) src(%dma_wait3A_198 : memref<8x128xi32, #tpu.memory_space<hbm>>) dst(%arg7 : memref<8x128xi32, #tpu.memory_space<vmem>>)
        tpu.yield
      }) : () -> ()
      %mul3A_59 = arith.constant 8 : i32
      %mul3A_60 = arith.muli %scan3A_55, %mul3A_59 : i32
      "tpu.region"() ({
        %run_scoped3A_186 = tpu.sem_alloc : memref<!tpu.dma_semaphore, #tpu.memory_space<semaphore_mem>>
        %dma_start3A_187 = arith.constant 0 : i32
        %dma_start3A_188 = tpu.memref_slice %arg4[%add3A, %mul3A_60, %dma_start3A_187] : memref<32x80x128xi32, #tpu.memory_space<hbm>> -> memref<1x8x128xi32, #tpu.memory_space<hbm>>
        %dma_start3A_189 = tpu.memref_squeeze %dma_start3A_188 : memref<1x8x128xi32, #tpu.memory_space<hbm>> -> memref<8x128xi32, #tpu.memory_space<hbm>>
        %dma_start3A_190 = arith.constant 0 : i32
        %dma_start3A_191 = tpu.memref_slice %arg4[%add3A, %mul3A_60, %dma_start3A_190] : memref<32x80x128xi32, #tpu.memory_space<hbm>> -> memref<1x8x128xi32, #tpu.memory_space<hbm>>
        %dma_start3A_192 = tpu.memref_squeeze %dma_start3A_191 : memref<1x8x128xi32, #tpu.memory_space<hbm>> -> memref<8x128xi32, #tpu.memory_space<hbm>>
        tpu.enqueue_dma source(%dma_start3A_192 : memref<8x128xi32, #tpu.memory_space<hbm>>) target(%arg8 : memref<8x128xi32, #tpu.memory_space<vmem>>) target_semaphore(%run_scoped3A_186 : memref<!tpu.dma_semaphore, #tpu.memory_space<semaphore_mem>>)
        %dma_wait3A_193 = arith.constant 0 : i32
        %dma_wait3A_194 = tpu.memref_slice %arg4[%add3A, %mul3A_60, %dma_wait3A_193] : memref<32x80x128xi32, #tpu.memory_space<hbm>> -> memref<1x8x128xi32, #tpu.memory_space<hbm>>
        %dma_wait3A_195 = tpu.memref_squeeze %dma_wait3A_194 : memref<1x8x128xi32, #tpu.memory_space<hbm>> -> memref<8x128xi32, #tpu.memory_space<hbm>>
        %dma_wait3A_196 = arith.constant 0 : i32
        %dma_wait3A_197 = tpu.memref_slice %arg4[%add3A, %mul3A_60, %dma_wait3A_196] : memref<32x80x128xi32, #tpu.memory_space<hbm>> -> memref<1x8x128xi32, #tpu.memory_space<hbm>>
        %dma_wait3A_198 = tpu.memref_squeeze %dma_wait3A_197 : memref<1x8x128xi32, #tpu.memory_space<hbm>> -> memref<8x128xi32, #tpu.memory_space<hbm>>
        tpu.wait_dma2 semaphore(%run_scoped3A_186 : memref<!tpu.dma_semaphore, #tpu.memory_space<semaphore_mem>>) src(%dma_wait3A_198 : memref<8x128xi32, #tpu.memory_space<hbm>>) dst(%arg8 : memref<8x128xi32, #tpu.memory_space<vmem>>)
        tpu.yield
      }) : () -> ()
      %dma_start3A = arith.constant 0 : i32
      %dma_start3A_61 = arith.constant 0 : i32
      %dma_start3A_62 = tpu.memref_slice %arg7[%dma_start3A, %dma_start3A_61] : memref<8x128xi32, #tpu.memory_space<vmem>> -> memref<1x128xi32, #tpu.memory_space<vmem>>
      %dma_start3A_63 = tpu.memref_squeeze %dma_start3A_62 : memref<1x128xi32, #tpu.memory_space<vmem>> -> memref<128xi32, #tpu.memory_space<vmem>>
      %dma_start3A_64 = arith.constant 0 : i32
      %dma_start3A_65 = arith.constant 0 : i32
      %dma_start3A_66 = tpu.memref_slice %arg2[%dma_start3A_64, %dma_start3A_65] : memref<10000x128xf32, #tpu.memory_space<hbm>> -> memref<10000x128xf32, #tpu.memory_space<hbm>>
      tpu.enqueue_indirect_dma source(%dma_start3A_66 : memref<10000x128xf32, #tpu.memory_space<hbm>>) target(%arg9 : memref<128x128xf32, #tpu.memory_space<vmem>>) offsets(%dma_start3A_63 : memref<128xi32, #tpu.memory_space<vmem>>) semaphore(%arg13 : memref<!tpu.dma_semaphore, #tpu.memory_space<semaphore_mem>>)
      %dma_start3A_67 = arith.constant 1 : i32
      %dma_start3A_68 = arith.constant 0 : i32
      %dma_start3A_69 = tpu.memref_slice %arg7[%dma_start3A_67, %dma_start3A_68] : memref<8x128xi32, #tpu.memory_space<vmem>> -> memref<1x128xi32, #tpu.memory_space<vmem>>
      %dma_start3A_70 = tpu.memref_squeeze %dma_start3A_69 : memref<1x128xi32, #tpu.memory_space<vmem>> -> memref<128xi32, #tpu.memory_space<vmem>>
      %dma_start3A_71 = arith.constant 0 : i32
      %dma_start3A_72 = arith.constant 0 : i32
      %dma_start3A_73 = tpu.memref_slice %arg2[%dma_start3A_71, %dma_start3A_72] : memref<10000x128xf32, #tpu.memory_space<hbm>> -> memref<10000x128xf32, #tpu.memory_space<hbm>>
      tpu.enqueue_indirect_dma source(%dma_start3A_73 : memref<10000x128xf32, #tpu.memory_space<hbm>>) target(%arg10 : memref<128x128xf32, #tpu.memory_space<vmem>>) offsets(%dma_start3A_70 : memref<128xi32, #tpu.memory_space<vmem>>) semaphore(%arg14 : memref<!tpu.dma_semaphore, #tpu.memory_space<semaphore_mem>>)
      %dma_wait3A = arith.constant 0 : i32
      %dma_wait3A_74 = arith.constant 0 : i32
      %dma_wait3A_75 = tpu.memref_slice %arg7[%dma_wait3A, %dma_wait3A_74] : memref<8x128xi32, #tpu.memory_space<vmem>> -> memref<1x128xi32, #tpu.memory_space<vmem>>
      %dma_wait3A_76 = tpu.memref_squeeze %dma_wait3A_75 : memref<1x128xi32, #tpu.memory_space<vmem>> -> memref<128xi32, #tpu.memory_space<vmem>>
      %dma_wait3A_77 = arith.constant 0 : i32
      %dma_wait3A_78 = arith.constant 0 : i32
      %dma_wait3A_79 = tpu.memref_slice %arg2[%dma_wait3A_77, %dma_wait3A_78] : memref<10000x128xf32, #tpu.memory_space<hbm>> -> memref<10000x128xf32, #tpu.memory_space<hbm>>
      tpu.wait_indirect_dma semaphore(%arg13 : memref<!tpu.dma_semaphore, #tpu.memory_space<semaphore_mem>>) src(%dma_wait3A_79 : memref<10000x128xf32, #tpu.memory_space<hbm>>) dst(%arg9 : memref<128x128xf32, #tpu.memory_space<vmem>>)
      %run_scoped3A = arith.constant 0 : i32
      "tpu.region"() ({
        %run_scoped3A_186 = tpu.sem_alloc : memref<!tpu.dma_semaphore, #tpu.memory_space<semaphore_mem>>
        %dma_start3A_187 = arith.constant 0 : i32
        %dma_start3A_188 = tpu.memref_slice %arg8[%run_scoped3A, %dma_start3A_187] : memref<8x128xi32, #tpu.memory_space<vmem>> -> memref<1x128xi32, #tpu.memory_space<vmem>>
        %dma_start3A_189 = tpu.memref_squeeze %dma_start3A_188 : memref<1x128xi32, #tpu.memory_space<vmem>> -> memref<128xi32, #tpu.memory_space<vmem>>
        %dma_start3A_190 = arith.constant 0 : i32
        %dma_start3A_191 = arith.constant 0 : i32
        %dma_start3A_192 = tpu.memref_slice %arg12[%dma_start3A_190, %dma_start3A_191] : memref<10240x128xf32, #tpu.memory_space<vmem_shared>> -> memref<10240x128xf32, #tpu.memory_space<vmem_shared>>
        tpu.enqueue_indirect_dma source(%arg9 : memref<128x128xf32, #tpu.memory_space<vmem>>) target(%dma_start3A_192 : memref<10240x128xf32, #tpu.memory_space<vmem_shared>>) offsets(%dma_start3A_189 : memref<128xi32, #tpu.memory_space<vmem>>) semaphore(%run_scoped3A_186 : memref<!tpu.dma_semaphore, #tpu.memory_space<semaphore_mem>>) {add = true}
        %dma_wait3A_193 = arith.constant 0 : i32
        %dma_wait3A_194 = tpu.memref_slice %arg8[%run_scoped3A, %dma_wait3A_193] : memref<8x128xi32, #tpu.memory_space<vmem>> -> memref<1x128xi32, #tpu.memory_space<vmem>>
        %dma_wait3A_195 = tpu.memref_squeeze %dma_wait3A_194 : memref<1x128xi32, #tpu.memory_space<vmem>> -> memref<128xi32, #tpu.memory_space<vmem>>
        %dma_wait3A_196 = arith.constant 0 : i32
        %dma_wait3A_197 = arith.constant 0 : i32
        %dma_wait3A_198 = tpu.memref_slice %arg12[%dma_wait3A_196, %dma_wait3A_197] : memref<10240x128xf32, #tpu.memory_space<vmem_shared>> -> memref<10240x128xf32, #tpu.memory_space<vmem_shared>>
        tpu.wait_indirect_dma semaphore(%run_scoped3A_186 : memref<!tpu.dma_semaphore, #tpu.memory_space<semaphore_mem>>) src(%arg9 : memref<128x128xf32, #tpu.memory_space<vmem>>) dst(%dma_wait3A_198 : memref<10240x128xf32, #tpu.memory_space<vmem_shared>>)
        tpu.yield
      }) : () -> ()
      %dma_start3A_80 = arith.constant 2 : i32
      %dma_start3A_81 = arith.constant 0 : i32
      %dma_start3A_82 = tpu.memref_slice %arg7[%dma_start3A_80, %dma_start3A_81] : memref<8x128xi32, #tpu.memory_space<vmem>> -> memref<1x128xi32, #tpu.memory_space<vmem>>
      %dma_start3A_83 = tpu.memref_squeeze %dma_start3A_82 : memref<1x128xi32, #tpu.memory_space<vmem>> -> memref<128xi32, #tpu.memory_space<vmem>>
      %dma_start3A_84 = arith.constant 0 : i32
      %dma_start3A_85 = arith.constant 0 : i32
      %dma_start3A_86 = tpu.memref_slice %arg2[%dma_start3A_84, %dma_start3A_85] : memref<10000x128xf32, #tpu.memory_space<hbm>> -> memref<10000x128xf32, #tpu.memory_space<hbm>>
      tpu.enqueue_indirect_dma source(%dma_start3A_86 : memref<10000x128xf32, #tpu.memory_space<hbm>>) target(%arg9 : memref<128x128xf32, #tpu.memory_space<vmem>>) offsets(%dma_start3A_83 : memref<128xi32, #tpu.memory_space<vmem>>) semaphore(%arg13 : memref<!tpu.dma_semaphore, #tpu.memory_space<semaphore_mem>>)
      %dma_wait3A_87 = arith.constant 1 : i32
      %dma_wait3A_88 = arith.constant 0 : i32
      %dma_wait3A_89 = tpu.memref_slice %arg7[%dma_wait3A_87, %dma_wait3A_88] : memref<8x128xi32, #tpu.memory_space<vmem>> -> memref<1x128xi32, #tpu.memory_space<vmem>>
      %dma_wait3A_90 = tpu.memref_squeeze %dma_wait3A_89 : memref<1x128xi32, #tpu.memory_space<vmem>> -> memref<128xi32, #tpu.memory_space<vmem>>
      %dma_wait3A_91 = arith.constant 0 : i32
      %dma_wait3A_92 = arith.constant 0 : i32
      %dma_wait3A_93 = tpu.memref_slice %arg2[%dma_wait3A_91, %dma_wait3A_92] : memref<10000x128xf32, #tpu.memory_space<hbm>> -> memref<10000x128xf32, #tpu.memory_space<hbm>>
      tpu.wait_indirect_dma semaphore(%arg14 : memref<!tpu.dma_semaphore, #tpu.memory_space<semaphore_mem>>) src(%dma_wait3A_93 : memref<10000x128xf32, #tpu.memory_space<hbm>>) dst(%arg10 : memref<128x128xf32, #tpu.memory_space<vmem>>)
      %run_scoped3A_94 = arith.constant 1 : i32
      "tpu.region"() ({
        %run_scoped3A_186 = tpu.sem_alloc : memref<!tpu.dma_semaphore, #tpu.memory_space<semaphore_mem>>
        %dma_start3A_187 = arith.constant 0 : i32
        %dma_start3A_188 = tpu.memref_slice %arg8[%run_scoped3A_94, %dma_start3A_187] : memref<8x128xi32, #tpu.memory_space<vmem>> -> memref<1x128xi32, #tpu.memory_space<vmem>>
        %dma_start3A_189 = tpu.memref_squeeze %dma_start3A_188 : memref<1x128xi32, #tpu.memory_space<vmem>> -> memref<128xi32, #tpu.memory_space<vmem>>
        %dma_start3A_190 = arith.constant 0 : i32
        %dma_start3A_191 = arith.constant 0 : i32
        %dma_start3A_192 = tpu.memref_slice %arg12[%dma_start3A_190, %dma_start3A_191] : memref<10240x128xf32, #tpu.memory_space<vmem_shared>> -> memref<10240x128xf32, #tpu.memory_space<vmem_shared>>
        tpu.enqueue_indirect_dma source(%arg10 : memref<128x128xf32, #tpu.memory_space<vmem>>) target(%dma_start3A_192 : memref<10240x128xf32, #tpu.memory_space<vmem_shared>>) offsets(%dma_start3A_189 : memref<128xi32, #tpu.memory_space<vmem>>) semaphore(%run_scoped3A_186 : memref<!tpu.dma_semaphore, #tpu.memory_space<semaphore_mem>>) {add = true}
        %dma_wait3A_193 = arith.constant 0 : i32
        %dma_wait3A_194 = tpu.memref_slice %arg8[%run_scoped3A_94, %dma_wait3A_193] : memref<8x128xi32, #tpu.memory_space<vmem>> -> memref<1x128xi32, #tpu.memory_space<vmem>>
        %dma_wait3A_195 = tpu.memref_squeeze %dma_wait3A_194 : memref<1x128xi32, #tpu.memory_space<vmem>> -> memref<128xi32, #tpu.memory_space<vmem>>
        %dma_wait3A_196 = arith.constant 0 : i32
        %dma_wait3A_197 = arith.constant 0 : i32
        %dma_wait3A_198 = tpu.memref_slice %arg12[%dma_wait3A_196, %dma_wait3A_197] : memref<10240x128xf32, #tpu.memory_space<vmem_shared>> -> memref<10240x128xf32, #tpu.memory_space<vmem_shared>>
        tpu.wait_indirect_dma semaphore(%run_scoped3A_186 : memref<!tpu.dma_semaphore, #tpu.memory_space<semaphore_mem>>) src(%arg10 : memref<128x128xf32, #tpu.memory_space<vmem>>) dst(%dma_wait3A_198 : memref<10240x128xf32, #tpu.memory_space<vmem_shared>>)
        tpu.yield
      }) : () -> ()
      %dma_start3A_95 = arith.constant 3 : i32
      %dma_start3A_96 = arith.constant 0 : i32
      %dma_start3A_97 = tpu.memref_slice %arg7[%dma_start3A_95, %dma_start3A_96] : memref<8x128xi32, #tpu.memory_space<vmem>> -> memref<1x128xi32, #tpu.memory_space<vmem>>
      %dma_start3A_98 = tpu.memref_squeeze %dma_start3A_97 : memref<1x128xi32, #tpu.memory_space<vmem>> -> memref<128xi32, #tpu.memory_space<vmem>>
      %dma_start3A_99 = arith.constant 0 : i32
      %dma_start3A_100 = arith.constant 0 : i32
      %dma_start3A_101 = tpu.memref_slice %arg2[%dma_start3A_99, %dma_start3A_100] : memref<10000x128xf32, #tpu.memory_space<hbm>> -> memref<10000x128xf32, #tpu.memory_space<hbm>>
      tpu.enqueue_indirect_dma source(%dma_start3A_101 : memref<10000x128xf32, #tpu.memory_space<hbm>>) target(%arg10 : memref<128x128xf32, #tpu.memory_space<vmem>>) offsets(%dma_start3A_98 : memref<128xi32, #tpu.memory_space<vmem>>) semaphore(%arg14 : memref<!tpu.dma_semaphore, #tpu.memory_space<semaphore_mem>>)
      %dma_wait3A_102 = arith.constant 2 : i32
      %dma_wait3A_103 = arith.constant 0 : i32
      %dma_wait3A_104 = tpu.memref_slice %arg7[%dma_wait3A_102, %dma_wait3A_103] : memref<8x128xi32, #tpu.memory_space<vmem>> -> memref<1x128xi32, #tpu.memory_space<vmem>>
      %dma_wait3A_105 = tpu.memref_squeeze %dma_wait3A_104 : memref<1x128xi32, #tpu.memory_space<vmem>> -> memref<128xi32, #tpu.memory_space<vmem>>
      %dma_wait3A_106 = arith.constant 0 : i32
      %dma_wait3A_107 = arith.constant 0 : i32
      %dma_wait3A_108 = tpu.memref_slice %arg2[%dma_wait3A_106, %dma_wait3A_107] : memref<10000x128xf32, #tpu.memory_space<hbm>> -> memref<10000x128xf32, #tpu.memory_space<hbm>>
      tpu.wait_indirect_dma semaphore(%arg13 : memref<!tpu.dma_semaphore, #tpu.memory_space<semaphore_mem>>) src(%dma_wait3A_108 : memref<10000x128xf32, #tpu.memory_space<hbm>>) dst(%arg9 : memref<128x128xf32, #tpu.memory_space<vmem>>)
      %run_scoped3A_109 = arith.constant 2 : i32
      "tpu.region"() ({
        %run_scoped3A_186 = tpu.sem_alloc : memref<!tpu.dma_semaphore, #tpu.memory_space<semaphore_mem>>
        %dma_start3A_187 = arith.constant 0 : i32
        %dma_start3A_188 = tpu.memref_slice %arg8[%run_scoped3A_109, %dma_start3A_187] : memref<8x128xi32, #tpu.memory_space<vmem>> -> memref<1x128xi32, #tpu.memory_space<vmem>>
        %dma_start3A_189 = tpu.memref_squeeze %dma_start3A_188 : memref<1x128xi32, #tpu.memory_space<vmem>> -> memref<128xi32, #tpu.memory_space<vmem>>
        %dma_start3A_190 = arith.constant 0 : i32
        %dma_start3A_191 = arith.constant 0 : i32
        %dma_start3A_192 = tpu.memref_slice %arg12[%dma_start3A_190, %dma_start3A_191] : memref<10240x128xf32, #tpu.memory_space<vmem_shared>> -> memref<10240x128xf32, #tpu.memory_space<vmem_shared>>
        tpu.enqueue_indirect_dma source(%arg9 : memref<128x128xf32, #tpu.memory_space<vmem>>) target(%dma_start3A_192 : memref<10240x128xf32, #tpu.memory_space<vmem_shared>>) offsets(%dma_start3A_189 : memref<128xi32, #tpu.memory_space<vmem>>) semaphore(%run_scoped3A_186 : memref<!tpu.dma_semaphore, #tpu.memory_space<semaphore_mem>>) {add = true}
        %dma_wait3A_193 = arith.constant 0 : i32
        %dma_wait3A_194 = tpu.memref_slice %arg8[%run_scoped3A_109, %dma_wait3A_193] : memref<8x128xi32, #tpu.memory_space<vmem>> -> memref<1x128xi32, #tpu.memory_space<vmem>>
        %dma_wait3A_195 = tpu.memref_squeeze %dma_wait3A_194 : memref<1x128xi32, #tpu.memory_space<vmem>> -> memref<128xi32, #tpu.memory_space<vmem>>
        %dma_wait3A_196 = arith.constant 0 : i32
        %dma_wait3A_197 = arith.constant 0 : i32
        %dma_wait3A_198 = tpu.memref_slice %arg12[%dma_wait3A_196, %dma_wait3A_197] : memref<10240x128xf32, #tpu.memory_space<vmem_shared>> -> memref<10240x128xf32, #tpu.memory_space<vmem_shared>>
        tpu.wait_indirect_dma semaphore(%run_scoped3A_186 : memref<!tpu.dma_semaphore, #tpu.memory_space<semaphore_mem>>) src(%arg9 : memref<128x128xf32, #tpu.memory_space<vmem>>) dst(%dma_wait3A_198 : memref<10240x128xf32, #tpu.memory_space<vmem_shared>>)
        tpu.yield
      }) : () -> ()
      %dma_start3A_110 = arith.constant 4 : i32
      %dma_start3A_111 = arith.constant 0 : i32
      %dma_start3A_112 = tpu.memref_slice %arg7[%dma_start3A_110, %dma_start3A_111] : memref<8x128xi32, #tpu.memory_space<vmem>> -> memref<1x128xi32, #tpu.memory_space<vmem>>
      %dma_start3A_113 = tpu.memref_squeeze %dma_start3A_112 : memref<1x128xi32, #tpu.memory_space<vmem>> -> memref<128xi32, #tpu.memory_space<vmem>>
      %dma_start3A_114 = arith.constant 0 : i32
      %dma_start3A_115 = arith.constant 0 : i32
      %dma_start3A_116 = tpu.memref_slice %arg2[%dma_start3A_114, %dma_start3A_115] : memref<10000x128xf32, #tpu.memory_space<hbm>> -> memref<10000x128xf32, #tpu.memory_space<hbm>>
      tpu.enqueue_indirect_dma source(%dma_start3A_116 : memref<10000x128xf32, #tpu.memory_space<hbm>>) target(%arg9 : memref<128x128xf32, #tpu.memory_space<vmem>>) offsets(%dma_start3A_113 : memref<128xi32, #tpu.memory_space<vmem>>) semaphore(%arg13 : memref<!tpu.dma_semaphore, #tpu.memory_space<semaphore_mem>>)
      %dma_wait3A_117 = arith.constant 3 : i32
      %dma_wait3A_118 = arith.constant 0 : i32
      %dma_wait3A_119 = tpu.memref_slice %arg7[%dma_wait3A_117, %dma_wait3A_118] : memref<8x128xi32, #tpu.memory_space<vmem>> -> memref<1x128xi32, #tpu.memory_space<vmem>>
      %dma_wait3A_120 = tpu.memref_squeeze %dma_wait3A_119 : memref<1x128xi32, #tpu.memory_space<vmem>> -> memref<128xi32, #tpu.memory_space<vmem>>
      %dma_wait3A_121 = arith.constant 0 : i32
      %dma_wait3A_122 = arith.constant 0 : i32
      %dma_wait3A_123 = tpu.memref_slice %arg2[%dma_wait3A_121, %dma_wait3A_122] : memref<10000x128xf32, #tpu.memory_space<hbm>> -> memref<10000x128xf32, #tpu.memory_space<hbm>>
      tpu.wait_indirect_dma semaphore(%arg14 : memref<!tpu.dma_semaphore, #tpu.memory_space<semaphore_mem>>) src(%dma_wait3A_123 : memref<10000x128xf32, #tpu.memory_space<hbm>>) dst(%arg10 : memref<128x128xf32, #tpu.memory_space<vmem>>)
      %run_scoped3A_124 = arith.constant 3 : i32
      "tpu.region"() ({
        %run_scoped3A_186 = tpu.sem_alloc : memref<!tpu.dma_semaphore, #tpu.memory_space<semaphore_mem>>
        %dma_start3A_187 = arith.constant 0 : i32
        %dma_start3A_188 = tpu.memref_slice %arg8[%run_scoped3A_124, %dma_start3A_187] : memref<8x128xi32, #tpu.memory_space<vmem>> -> memref<1x128xi32, #tpu.memory_space<vmem>>
        %dma_start3A_189 = tpu.memref_squeeze %dma_start3A_188 : memref<1x128xi32, #tpu.memory_space<vmem>> -> memref<128xi32, #tpu.memory_space<vmem>>
        %dma_start3A_190 = arith.constant 0 : i32
        %dma_start3A_191 = arith.constant 0 : i32
        %dma_start3A_192 = tpu.memref_slice %arg12[%dma_start3A_190, %dma_start3A_191] : memref<10240x128xf32, #tpu.memory_space<vmem_shared>> -> memref<10240x128xf32, #tpu.memory_space<vmem_shared>>
        tpu.enqueue_indirect_dma source(%arg10 : memref<128x128xf32, #tpu.memory_space<vmem>>) target(%dma_start3A_192 : memref<10240x128xf32, #tpu.memory_space<vmem_shared>>) offsets(%dma_start3A_189 : memref<128xi32, #tpu.memory_space<vmem>>) semaphore(%run_scoped3A_186 : memref<!tpu.dma_semaphore, #tpu.memory_space<semaphore_mem>>) {add = true}
        %dma_wait3A_193 = arith.constant 0 : i32
        %dma_wait3A_194 = tpu.memref_slice %arg8[%run_scoped3A_124, %dma_wait3A_193] : memref<8x128xi32, #tpu.memory_space<vmem>> -> memref<1x128xi32, #tpu.memory_space<vmem>>
        %dma_wait3A_195 = tpu.memref_squeeze %dma_wait3A_194 : memref<1x128xi32, #tpu.memory_space<vmem>> -> memref<128xi32, #tpu.memory_space<vmem>>
        %dma_wait3A_196 = arith.constant 0 : i32
        %dma_wait3A_197 = arith.constant 0 : i32
        %dma_wait3A_198 = tpu.memref_slice %arg12[%dma_wait3A_196, %dma_wait3A_197] : memref<10240x128xf32, #tpu.memory_space<vmem_shared>> -> memref<10240x128xf32, #tpu.memory_space<vmem_shared>>
        tpu.wait_indirect_dma semaphore(%run_scoped3A_186 : memref<!tpu.dma_semaphore, #tpu.memory_space<semaphore_mem>>) src(%arg10 : memref<128x128xf32, #tpu.memory_space<vmem>>) dst(%dma_wait3A_198 : memref<10240x128xf32, #tpu.memory_space<vmem_shared>>)
        tpu.yield
      }) : () -> ()
      %dma_start3A_125 = arith.constant 5 : i32
      %dma_start3A_126 = arith.constant 0 : i32
      %dma_start3A_127 = tpu.memref_slice %arg7[%dma_start3A_125, %dma_start3A_126] : memref<8x128xi32, #tpu.memory_space<vmem>> -> memref<1x128xi32, #tpu.memory_space<vmem>>
      %dma_start3A_128 = tpu.memref_squeeze %dma_start3A_127 : memref<1x128xi32, #tpu.memory_space<vmem>> -> memref<128xi32, #tpu.memory_space<vmem>>
      %dma_start3A_129 = arith.constant 0 : i32
      %dma_start3A_130 = arith.constant 0 : i32
      %dma_start3A_131 = tpu.memref_slice %arg2[%dma_start3A_129, %dma_start3A_130] : memref<10000x128xf32, #tpu.memory_space<hbm>> -> memref<10000x128xf32, #tpu.memory_space<hbm>>
      tpu.enqueue_indirect_dma source(%dma_start3A_131 : memref<10000x128xf32, #tpu.memory_space<hbm>>) target(%arg10 : memref<128x128xf32, #tpu.memory_space<vmem>>) offsets(%dma_start3A_128 : memref<128xi32, #tpu.memory_space<vmem>>) semaphore(%arg14 : memref<!tpu.dma_semaphore, #tpu.memory_space<semaphore_mem>>)
      %dma_wait3A_132 = arith.constant 4 : i32
      %dma_wait3A_133 = arith.constant 0 : i32
      %dma_wait3A_134 = tpu.memref_slice %arg7[%dma_wait3A_132, %dma_wait3A_133] : memref<8x128xi32, #tpu.memory_space<vmem>> -> memref<1x128xi32, #tpu.memory_space<vmem>>
      %dma_wait3A_135 = tpu.memref_squeeze %dma_wait3A_134 : memref<1x128xi32, #tpu.memory_space<vmem>> -> memref<128xi32, #tpu.memory_space<vmem>>
      %dma_wait3A_136 = arith.constant 0 : i32
      %dma_wait3A_137 = arith.constant 0 : i32
      %dma_wait3A_138 = tpu.memref_slice %arg2[%dma_wait3A_136, %dma_wait3A_137] : memref<10000x128xf32, #tpu.memory_space<hbm>> -> memref<10000x128xf32, #tpu.memory_space<hbm>>
      tpu.wait_indirect_dma semaphore(%arg13 : memref<!tpu.dma_semaphore, #tpu.memory_space<semaphore_mem>>) src(%dma_wait3A_138 : memref<10000x128xf32, #tpu.memory_space<hbm>>) dst(%arg9 : memref<128x128xf32, #tpu.memory_space<vmem>>)
      %run_scoped3A_139 = arith.constant 4 : i32
      "tpu.region"() ({
        %run_scoped3A_186 = tpu.sem_alloc : memref<!tpu.dma_semaphore, #tpu.memory_space<semaphore_mem>>
        %dma_start3A_187 = arith.constant 0 : i32
        %dma_start3A_188 = tpu.memref_slice %arg8[%run_scoped3A_139, %dma_start3A_187] : memref<8x128xi32, #tpu.memory_space<vmem>> -> memref<1x128xi32, #tpu.memory_space<vmem>>
        %dma_start3A_189 = tpu.memref_squeeze %dma_start3A_188 : memref<1x128xi32, #tpu.memory_space<vmem>> -> memref<128xi32, #tpu.memory_space<vmem>>
        %dma_start3A_190 = arith.constant 0 : i32
        %dma_start3A_191 = arith.constant 0 : i32
        %dma_start3A_192 = tpu.memref_slice %arg12[%dma_start3A_190, %dma_start3A_191] : memref<10240x128xf32, #tpu.memory_space<vmem_shared>> -> memref<10240x128xf32, #tpu.memory_space<vmem_shared>>
        tpu.enqueue_indirect_dma source(%arg9 : memref<128x128xf32, #tpu.memory_space<vmem>>) target(%dma_start3A_192 : memref<10240x128xf32, #tpu.memory_space<vmem_shared>>) offsets(%dma_start3A_189 : memref<128xi32, #tpu.memory_space<vmem>>) semaphore(%run_scoped3A_186 : memref<!tpu.dma_semaphore, #tpu.memory_space<semaphore_mem>>) {add = true}
        %dma_wait3A_193 = arith.constant 0 : i32
        %dma_wait3A_194 = tpu.memref_slice %arg8[%run_scoped3A_139, %dma_wait3A_193] : memref<8x128xi32, #tpu.memory_space<vmem>> -> memref<1x128xi32, #tpu.memory_space<vmem>>
        %dma_wait3A_195 = tpu.memref_squeeze %dma_wait3A_194 : memref<1x128xi32, #tpu.memory_space<vmem>> -> memref<128xi32, #tpu.memory_space<vmem>>
        %dma_wait3A_196 = arith.constant 0 : i32
        %dma_wait3A_197 = arith.constant 0 : i32
        %dma_wait3A_198 = tpu.memref_slice %arg12[%dma_wait3A_196, %dma_wait3A_197] : memref<10240x128xf32, #tpu.memory_space<vmem_shared>> -> memref<10240x128xf32, #tpu.memory_space<vmem_shared>>
        tpu.wait_indirect_dma semaphore(%run_scoped3A_186 : memref<!tpu.dma_semaphore, #tpu.memory_space<semaphore_mem>>) src(%arg9 : memref<128x128xf32, #tpu.memory_space<vmem>>) dst(%dma_wait3A_198 : memref<10240x128xf32, #tpu.memory_space<vmem_shared>>)
        tpu.yield
      }) : () -> ()
      %dma_start3A_140 = arith.constant 6 : i32
      %dma_start3A_141 = arith.constant 0 : i32
      %dma_start3A_142 = tpu.memref_slice %arg7[%dma_start3A_140, %dma_start3A_141] : memref<8x128xi32, #tpu.memory_space<vmem>> -> memref<1x128xi32, #tpu.memory_space<vmem>>
      %dma_start3A_143 = tpu.memref_squeeze %dma_start3A_142 : memref<1x128xi32, #tpu.memory_space<vmem>> -> memref<128xi32, #tpu.memory_space<vmem>>
      %dma_start3A_144 = arith.constant 0 : i32
      %dma_start3A_145 = arith.constant 0 : i32
      %dma_start3A_146 = tpu.memref_slice %arg2[%dma_start3A_144, %dma_start3A_145] : memref<10000x128xf32, #tpu.memory_space<hbm>> -> memref<10000x128xf32, #tpu.memory_space<hbm>>
      tpu.enqueue_indirect_dma source(%dma_start3A_146 : memref<10000x128xf32, #tpu.memory_space<hbm>>) target(%arg9 : memref<128x128xf32, #tpu.memory_space<vmem>>) offsets(%dma_start3A_143 : memref<128xi32, #tpu.memory_space<vmem>>) semaphore(%arg13 : memref<!tpu.dma_semaphore, #tpu.memory_space<semaphore_mem>>)
      %dma_wait3A_147 = arith.constant 5 : i32
      %dma_wait3A_148 = arith.constant 0 : i32
      %dma_wait3A_149 = tpu.memref_slice %arg7[%dma_wait3A_147, %dma_wait3A_148] : memref<8x128xi32, #tpu.memory_space<vmem>> -> memref<1x128xi32, #tpu.memory_space<vmem>>
      %dma_wait3A_150 = tpu.memref_squeeze %dma_wait3A_149 : memref<1x128xi32, #tpu.memory_space<vmem>> -> memref<128xi32, #tpu.memory_space<vmem>>
      %dma_wait3A_151 = arith.constant 0 : i32
      %dma_wait3A_152 = arith.constant 0 : i32
      %dma_wait3A_153 = tpu.memref_slice %arg2[%dma_wait3A_151, %dma_wait3A_152] : memref<10000x128xf32, #tpu.memory_space<hbm>> -> memref<10000x128xf32, #tpu.memory_space<hbm>>
      tpu.wait_indirect_dma semaphore(%arg14 : memref<!tpu.dma_semaphore, #tpu.memory_space<semaphore_mem>>) src(%dma_wait3A_153 : memref<10000x128xf32, #tpu.memory_space<hbm>>) dst(%arg10 : memref<128x128xf32, #tpu.memory_space<vmem>>)
      %run_scoped3A_154 = arith.constant 5 : i32
      "tpu.region"() ({
        %run_scoped3A_186 = tpu.sem_alloc : memref<!tpu.dma_semaphore, #tpu.memory_space<semaphore_mem>>
        %dma_start3A_187 = arith.constant 0 : i32
        %dma_start3A_188 = tpu.memref_slice %arg8[%run_scoped3A_154, %dma_start3A_187] : memref<8x128xi32, #tpu.memory_space<vmem>> -> memref<1x128xi32, #tpu.memory_space<vmem>>
        %dma_start3A_189 = tpu.memref_squeeze %dma_start3A_188 : memref<1x128xi32, #tpu.memory_space<vmem>> -> memref<128xi32, #tpu.memory_space<vmem>>
        %dma_start3A_190 = arith.constant 0 : i32
        %dma_start3A_191 = arith.constant 0 : i32
        %dma_start3A_192 = tpu.memref_slice %arg12[%dma_start3A_190, %dma_start3A_191] : memref<10240x128xf32, #tpu.memory_space<vmem_shared>> -> memref<10240x128xf32, #tpu.memory_space<vmem_shared>>
        tpu.enqueue_indirect_dma source(%arg10 : memref<128x128xf32, #tpu.memory_space<vmem>>) target(%dma_start3A_192 : memref<10240x128xf32, #tpu.memory_space<vmem_shared>>) offsets(%dma_start3A_189 : memref<128xi32, #tpu.memory_space<vmem>>) semaphore(%run_scoped3A_186 : memref<!tpu.dma_semaphore, #tpu.memory_space<semaphore_mem>>) {add = true}
        %dma_wait3A_193 = arith.constant 0 : i32
        %dma_wait3A_194 = tpu.memref_slice %arg8[%run_scoped3A_154, %dma_wait3A_193] : memref<8x128xi32, #tpu.memory_space<vmem>> -> memref<1x128xi32, #tpu.memory_space<vmem>>
        %dma_wait3A_195 = tpu.memref_squeeze %dma_wait3A_194 : memref<1x128xi32, #tpu.memory_space<vmem>> -> memref<128xi32, #tpu.memory_space<vmem>>
        %dma_wait3A_196 = arith.constant 0 : i32
        %dma_wait3A_197 = arith.constant 0 : i32
        %dma_wait3A_198 = tpu.memref_slice %arg12[%dma_wait3A_196, %dma_wait3A_197] : memref<10240x128xf32, #tpu.memory_space<vmem_shared>> -> memref<10240x128xf32, #tpu.memory_space<vmem_shared>>
        tpu.wait_indirect_dma semaphore(%run_scoped3A_186 : memref<!tpu.dma_semaphore, #tpu.memory_space<semaphore_mem>>) src(%arg10 : memref<128x128xf32, #tpu.memory_space<vmem>>) dst(%dma_wait3A_198 : memref<10240x128xf32, #tpu.memory_space<vmem_shared>>)
        tpu.yield
      }) : () -> ()
      %dma_start3A_155 = arith.constant 7 : i32
      %dma_start3A_156 = arith.constant 0 : i32
      %dma_start3A_157 = tpu.memref_slice %arg7[%dma_start3A_155, %dma_start3A_156] : memref<8x128xi32, #tpu.memory_space<vmem>> -> memref<1x128xi32, #tpu.memory_space<vmem>>
      %dma_start3A_158 = tpu.memref_squeeze %dma_start3A_157 : memref<1x128xi32, #tpu.memory_space<vmem>> -> memref<128xi32, #tpu.memory_space<vmem>>
      %dma_start3A_159 = arith.constant 0 : i32
      %dma_start3A_160 = arith.constant 0 : i32
      %dma_start3A_161 = tpu.memref_slice %arg2[%dma_start3A_159, %dma_start3A_160] : memref<10000x128xf32, #tpu.memory_space<hbm>> -> memref<10000x128xf32, #tpu.memory_space<hbm>>
      tpu.enqueue_indirect_dma source(%dma_start3A_161 : memref<10000x128xf32, #tpu.memory_space<hbm>>) target(%arg10 : memref<128x128xf32, #tpu.memory_space<vmem>>) offsets(%dma_start3A_158 : memref<128xi32, #tpu.memory_space<vmem>>) semaphore(%arg14 : memref<!tpu.dma_semaphore, #tpu.memory_space<semaphore_mem>>)
      %dma_wait3A_162 = arith.constant 6 : i32
      %dma_wait3A_163 = arith.constant 0 : i32
      %dma_wait3A_164 = tpu.memref_slice %arg7[%dma_wait3A_162, %dma_wait3A_163] : memref<8x128xi32, #tpu.memory_space<vmem>> -> memref<1x128xi32, #tpu.memory_space<vmem>>
      %dma_wait3A_165 = tpu.memref_squeeze %dma_wait3A_164 : memref<1x128xi32, #tpu.memory_space<vmem>> -> memref<128xi32, #tpu.memory_space<vmem>>
      %dma_wait3A_166 = arith.constant 0 : i32
      %dma_wait3A_167 = arith.constant 0 : i32
      %dma_wait3A_168 = tpu.memref_slice %arg2[%dma_wait3A_166, %dma_wait3A_167] : memref<10000x128xf32, #tpu.memory_space<hbm>> -> memref<10000x128xf32, #tpu.memory_space<hbm>>
      tpu.wait_indirect_dma semaphore(%arg13 : memref<!tpu.dma_semaphore, #tpu.memory_space<semaphore_mem>>) src(%dma_wait3A_168 : memref<10000x128xf32, #tpu.memory_space<hbm>>) dst(%arg9 : memref<128x128xf32, #tpu.memory_space<vmem>>)
      %run_scoped3A_169 = arith.constant 6 : i32
      "tpu.region"() ({
        %run_scoped3A_186 = tpu.sem_alloc : memref<!tpu.dma_semaphore, #tpu.memory_space<semaphore_mem>>
        %dma_start3A_187 = arith.constant 0 : i32
        %dma_start3A_188 = tpu.memref_slice %arg8[%run_scoped3A_169, %dma_start3A_187] : memref<8x128xi32, #tpu.memory_space<vmem>> -> memref<1x128xi32, #tpu.memory_space<vmem>>
        %dma_start3A_189 = tpu.memref_squeeze %dma_start3A_188 : memref<1x128xi32, #tpu.memory_space<vmem>> -> memref<128xi32, #tpu.memory_space<vmem>>
        %dma_start3A_190 = arith.constant 0 : i32
        %dma_start3A_191 = arith.constant 0 : i32
        %dma_start3A_192 = tpu.memref_slice %arg12[%dma_start3A_190, %dma_start3A_191] : memref<10240x128xf32, #tpu.memory_space<vmem_shared>> -> memref<10240x128xf32, #tpu.memory_space<vmem_shared>>
        tpu.enqueue_indirect_dma source(%arg9 : memref<128x128xf32, #tpu.memory_space<vmem>>) target(%dma_start3A_192 : memref<10240x128xf32, #tpu.memory_space<vmem_shared>>) offsets(%dma_start3A_189 : memref<128xi32, #tpu.memory_space<vmem>>) semaphore(%run_scoped3A_186 : memref<!tpu.dma_semaphore, #tpu.memory_space<semaphore_mem>>) {add = true}
        %dma_wait3A_193 = arith.constant 0 : i32
        %dma_wait3A_194 = tpu.memref_slice %arg8[%run_scoped3A_169, %dma_wait3A_193] : memref<8x128xi32, #tpu.memory_space<vmem>> -> memref<1x128xi32, #tpu.memory_space<vmem>>
        %dma_wait3A_195 = tpu.memref_squeeze %dma_wait3A_194 : memref<1x128xi32, #tpu.memory_space<vmem>> -> memref<128xi32, #tpu.memory_space<vmem>>
        %dma_wait3A_196 = arith.constant 0 : i32
        %dma_wait3A_197 = arith.constant 0 : i32
        %dma_wait3A_198 = tpu.memref_slice %arg12[%dma_wait3A_196, %dma_wait3A_197] : memref<10240x128xf32, #tpu.memory_space<vmem_shared>> -> memref<10240x128xf32, #tpu.memory_space<vmem_shared>>
        tpu.wait_indirect_dma semaphore(%run_scoped3A_186 : memref<!tpu.dma_semaphore, #tpu.memory_space<semaphore_mem>>) src(%arg9 : memref<128x128xf32, #tpu.memory_space<vmem>>) dst(%dma_wait3A_198 : memref<10240x128xf32, #tpu.memory_space<vmem_shared>>)
        tpu.yield
      }) : () -> ()
      %dma_wait3A_170 = arith.constant 7 : i32
      %dma_wait3A_171 = arith.constant 0 : i32
      %dma_wait3A_172 = tpu.memref_slice %arg7[%dma_wait3A_170, %dma_wait3A_171] : memref<8x128xi32, #tpu.memory_space<vmem>> -> memref<1x128xi32, #tpu.memory_space<vmem>>
      %dma_wait3A_173 = tpu.memref_squeeze %dma_wait3A_172 : memref<1x128xi32, #tpu.memory_space<vmem>> -> memref<128xi32, #tpu.memory_space<vmem>>
      %dma_wait3A_174 = arith.constant 0 : i32
      %dma_wait3A_175 = arith.constant 0 : i32
      %dma_wait3A_176 = tpu.memref_slice %arg2[%dma_wait3A_174, %dma_wait3A_175] : memref<10000x128xf32, #tpu.memory_space<hbm>> -> memref<10000x128xf32, #tpu.memory_space<hbm>>
      tpu.wait_indirect_dma semaphore(%arg14 : memref<!tpu.dma_semaphore, #tpu.memory_space<semaphore_mem>>) src(%dma_wait3A_176 : memref<10000x128xf32, #tpu.memory_space<hbm>>) dst(%arg10 : memref<128x128xf32, #tpu.memory_space<vmem>>)
      %run_scoped3A_177 = arith.constant 7 : i32
      "tpu.region"() ({
        %run_scoped3A_186 = tpu.sem_alloc : memref<!tpu.dma_semaphore, #tpu.memory_space<semaphore_mem>>
        %dma_start3A_187 = arith.constant 0 : i32
        %dma_start3A_188 = tpu.memref_slice %arg8[%run_scoped3A_177, %dma_start3A_187] : memref<8x128xi32, #tpu.memory_space<vmem>> -> memref<1x128xi32, #tpu.memory_space<vmem>>
        %dma_start3A_189 = tpu.memref_squeeze %dma_start3A_188 : memref<1x128xi32, #tpu.memory_space<vmem>> -> memref<128xi32, #tpu.memory_space<vmem>>
        %dma_start3A_190 = arith.constant 0 : i32
        %dma_start3A_191 = arith.constant 0 : i32
        %dma_start3A_192 = tpu.memref_slice %arg12[%dma_start3A_190, %dma_start3A_191] : memref<10240x128xf32, #tpu.memory_space<vmem_shared>> -> memref<10240x128xf32, #tpu.memory_space<vmem_shared>>
        tpu.enqueue_indirect_dma source(%arg10 : memref<128x128xf32, #tpu.memory_space<vmem>>) target(%dma_start3A_192 : memref<10240x128xf32, #tpu.memory_space<vmem_shared>>) offsets(%dma_start3A_189 : memref<128xi32, #tpu.memory_space<vmem>>) semaphore(%run_scoped3A_186 : memref<!tpu.dma_semaphore, #tpu.memory_space<semaphore_mem>>) {add = true}
        %dma_wait3A_193 = arith.constant 0 : i32
        %dma_wait3A_194 = tpu.memref_slice %arg8[%run_scoped3A_177, %dma_wait3A_193] : memref<8x128xi32, #tpu.memory_space<vmem>> -> memref<1x128xi32, #tpu.memory_space<vmem>>
        %dma_wait3A_195 = tpu.memref_squeeze %dma_wait3A_194 : memref<1x128xi32, #tpu.memory_space<vmem>> -> memref<128xi32, #tpu.memory_space<vmem>>
        %dma_wait3A_196 = arith.constant 0 : i32
        %dma_wait3A_197 = arith.constant 0 : i32
        %dma_wait3A_198 = tpu.memref_slice %arg12[%dma_wait3A_196, %dma_wait3A_197] : memref<10240x128xf32, #tpu.memory_space<vmem_shared>> -> memref<10240x128xf32, #tpu.memory_space<vmem_shared>>
        tpu.wait_indirect_dma semaphore(%run_scoped3A_186 : memref<!tpu.dma_semaphore, #tpu.memory_space<semaphore_mem>>) src(%arg10 : memref<128x128xf32, #tpu.memory_space<vmem>>) dst(%dma_wait3A_198 : memref<10240x128xf32, #tpu.memory_space<vmem_shared>>)
        tpu.yield
      }) : () -> ()
      %scan3A_178 = arith.constant 0 : i32
      %scan3A_179 = arith.constant 0 : i32
      %scan3A_180 = arith.constant 64 : i32
      %scan3A_181 = arith.addi %scan3A_179, %scan3A_180 : i32
      %scan3A_182 = arith.constant 1 : i32
      %scan3A_183 = scf.for %scan3A_186 = %scan3A_179 to %scan3A_181 step %scan3A_182 iter_args(%scan3A_187 = %scan3A_178) -> (i32)  : i32 {
        %jit3A = arith.constant 8 : i32
        %div3A = arith.divsi %scan3A_186, %jit3A : i32
        %sign3A = arith.constant 0 : i32
        %sign3A_188 = arith.cmpi sgt, %scan3A_186, %sign3A : i32
        %sign3A_189 = arith.extui %sign3A_188 : i1 to i32
        %sign3A_190 = arith.constant 0 : i32
        %sign3A_191 = arith.cmpi slt, %scan3A_186, %sign3A_190 : i32
        %sign3A_192 = arith.extui %sign3A_191 : i1 to i32
        %sign3A_193 = arith.subi %sign3A_189, %sign3A_192 : i32
        %sign3A_194 = arith.constant 0 : i32
        %sign3A_195 = arith.cmpi sgt, %jit3A, %sign3A_194 : i32
        %sign3A_196 = arith.extui %sign3A_195 : i1 to i32
        %sign3A_197 = arith.constant 0 : i32
        %sign3A_198 = arith.cmpi slt, %jit3A, %sign3A_197 : i32
        %sign3A_199 = arith.extui %sign3A_198 : i1 to i32
        %sign3A_200 = arith.subi %sign3A_196, %sign3A_199 : i32
        %ne3A = arith.cmpi ne, %sign3A_193, %sign3A_200 : i32
        %rem3A = arith.remsi %scan3A_186, %jit3A : i32
        %ne3A_201 = arith.constant 0 : i32
        %ne3A_202 = arith.cmpi ne, %rem3A, %ne3A_201 : i32
        %and3A = arith.andi %ne3A, %ne3A_202 : i1
        %sub3A = arith.constant 1 : i32
        %sub3A_203 = arith.subi %div3A, %sub3A : i32
        %select_n3A = arith.select %and3A, %sub3A_203, %div3A : i32
        %jit3A_204 = arith.constant 8 : i32
        %eq3A = arith.constant 0 : i32
        %eq3A_205 = arith.cmpi eq, %jit3A_204, %eq3A : i32
        %jit3A_206 = arith.constant 1 : i32
        %select_n3A_207 = arith.select %eq3A_205, %jit3A_206, %jit3A_204 : i32
        %rem3A_208 = arith.remsi %scan3A_186, %select_n3A_207 : i32
        %ne3A_209 = arith.constant 0 : i32
        %ne3A_210 = arith.cmpi ne, %rem3A_208, %ne3A_209 : i32
        %lt3A = arith.constant 0 : i32
        %lt3A_211 = arith.cmpi slt, %rem3A_208, %lt3A : i32
        %lt3A_212 = arith.constant 0 : i32
        %lt3A_213 = arith.cmpi slt, %select_n3A_207, %lt3A_212 : i32
        %ne3A_214 = arith.xori %lt3A_211, %lt3A_213 : i1
        %and3A_215 = arith.andi %ne3A_214, %ne3A_210 : i1
        %add3A_216 = arith.addi %rem3A_208, %select_n3A_207 : i32
        %select_n3A_217 = arith.select %and3A_215, %add3A_216, %rem3A_208 : i32
        %mul3A_218 = arith.constant 16 : i32
        %mul3A_219 = arith.muli %select_n3A_217, %mul3A_218 : i32
        %get3A = arith.index_cast %select_n3A : i32 to index
        %get3A_220 = arith.index_cast %mul3A_219 : i32 to index
        %get3A_221 = tpu.vector_load %arg8[%get3A, %get3A_220] {strides = array<i32>} : memref<8x128xi32, #tpu.memory_space<vmem>>, vector<1x16xi32>,
        %get3A_222 = vector.shape_cast %get3A_221 : vector<1x16xi32> to vector<16xi32>
        %slice3A = vector.extract_strided_slice %get3A_222 {offsets = [0], sizes = [1], strides = [1]} : vector<16xi32> to vector<1xi32>
        %squeeze3A = vector.extract %slice3A[0] : i32 from vector<1xi32>
        %jit3A_223 = arith.constant 16 : i32
        %div3A_224 = arith.divsi %squeeze3A, %jit3A_223 : i32
        %sign3A_225 = arith.constant 0 : i32
        %sign3A_226 = arith.cmpi sgt, %squeeze3A, %sign3A_225 : i32
        %sign3A_227 = arith.extui %sign3A_226 : i1 to i32
        %sign3A_228 = arith.constant 0 : i32
        %sign3A_229 = arith.cmpi slt, %squeeze3A, %sign3A_228 : i32
        %sign3A_230 = arith.extui %sign3A_229 : i1 to i32
        %sign3A_231 = arith.subi %sign3A_227, %sign3A_230 : i32
        %sign3A_232 = arith.constant 0 : i32
        %sign3A_233 = arith.cmpi sgt, %jit3A_223, %sign3A_232 : i32
        %sign3A_234 = arith.extui %sign3A_233 : i1 to i32
        %sign3A_235 = arith.constant 0 : i32
        %sign3A_236 = arith.cmpi slt, %jit3A_223, %sign3A_235 : i32
        %sign3A_237 = arith.extui %sign3A_236 : i1 to i32
        %sign3A_238 = arith.subi %sign3A_234, %sign3A_237 : i32
        %ne3A_239 = arith.cmpi ne, %sign3A_231, %sign3A_238 : i32
        %rem3A_240 = arith.remsi %squeeze3A, %jit3A_223 : i32
        %ne3A_241 = arith.constant 0 : i32
        %ne3A_242 = arith.cmpi ne, %rem3A_240, %ne3A_241 : i32
        %and3A_243 = arith.andi %ne3A_239, %ne3A_242 : i1
        %sub3A_244 = arith.constant 1 : i32
        %sub3A_245 = arith.subi %div3A_224, %sub3A_244 : i32
        %select_n3A_246 = arith.select %and3A_243, %sub3A_245, %div3A_224 : i32
        %mul3A_247 = arith.constant 16 : i32
        %mul3A_248 = arith.muli %select_n3A_246, %mul3A_247 : i32
        %get3A_249 = arith.index_cast %mul3A_248 : i32 to index
        %get3A_250 = tpu.vector_load %arg11[%get3A_249] {strides = array<i32>} : memref<10240xf32, #tpu.memory_space<vmem>>, vector<16xf32>,
        %get3A_251 = vector.shape_cast %get3A_250 : vector<16xf32> to vector<16xf32>
        %sub3A_252 = arith.subi %squeeze3A, %mul3A_248 : i32
        %eq3A_253 = vector.broadcast %sub3A_252 : i32 to vector<16xi32>
        %eq3A_254 = arith.cmpi eq, %iota3A, %eq3A_253 : vector<16xi32>
        %jit3A_255 = arith.constant 1.000000e+00 : f32
        %jit3A_256 = arith.constant 0.000000e+00 : f32
        %broadcast_in_dim3A_257 = vector.broadcast %jit3A_255 : f32 to vector<16xf32>
        %broadcast_in_dim3A_258 = vector.broadcast %jit3A_256 : f32 to vector<16xf32>
        %select_n3A_259 = arith.select %eq3A_254, %broadcast_in_dim3A_257, %broadcast_in_dim3A_258 : vector<16xi1>, vector<16xf32>
        %add3A_260 = arith.addf %get3A_251, %select_n3A_259 : vector<16xf32>
        %swap3A = arith.index_cast %mul3A_248 : i32 to index
        %swap3A_261 = tpu.vector_load %arg11[%swap3A] {strides = array<i32>} : memref<10240xf32, #tpu.memory_space<vmem>>, vector<16xf32>,
        %swap3A_262 = vector.shape_cast %swap3A_261 : vector<16xf32> to vector<16xf32>
        %swap3A_263 = vector.shape_cast %add3A_260 : vector<16xf32> to vector<16xf32>
        tpu.vector_store %arg11[%swap3A], %swap3A_263 {strides = array<i32>} : memref<10240xf32, #tpu.memory_space<vmem>>, vector<16xf32>,
        %slice3A_264 = vector.extract_strided_slice %get3A_222 {offsets = [1], sizes = [1], strides = [1]} : vector<16xi32> to vector<1xi32>
        %squeeze3A_265 = vector.extract %slice3A_264[0] : i32 from vector<1xi32>
        %jit3A_266 = arith.constant 16 : i32
        %div3A_267 = arith.divsi %squeeze3A_265, %jit3A_266 : i32
        %sign3A_268 = arith.constant 0 : i32
        %sign3A_269 = arith.cmpi sgt, %squeeze3A_265, %sign3A_268 : i32
        %sign3A_270 = arith.extui %sign3A_269 : i1 to i32
        %sign3A_271 = arith.constant 0 : i32
        %sign3A_272 = arith.cmpi slt, %squeeze3A_265, %sign3A_271 : i32
        %sign3A_273 = arith.extui %sign3A_272 : i1 to i32
        %sign3A_274 = arith.subi %sign3A_270, %sign3A_273 : i32
        %sign3A_275 = arith.constant 0 : i32
        %sign3A_276 = arith.cmpi sgt, %jit3A_266, %sign3A_275 : i32
        %sign3A_277 = arith.extui %sign3A_276 : i1 to i32
        %sign3A_278 = arith.constant 0 : i32
        %sign3A_279 = arith.cmpi slt, %jit3A_266, %sign3A_278 : i32
        %sign3A_280 = arith.extui %sign3A_279 : i1 to i32
        %sign3A_281 = arith.subi %sign3A_277, %sign3A_280 : i32
        %ne3A_282 = arith.cmpi ne, %sign3A_274, %sign3A_281 : i32
        %rem3A_283 = arith.remsi %squeeze3A_265, %jit3A_266 : i32
        %ne3A_284 = arith.constant 0 : i32
        %ne3A_285 = arith.cmpi ne, %rem3A_283, %ne3A_284 : i32
        %and3A_286 = arith.andi %ne3A_282, %ne3A_285 : i1
        %sub3A_287 = arith.constant 1 : i32
        %sub3A_288 = arith.subi %div3A_267, %sub3A_287 : i32
        %select_n3A_289 = arith.select %and3A_286, %sub3A_288, %div3A_267 : i32
        %mul3A_290 = arith.constant 16 : i32
        %mul3A_291 = arith.muli %select_n3A_289, %mul3A_290 : i32
        %get3A_292 = arith.index_cast %mul3A_291 : i32 to index
        %get3A_293 = tpu.vector_load %arg11[%get3A_292] {strides = array<i32>} : memref<10240xf32, #tpu.memory_space<vmem>>, vector<16xf32>,
        %get3A_294 = vector.shape_cast %get3A_293 : vector<16xf32> to vector<16xf32>
        %sub3A_295 = arith.subi %squeeze3A_265, %mul3A_291 : i32
        %eq3A_296 = vector.broadcast %sub3A_295 : i32 to vector<16xi32>
        %eq3A_297 = arith.cmpi eq, %iota3A, %eq3A_296 : vector<16xi32>
        %jit3A_298 = arith.constant 1.000000e+00 : f32
        %jit3A_299 = arith.constant 0.000000e+00 : f32
        %broadcast_in_dim3A_300 = vector.broadcast %jit3A_298 : f32 to vector<16xf32>
        %broadcast_in_dim3A_301 = vector.broadcast %jit3A_299 : f32 to vector<16xf32>
        %select_n3A_302 = arith.select %eq3A_297, %broadcast_in_dim3A_300, %broadcast_in_dim3A_301 : vector<16xi1>, vector<16xf32>
        %add3A_303 = arith.addf %get3A_294, %select_n3A_302 : vector<16xf32>
        %swap3A_304 = arith.index_cast %mul3A_291 : i32 to index
        %swap3A_305 = tpu.vector_load %arg11[%swap3A_304] {strides = array<i32>} : memref<10240xf32, #tpu.memory_space<vmem>>, vector<16xf32>,
        %swap3A_306 = vector.shape_cast %swap3A_305 : vector<16xf32> to vector<16xf32>
        %swap3A_307 = vector.shape_cast %add3A_303 : vector<16xf32> to vector<16xf32>
        tpu.vector_store %arg11[%swap3A_304], %swap3A_307 {strides = array<i32>} : memref<10240xf32, #tpu.memory_space<vmem>>, vector<16xf32>,
        %slice3A_308 = vector.extract_strided_slice %get3A_222 {offsets = [2], sizes = [1], strides = [1]} : vector<16xi32> to vector<1xi32>
        %squeeze3A_309 = vector.extract %slice3A_308[0] : i32 from vector<1xi32>
        %jit3A_310 = arith.constant 16 : i32
        %div3A_311 = arith.divsi %squeeze3A_309, %jit3A_310 : i32
        %sign3A_312 = arith.constant 0 : i32
        %sign3A_313 = arith.cmpi sgt, %squeeze3A_309, %sign3A_312 : i32
        %sign3A_314 = arith.extui %sign3A_313 : i1 to i32
        %sign3A_315 = arith.constant 0 : i32
        %sign3A_316 = arith.cmpi slt, %squeeze3A_309, %sign3A_315 : i32
        %sign3A_317 = arith.extui %sign3A_316 : i1 to i32
        %sign3A_318 = arith.subi %sign3A_314, %sign3A_317 : i32
        %sign3A_319 = arith.constant 0 : i32
        %sign3A_320 = arith.cmpi sgt, %jit3A_310, %sign3A_319 : i32
        %sign3A_321 = arith.extui %sign3A_320 : i1 to i32
        %sign3A_322 = arith.constant 0 : i32
        %sign3A_323 = arith.cmpi slt, %jit3A_310, %sign3A_322 : i32
        %sign3A_324 = arith.extui %sign3A_323 : i1 to i32
        %sign3A_325 = arith.subi %sign3A_321, %sign3A_324 : i32
        %ne3A_326 = arith.cmpi ne, %sign3A_318, %sign3A_325 : i32
        %rem3A_327 = arith.remsi %squeeze3A_309, %jit3A_310 : i32
        %ne3A_328 = arith.constant 0 : i32
        %ne3A_329 = arith.cmpi ne, %rem3A_327, %ne3A_328 : i32
        %and3A_330 = arith.andi %ne3A_326, %ne3A_329 : i1
        %sub3A_331 = arith.constant 1 : i32
        %sub3A_332 = arith.subi %div3A_311, %sub3A_331 : i32
        %select_n3A_333 = arith.select %and3A_330, %sub3A_332, %div3A_311 : i32
        %mul3A_334 = arith.constant 16 : i32
        %mul3A_335 = arith.muli %select_n3A_333, %mul3A_334 : i32
        %get3A_336 = arith.index_cast %mul3A_335 : i32 to index
        %get3A_337 = tpu.vector_load %arg11[%get3A_336] {strides = array<i32>} : memref<10240xf32, #tpu.memory_space<vmem>>, vector<16xf32>,
        %get3A_338 = vector.shape_cast %get3A_337 : vector<16xf32> to vector<16xf32>
        %sub3A_339 = arith.subi %squeeze3A_309, %mul3A_335 : i32
        %eq3A_340 = vector.broadcast %sub3A_339 : i32 to vector<16xi32>
        %eq3A_341 = arith.cmpi eq, %iota3A, %eq3A_340 : vector<16xi32>
        %jit3A_342 = arith.constant 1.000000e+00 : f32
        %jit3A_343 = arith.constant 0.000000e+00 : f32
        %broadcast_in_dim3A_344 = vector.broadcast %jit3A_342 : f32 to vector<16xf32>
        %broadcast_in_dim3A_345 = vector.broadcast %jit3A_343 : f32 to vector<16xf32>
        %select_n3A_346 = arith.select %eq3A_341, %broadcast_in_dim3A_344, %broadcast_in_dim3A_345 : vector<16xi1>, vector<16xf32>
        %add3A_347 = arith.addf %get3A_338, %select_n3A_346 : vector<16xf32>
        %swap3A_348 = arith.index_cast %mul3A_335 : i32 to index
        %swap3A_349 = tpu.vector_load %arg11[%swap3A_348] {strides = array<i32>} : memref<10240xf32, #tpu.memory_space<vmem>>, vector<16xf32>,
        %swap3A_350 = vector.shape_cast %swap3A_349 : vector<16xf32> to vector<16xf32>
        %swap3A_351 = vector.shape_cast %add3A_347 : vector<16xf32> to vector<16xf32>
        tpu.vector_store %arg11[%swap3A_348], %swap3A_351 {strides = array<i32>} : memref<10240xf32, #tpu.memory_space<vmem>>, vector<16xf32>,
        %slice3A_352 = vector.extract_strided_slice %get3A_222 {offsets = [3], sizes = [1], strides = [1]} : vector<16xi32> to vector<1xi32>
        %squeeze3A_353 = vector.extract %slice3A_352[0] : i32 from vector<1xi32>
        %jit3A_354 = arith.constant 16 : i32
        %div3A_355 = arith.divsi %squeeze3A_353, %jit3A_354 : i32
        %sign3A_356 = arith.constant 0 : i32
        %sign3A_357 = arith.cmpi sgt, %squeeze3A_353, %sign3A_356 : i32
        %sign3A_358 = arith.extui %sign3A_357 : i1 to i32
        %sign3A_359 = arith.constant 0 : i32
        %sign3A_360 = arith.cmpi slt, %squeeze3A_353, %sign3A_359 : i32
        %sign3A_361 = arith.extui %sign3A_360 : i1 to i32
        %sign3A_362 = arith.subi %sign3A_358, %sign3A_361 : i32
        %sign3A_363 = arith.constant 0 : i32
        %sign3A_364 = arith.cmpi sgt, %jit3A_354, %sign3A_363 : i32
        %sign3A_365 = arith.extui %sign3A_364 : i1 to i32
        %sign3A_366 = arith.constant 0 : i32
        %sign3A_367 = arith.cmpi slt, %jit3A_354, %sign3A_366 : i32
        %sign3A_368 = arith.extui %sign3A_367 : i1 to i32
        %sign3A_369 = arith.subi %sign3A_365, %sign3A_368 : i32
        %ne3A_370 = arith.cmpi ne, %sign3A_362, %sign3A_369 : i32
        %rem3A_371 = arith.remsi %squeeze3A_353, %jit3A_354 : i32
        %ne3A_372 = arith.constant 0 : i32
        %ne3A_373 = arith.cmpi ne, %rem3A_371, %ne3A_372 : i32
        %and3A_374 = arith.andi %ne3A_370, %ne3A_373 : i1
        %sub3A_375 = arith.constant 1 : i32
        %sub3A_376 = arith.subi %div3A_355, %sub3A_375 : i32
        %select_n3A_377 = arith.select %and3A_374, %sub3A_376, %div3A_355 : i32
        %mul3A_378 = arith.constant 16 : i32
        %mul3A_379 = arith.muli %select_n3A_377, %mul3A_378 : i32
        %get3A_380 = arith.index_cast %mul3A_379 : i32 to index
        %get3A_381 = tpu.vector_load %arg11[%get3A_380] {strides = array<i32>} : memref<10240xf32, #tpu.memory_space<vmem>>, vector<16xf32>,
        %get3A_382 = vector.shape_cast %get3A_381 : vector<16xf32> to vector<16xf32>
        %sub3A_383 = arith.subi %squeeze3A_353, %mul3A_379 : i32
        %eq3A_384 = vector.broadcast %sub3A_383 : i32 to vector<16xi32>
        %eq3A_385 = arith.cmpi eq, %iota3A, %eq3A_384 : vector<16xi32>
        %jit3A_386 = arith.constant 1.000000e+00 : f32
        %jit3A_387 = arith.constant 0.000000e+00 : f32
        %broadcast_in_dim3A_388 = vector.broadcast %jit3A_386 : f32 to vector<16xf32>
        %broadcast_in_dim3A_389 = vector.broadcast %jit3A_387 : f32 to vector<16xf32>
        %select_n3A_390 = arith.select %eq3A_385, %broadcast_in_dim3A_388, %broadcast_in_dim3A_389 : vector<16xi1>, vector<16xf32>
        %add3A_391 = arith.addf %get3A_382, %select_n3A_390 : vector<16xf32>
        %swap3A_392 = arith.index_cast %mul3A_379 : i32 to index
        %swap3A_393 = tpu.vector_load %arg11[%swap3A_392] {strides = array<i32>} : memref<10240xf32, #tpu.memory_space<vmem>>, vector<16xf32>,
        %swap3A_394 = vector.shape_cast %swap3A_393 : vector<16xf32> to vector<16xf32>
        %swap3A_395 = vector.shape_cast %add3A_391 : vector<16xf32> to vector<16xf32>
        tpu.vector_store %arg11[%swap3A_392], %swap3A_395 {strides = array<i32>} : memref<10240xf32, #tpu.memory_space<vmem>>, vector<16xf32>,
        %slice3A_396 = vector.extract_strided_slice %get3A_222 {offsets = [4], sizes = [1], strides = [1]} : vector<16xi32> to vector<1xi32>
        %squeeze3A_397 = vector.extract %slice3A_396[0] : i32 from vector<1xi32>
        %jit3A_398 = arith.constant 16 : i32
        %div3A_399 = arith.divsi %squeeze3A_397, %jit3A_398 : i32
        %sign3A_400 = arith.constant 0 : i32
        %sign3A_401 = arith.cmpi sgt, %squeeze3A_397, %sign3A_400 : i32
        %sign3A_402 = arith.extui %sign3A_401 : i1 to i32
        %sign3A_403 = arith.constant 0 : i32
        %sign3A_404 = arith.cmpi slt, %squeeze3A_397, %sign3A_403 : i32
        %sign3A_405 = arith.extui %sign3A_404 : i1 to i32
        %sign3A_406 = arith.subi %sign3A_402, %sign3A_405 : i32
        %sign3A_407 = arith.constant 0 : i32
        %sign3A_408 = arith.cmpi sgt, %jit3A_398, %sign3A_407 : i32
        %sign3A_409 = arith.extui %sign3A_408 : i1 to i32
        %sign3A_410 = arith.constant 0 : i32
        %sign3A_411 = arith.cmpi slt, %jit3A_398, %sign3A_410 : i32
        %sign3A_412 = arith.extui %sign3A_411 : i1 to i32
        %sign3A_413 = arith.subi %sign3A_409, %sign3A_412 : i32
        %ne3A_414 = arith.cmpi ne, %sign3A_406, %sign3A_413 : i32
        %rem3A_415 = arith.remsi %squeeze3A_397, %jit3A_398 : i32
        %ne3A_416 = arith.constant 0 : i32
        %ne3A_417 = arith.cmpi ne, %rem3A_415, %ne3A_416 : i32
        %and3A_418 = arith.andi %ne3A_414, %ne3A_417 : i1
        %sub3A_419 = arith.constant 1 : i32
        %sub3A_420 = arith.subi %div3A_399, %sub3A_419 : i32
        %select_n3A_421 = arith.select %and3A_418, %sub3A_420, %div3A_399 : i32
        %mul3A_422 = arith.constant 16 : i32
        %mul3A_423 = arith.muli %select_n3A_421, %mul3A_422 : i32
        %get3A_424 = arith.index_cast %mul3A_423 : i32 to index
        %get3A_425 = tpu.vector_load %arg11[%get3A_424] {strides = array<i32>} : memref<10240xf32, #tpu.memory_space<vmem>>, vector<16xf32>,
        %get3A_426 = vector.shape_cast %get3A_425 : vector<16xf32> to vector<16xf32>
        %sub3A_427 = arith.subi %squeeze3A_397, %mul3A_423 : i32
        %eq3A_428 = vector.broadcast %sub3A_427 : i32 to vector<16xi32>
        %eq3A_429 = arith.cmpi eq, %iota3A, %eq3A_428 : vector<16xi32>
        %jit3A_430 = arith.constant 1.000000e+00 : f32
        %jit3A_431 = arith.constant 0.000000e+00 : f32
        %broadcast_in_dim3A_432 = vector.broadcast %jit3A_430 : f32 to vector<16xf32>
        %broadcast_in_dim3A_433 = vector.broadcast %jit3A_431 : f32 to vector<16xf32>
        %select_n3A_434 = arith.select %eq3A_429, %broadcast_in_dim3A_432, %broadcast_in_dim3A_433 : vector<16xi1>, vector<16xf32>
        %add3A_435 = arith.addf %get3A_426, %select_n3A_434 : vector<16xf32>
        %swap3A_436 = arith.index_cast %mul3A_423 : i32 to index
        %swap3A_437 = tpu.vector_load %arg11[%swap3A_436] {strides = array<i32>} : memref<10240xf32, #tpu.memory_space<vmem>>, vector<16xf32>,
        %swap3A_438 = vector.shape_cast %swap3A_437 : vector<16xf32> to vector<16xf32>
        %swap3A_439 = vector.shape_cast %add3A_435 : vector<16xf32> to vector<16xf32>
        tpu.vector_store %arg11[%swap3A_436], %swap3A_439 {strides = array<i32>} : memref<10240xf32, #tpu.memory_space<vmem>>, vector<16xf32>,
        %slice3A_440 = vector.extract_strided_slice %get3A_222 {offsets = [5], sizes = [1], strides = [1]} : vector<16xi32> to vector<1xi32>
        %squeeze3A_441 = vector.extract %slice3A_440[0] : i32 from vector<1xi32>
        %jit3A_442 = arith.constant 16 : i32
        %div3A_443 = arith.divsi %squeeze3A_441, %jit3A_442 : i32
        %sign3A_444 = arith.constant 0 : i32
        %sign3A_445 = arith.cmpi sgt, %squeeze3A_441, %sign3A_444 : i32
        %sign3A_446 = arith.extui %sign3A_445 : i1 to i32
        %sign3A_447 = arith.constant 0 : i32
        %sign3A_448 = arith.cmpi slt, %squeeze3A_441, %sign3A_447 : i32
        %sign3A_449 = arith.extui %sign3A_448 : i1 to i32
        %sign3A_450 = arith.subi %sign3A_446, %sign3A_449 : i32
        %sign3A_451 = arith.constant 0 : i32
        %sign3A_452 = arith.cmpi sgt, %jit3A_442, %sign3A_451 : i32
        %sign3A_453 = arith.extui %sign3A_452 : i1 to i32
        %sign3A_454 = arith.constant 0 : i32
        %sign3A_455 = arith.cmpi slt, %jit3A_442, %sign3A_454 : i32
        %sign3A_456 = arith.extui %sign3A_455 : i1 to i32
        %sign3A_457 = arith.subi %sign3A_453, %sign3A_456 : i32
        %ne3A_458 = arith.cmpi ne, %sign3A_450, %sign3A_457 : i32
        %rem3A_459 = arith.remsi %squeeze3A_441, %jit3A_442 : i32
        %ne3A_460 = arith.constant 0 : i32
        %ne3A_461 = arith.cmpi ne, %rem3A_459, %ne3A_460 : i32
        %and3A_462 = arith.andi %ne3A_458, %ne3A_461 : i1
        %sub3A_463 = arith.constant 1 : i32
        %sub3A_464 = arith.subi %div3A_443, %sub3A_463 : i32
        %select_n3A_465 = arith.select %and3A_462, %sub3A_464, %div3A_443 : i32
        %mul3A_466 = arith.constant 16 : i32
        %mul3A_467 = arith.muli %select_n3A_465, %mul3A_466 : i32
        %get3A_468 = arith.index_cast %mul3A_467 : i32 to index
        %get3A_469 = tpu.vector_load %arg11[%get3A_468] {strides = array<i32>} : memref<10240xf32, #tpu.memory_space<vmem>>, vector<16xf32>,
        %get3A_470 = vector.shape_cast %get3A_469 : vector<16xf32> to vector<16xf32>
        %sub3A_471 = arith.subi %squeeze3A_441, %mul3A_467 : i32
        %eq3A_472 = vector.broadcast %sub3A_471 : i32 to vector<16xi32>
        %eq3A_473 = arith.cmpi eq, %iota3A, %eq3A_472 : vector<16xi32>
        %jit3A_474 = arith.constant 1.000000e+00 : f32
        %jit3A_475 = arith.constant 0.000000e+00 : f32
        %broadcast_in_dim3A_476 = vector.broadcast %jit3A_474 : f32 to vector<16xf32>
        %broadcast_in_dim3A_477 = vector.broadcast %jit3A_475 : f32 to vector<16xf32>
        %select_n3A_478 = arith.select %eq3A_473, %broadcast_in_dim3A_476, %broadcast_in_dim3A_477 : vector<16xi1>, vector<16xf32>
        %add3A_479 = arith.addf %get3A_470, %select_n3A_478 : vector<16xf32>
        %swap3A_480 = arith.index_cast %mul3A_467 : i32 to index
        %swap3A_481 = tpu.vector_load %arg11[%swap3A_480] {strides = array<i32>} : memref<10240xf32, #tpu.memory_space<vmem>>, vector<16xf32>,
        %swap3A_482 = vector.shape_cast %swap3A_481 : vector<16xf32> to vector<16xf32>
        %swap3A_483 = vector.shape_cast %add3A_479 : vector<16xf32> to vector<16xf32>
        tpu.vector_store %arg11[%swap3A_480], %swap3A_483 {strides = array<i32>} : memref<10240xf32, #tpu.memory_space<vmem>>, vector<16xf32>,
        %slice3A_484 = vector.extract_strided_slice %get3A_222 {offsets = [6], sizes = [1], strides = [1]} : vector<16xi32> to vector<1xi32>
        %squeeze3A_485 = vector.extract %slice3A_484[0] : i32 from vector<1xi32>
        %jit3A_486 = arith.constant 16 : i32
        %div3A_487 = arith.divsi %squeeze3A_485, %jit3A_486 : i32
        %sign3A_488 = arith.constant 0 : i32
        %sign3A_489 = arith.cmpi sgt, %squeeze3A_485, %sign3A_488 : i32
        %sign3A_490 = arith.extui %sign3A_489 : i1 to i32
        %sign3A_491 = arith.constant 0 : i32
        %sign3A_492 = arith.cmpi slt, %squeeze3A_485, %sign3A_491 : i32
        %sign3A_493 = arith.extui %sign3A_492 : i1 to i32
        %sign3A_494 = arith.subi %sign3A_490, %sign3A_493 : i32
        %sign3A_495 = arith.constant 0 : i32
        %sign3A_496 = arith.cmpi sgt, %jit3A_486, %sign3A_495 : i32
        %sign3A_497 = arith.extui %sign3A_496 : i1 to i32
        %sign3A_498 = arith.constant 0 : i32
        %sign3A_499 = arith.cmpi slt, %jit3A_486, %sign3A_498 : i32
        %sign3A_500 = arith.extui %sign3A_499 : i1 to i32
        %sign3A_501 = arith.subi %sign3A_497, %sign3A_500 : i32
        %ne3A_502 = arith.cmpi ne, %sign3A_494, %sign3A_501 : i32
        %rem3A_503 = arith.remsi %squeeze3A_485, %jit3A_486 : i32
        %ne3A_504 = arith.constant 0 : i32
        %ne3A_505 = arith.cmpi ne, %rem3A_503, %ne3A_504 : i32
        %and3A_506 = arith.andi %ne3A_502, %ne3A_505 : i1
        %sub3A_507 = arith.constant 1 : i32
        %sub3A_508 = arith.subi %div3A_487, %sub3A_507 : i32
        %select_n3A_509 = arith.select %and3A_506, %sub3A_508, %div3A_487 : i32
        %mul3A_510 = arith.constant 16 : i32
        %mul3A_511 = arith.muli %select_n3A_509, %mul3A_510 : i32
        %get3A_512 = arith.index_cast %mul3A_511 : i32 to index
        %get3A_513 = tpu.vector_load %arg11[%get3A_512] {strides = array<i32>} : memref<10240xf32, #tpu.memory_space<vmem>>, vector<16xf32>,
        %get3A_514 = vector.shape_cast %get3A_513 : vector<16xf32> to vector<16xf32>
        %sub3A_515 = arith.subi %squeeze3A_485, %mul3A_511 : i32
        %eq3A_516 = vector.broadcast %sub3A_515 : i32 to vector<16xi32>
        %eq3A_517 = arith.cmpi eq, %iota3A, %eq3A_516 : vector<16xi32>
        %jit3A_518 = arith.constant 1.000000e+00 : f32
        %jit3A_519 = arith.constant 0.000000e+00 : f32
        %broadcast_in_dim3A_520 = vector.broadcast %jit3A_518 : f32 to vector<16xf32>
        %broadcast_in_dim3A_521 = vector.broadcast %jit3A_519 : f32 to vector<16xf32>
        %select_n3A_522 = arith.select %eq3A_517, %broadcast_in_dim3A_520, %broadcast_in_dim3A_521 : vector<16xi1>, vector<16xf32>
        %add3A_523 = arith.addf %get3A_514, %select_n3A_522 : vector<16xf32>
        %swap3A_524 = arith.index_cast %mul3A_511 : i32 to index
        %swap3A_525 = tpu.vector_load %arg11[%swap3A_524] {strides = array<i32>} : memref<10240xf32, #tpu.memory_space<vmem>>, vector<16xf32>,
        %swap3A_526 = vector.shape_cast %swap3A_525 : vector<16xf32> to vector<16xf32>
        %swap3A_527 = vector.shape_cast %add3A_523 : vector<16xf32> to vector<16xf32>
        tpu.vector_store %arg11[%swap3A_524], %swap3A_527 {strides = array<i32>} : memref<10240xf32, #tpu.memory_space<vmem>>, vector<16xf32>,
        %slice3A_528 = vector.extract_strided_slice %get3A_222 {offsets = [7], sizes = [1], strides = [1]} : vector<16xi32> to vector<1xi32>
        %squeeze3A_529 = vector.extract %slice3A_528[0] : i32 from vector<1xi32>
        %jit3A_530 = arith.constant 16 : i32
        %div3A_531 = arith.divsi %squeeze3A_529, %jit3A_530 : i32
        %sign3A_532 = arith.constant 0 : i32
        %sign3A_533 = arith.cmpi sgt, %squeeze3A_529, %sign3A_532 : i32
        %sign3A_534 = arith.extui %sign3A_533 : i1 to i32
        %sign3A_535 = arith.constant 0 : i32
        %sign3A_536 = arith.cmpi slt, %squeeze3A_529, %sign3A_535 : i32
        %sign3A_537 = arith.extui %sign3A_536 : i1 to i32
        %sign3A_538 = arith.subi %sign3A_534, %sign3A_537 : i32
        %sign3A_539 = arith.constant 0 : i32
        %sign3A_540 = arith.cmpi sgt, %jit3A_530, %sign3A_539 : i32
        %sign3A_541 = arith.extui %sign3A_540 : i1 to i32
        %sign3A_542 = arith.constant 0 : i32
        %sign3A_543 = arith.cmpi slt, %jit3A_530, %sign3A_542 : i32
        %sign3A_544 = arith.extui %sign3A_543 : i1 to i32
        %sign3A_545 = arith.subi %sign3A_541, %sign3A_544 : i32
        %ne3A_546 = arith.cmpi ne, %sign3A_538, %sign3A_545 : i32
        %rem3A_547 = arith.remsi %squeeze3A_529, %jit3A_530 : i32
        %ne3A_548 = arith.constant 0 : i32
        %ne3A_549 = arith.cmpi ne, %rem3A_547, %ne3A_548 : i32
        %and3A_550 = arith.andi %ne3A_546, %ne3A_549 : i1
        %sub3A_551 = arith.constant 1 : i32
        %sub3A_552 = arith.subi %div3A_531, %sub3A_551 : i32
        %select_n3A_553 = arith.select %and3A_550, %sub3A_552, %div3A_531 : i32
        %mul3A_554 = arith.constant 16 : i32
        %mul3A_555 = arith.muli %select_n3A_553, %mul3A_554 : i32
        %get3A_556 = arith.index_cast %mul3A_555 : i32 to index
        %get3A_557 = tpu.vector_load %arg11[%get3A_556] {strides = array<i32>} : memref<10240xf32, #tpu.memory_space<vmem>>, vector<16xf32>,
        %get3A_558 = vector.shape_cast %get3A_557 : vector<16xf32> to vector<16xf32>
        %sub3A_559 = arith.subi %squeeze3A_529, %mul3A_555 : i32
        %eq3A_560 = vector.broadcast %sub3A_559 : i32 to vector<16xi32>
        %eq3A_561 = arith.cmpi eq, %iota3A, %eq3A_560 : vector<16xi32>
        %jit3A_562 = arith.constant 1.000000e+00 : f32
        %jit3A_563 = arith.constant 0.000000e+00 : f32
        %broadcast_in_dim3A_564 = vector.broadcast %jit3A_562 : f32 to vector<16xf32>
        %broadcast_in_dim3A_565 = vector.broadcast %jit3A_563 : f32 to vector<16xf32>
        %select_n3A_566 = arith.select %eq3A_561, %broadcast_in_dim3A_564, %broadcast_in_dim3A_565 : vector<16xi1>, vector<16xf32>
        %add3A_567 = arith.addf %get3A_558, %select_n3A_566 : vector<16xf32>
        %swap3A_568 = arith.index_cast %mul3A_555 : i32 to index
        %swap3A_569 = tpu.vector_load %arg11[%swap3A_568] {strides = array<i32>} : memref<10240xf32, #tpu.memory_space<vmem>>, vector<16xf32>,
        %swap3A_570 = vector.shape_cast %swap3A_569 : vector<16xf32> to vector<16xf32>
        %swap3A_571 = vector.shape_cast %add3A_567 : vector<16xf32> to vector<16xf32>
        tpu.vector_store %arg11[%swap3A_568], %swap3A_571 {strides = array<i32>} : memref<10240xf32, #tpu.memory_space<vmem>>, vector<16xf32>,
        %slice3A_572 = vector.extract_strided_slice %get3A_222 {offsets = [8], sizes = [1], strides = [1]} : vector<16xi32> to vector<1xi32>
        %squeeze3A_573 = vector.extract %slice3A_572[0] : i32 from vector<1xi32>
        %jit3A_574 = arith.constant 16 : i32
        %div3A_575 = arith.divsi %squeeze3A_573, %jit3A_574 : i32
        %sign3A_576 = arith.constant 0 : i32
        %sign3A_577 = arith.cmpi sgt, %squeeze3A_573, %sign3A_576 : i32
        %sign3A_578 = arith.extui %sign3A_577 : i1 to i32
        %sign3A_579 = arith.constant 0 : i32
        %sign3A_580 = arith.cmpi slt, %squeeze3A_573, %sign3A_579 : i32
        %sign3A_581 = arith.extui %sign3A_580 : i1 to i32
        %sign3A_582 = arith.subi %sign3A_578, %sign3A_581 : i32
        %sign3A_583 = arith.constant 0 : i32
        %sign3A_584 = arith.cmpi sgt, %jit3A_574, %sign3A_583 : i32
        %sign3A_585 = arith.extui %sign3A_584 : i1 to i32
        %sign3A_586 = arith.constant 0 : i32
        %sign3A_587 = arith.cmpi slt, %jit3A_574, %sign3A_586 : i32
        %sign3A_588 = arith.extui %sign3A_587 : i1 to i32
        %sign3A_589 = arith.subi %sign3A_585, %sign3A_588 : i32
        %ne3A_590 = arith.cmpi ne, %sign3A_582, %sign3A_589 : i32
        %rem3A_591 = arith.remsi %squeeze3A_573, %jit3A_574 : i32
        %ne3A_592 = arith.constant 0 : i32
        %ne3A_593 = arith.cmpi ne, %rem3A_591, %ne3A_592 : i32
        %and3A_594 = arith.andi %ne3A_590, %ne3A_593 : i1
        %sub3A_595 = arith.constant 1 : i32
        %sub3A_596 = arith.subi %div3A_575, %sub3A_595 : i32
        %select_n3A_597 = arith.select %and3A_594, %sub3A_596, %div3A_575 : i32
        %mul3A_598 = arith.constant 16 : i32
        %mul3A_599 = arith.muli %select_n3A_597, %mul3A_598 : i32
        %get3A_600 = arith.index_cast %mul3A_599 : i32 to index
        %get3A_601 = tpu.vector_load %arg11[%get3A_600] {strides = array<i32>} : memref<10240xf32, #tpu.memory_space<vmem>>, vector<16xf32>,
        %get3A_602 = vector.shape_cast %get3A_601 : vector<16xf32> to vector<16xf32>
        %sub3A_603 = arith.subi %squeeze3A_573, %mul3A_599 : i32
        %eq3A_604 = vector.broadcast %sub3A_603 : i32 to vector<16xi32>
        %eq3A_605 = arith.cmpi eq, %iota3A, %eq3A_604 : vector<16xi32>
        %jit3A_606 = arith.constant 1.000000e+00 : f32
        %jit3A_607 = arith.constant 0.000000e+00 : f32
        %broadcast_in_dim3A_608 = vector.broadcast %jit3A_606 : f32 to vector<16xf32>
        %broadcast_in_dim3A_609 = vector.broadcast %jit3A_607 : f32 to vector<16xf32>
        %select_n3A_610 = arith.select %eq3A_605, %broadcast_in_dim3A_608, %broadcast_in_dim3A_609 : vector<16xi1>, vector<16xf32>
        %add3A_611 = arith.addf %get3A_602, %select_n3A_610 : vector<16xf32>
        %swap3A_612 = arith.index_cast %mul3A_599 : i32 to index
        %swap3A_613 = tpu.vector_load %arg11[%swap3A_612] {strides = array<i32>} : memref<10240xf32, #tpu.memory_space<vmem>>, vector<16xf32>,
        %swap3A_614 = vector.shape_cast %swap3A_613 : vector<16xf32> to vector<16xf32>
        %swap3A_615 = vector.shape_cast %add3A_611 : vector<16xf32> to vector<16xf32>
        tpu.vector_store %arg11[%swap3A_612], %swap3A_615 {strides = array<i32>} : memref<10240xf32, #tpu.memory_space<vmem>>, vector<16xf32>,
        %slice3A_616 = vector.extract_strided_slice %get3A_222 {offsets = [9], sizes = [1], strides = [1]} : vector<16xi32> to vector<1xi32>
        %squeeze3A_617 = vector.extract %slice3A_616[0] : i32 from vector<1xi32>
        %jit3A_618 = arith.constant 16 : i32
        %div3A_619 = arith.divsi %squeeze3A_617, %jit3A_618 : i32
        %sign3A_620 = arith.constant 0 : i32
        %sign3A_621 = arith.cmpi sgt, %squeeze3A_617, %sign3A_620 : i32
        %sign3A_622 = arith.extui %sign3A_621 : i1 to i32
        %sign3A_623 = arith.constant 0 : i32
        %sign3A_624 = arith.cmpi slt, %squeeze3A_617, %sign3A_623 : i32
        %sign3A_625 = arith.extui %sign3A_624 : i1 to i32
        %sign3A_626 = arith.subi %sign3A_622, %sign3A_625 : i32
        %sign3A_627 = arith.constant 0 : i32
        %sign3A_628 = arith.cmpi sgt, %jit3A_618, %sign3A_627 : i32
        %sign3A_629 = arith.extui %sign3A_628 : i1 to i32
        %sign3A_630 = arith.constant 0 : i32
        %sign3A_631 = arith.cmpi slt, %jit3A_618, %sign3A_630 : i32
        %sign3A_632 = arith.extui %sign3A_631 : i1 to i32
        %sign3A_633 = arith.subi %sign3A_629, %sign3A_632 : i32
        %ne3A_634 = arith.cmpi ne, %sign3A_626, %sign3A_633 : i32
        %rem3A_635 = arith.remsi %squeeze3A_617, %jit3A_618 : i32
        %ne3A_636 = arith.constant 0 : i32
        %ne3A_637 = arith.cmpi ne, %rem3A_635, %ne3A_636 : i32
        %and3A_638 = arith.andi %ne3A_634, %ne3A_637 : i1
        %sub3A_639 = arith.constant 1 : i32
        %sub3A_640 = arith.subi %div3A_619, %sub3A_639 : i32
        %select_n3A_641 = arith.select %and3A_638, %sub3A_640, %div3A_619 : i32
        %mul3A_642 = arith.constant 16 : i32
        %mul3A_643 = arith.muli %select_n3A_641, %mul3A_642 : i32
        %get3A_644 = arith.index_cast %mul3A_643 : i32 to index
        %get3A_645 = tpu.vector_load %arg11[%get3A_644] {strides = array<i32>} : memref<10240xf32, #tpu.memory_space<vmem>>, vector<16xf32>,
        %get3A_646 = vector.shape_cast %get3A_645 : vector<16xf32> to vector<16xf32>
        %sub3A_647 = arith.subi %squeeze3A_617, %mul3A_643 : i32
        %eq3A_648 = vector.broadcast %sub3A_647 : i32 to vector<16xi32>
        %eq3A_649 = arith.cmpi eq, %iota3A, %eq3A_648 : vector<16xi32>
        %jit3A_650 = arith.constant 1.000000e+00 : f32
        %jit3A_651 = arith.constant 0.000000e+00 : f32
        %broadcast_in_dim3A_652 = vector.broadcast %jit3A_650 : f32 to vector<16xf32>
        %broadcast_in_dim3A_653 = vector.broadcast %jit3A_651 : f32 to vector<16xf32>
        %select_n3A_654 = arith.select %eq3A_649, %broadcast_in_dim3A_652, %broadcast_in_dim3A_653 : vector<16xi1>, vector<16xf32>
        %add3A_655 = arith.addf %get3A_646, %select_n3A_654 : vector<16xf32>
        %swap3A_656 = arith.index_cast %mul3A_643 : i32 to index
        %swap3A_657 = tpu.vector_load %arg11[%swap3A_656] {strides = array<i32>} : memref<10240xf32, #tpu.memory_space<vmem>>, vector<16xf32>,
        %swap3A_658 = vector.shape_cast %swap3A_657 : vector<16xf32> to vector<16xf32>
        %swap3A_659 = vector.shape_cast %add3A_655 : vector<16xf32> to vector<16xf32>
        tpu.vector_store %arg11[%swap3A_656], %swap3A_659 {strides = array<i32>} : memref<10240xf32, #tpu.memory_space<vmem>>, vector<16xf32>,
        %slice3A_660 = vector.extract_strided_slice %get3A_222 {offsets = [10], sizes = [1], strides = [1]} : vector<16xi32> to vector<1xi32>
        %squeeze3A_661 = vector.extract %slice3A_660[0] : i32 from vector<1xi32>
        %jit3A_662 = arith.constant 16 : i32
        %div3A_663 = arith.divsi %squeeze3A_661, %jit3A_662 : i32
        %sign3A_664 = arith.constant 0 : i32
        %sign3A_665 = arith.cmpi sgt, %squeeze3A_661, %sign3A_664 : i32
        %sign3A_666 = arith.extui %sign3A_665 : i1 to i32
        %sign3A_667 = arith.constant 0 : i32
        %sign3A_668 = arith.cmpi slt, %squeeze3A_661, %sign3A_667 : i32
        %sign3A_669 = arith.extui %sign3A_668 : i1 to i32
        %sign3A_670 = arith.subi %sign3A_666, %sign3A_669 : i32
        %sign3A_671 = arith.constant 0 : i32
        %sign3A_672 = arith.cmpi sgt, %jit3A_662, %sign3A_671 : i32
        %sign3A_673 = arith.extui %sign3A_672 : i1 to i32
        %sign3A_674 = arith.constant 0 : i32
        %sign3A_675 = arith.cmpi slt, %jit3A_662, %sign3A_674 : i32
        %sign3A_676 = arith.extui %sign3A_675 : i1 to i32
        %sign3A_677 = arith.subi %sign3A_673, %sign3A_676 : i32
        %ne3A_678 = arith.cmpi ne, %sign3A_670, %sign3A_677 : i32
        %rem3A_679 = arith.remsi %squeeze3A_661, %jit3A_662 : i32
        %ne3A_680 = arith.constant 0 : i32
        %ne3A_681 = arith.cmpi ne, %rem3A_679, %ne3A_680 : i32
        %and3A_682 = arith.andi %ne3A_678, %ne3A_681 : i1
        %sub3A_683 = arith.constant 1 : i32
        %sub3A_684 = arith.subi %div3A_663, %sub3A_683 : i32
        %select_n3A_685 = arith.select %and3A_682, %sub3A_684, %div3A_663 : i32
        %mul3A_686 = arith.constant 16 : i32
        %mul3A_687 = arith.muli %select_n3A_685, %mul3A_686 : i32
        %get3A_688 = arith.index_cast %mul3A_687 : i32 to index
        %get3A_689 = tpu.vector_load %arg11[%get3A_688] {strides = array<i32>} : memref<10240xf32, #tpu.memory_space<vmem>>, vector<16xf32>,
        %get3A_690 = vector.shape_cast %get3A_689 : vector<16xf32> to vector<16xf32>
        %sub3A_691 = arith.subi %squeeze3A_661, %mul3A_687 : i32
        %eq3A_692 = vector.broadcast %sub3A_691 : i32 to vector<16xi32>
        %eq3A_693 = arith.cmpi eq, %iota3A, %eq3A_692 : vector<16xi32>
        %jit3A_694 = arith.constant 1.000000e+00 : f32
        %jit3A_695 = arith.constant 0.000000e+00 : f32
        %broadcast_in_dim3A_696 = vector.broadcast %jit3A_694 : f32 to vector<16xf32>
        %broadcast_in_dim3A_697 = vector.broadcast %jit3A_695 : f32 to vector<16xf32>
        %select_n3A_698 = arith.select %eq3A_693, %broadcast_in_dim3A_696, %broadcast_in_dim3A_697 : vector<16xi1>, vector<16xf32>
        %add3A_699 = arith.addf %get3A_690, %select_n3A_698 : vector<16xf32>
        %swap3A_700 = arith.index_cast %mul3A_687 : i32 to index
        %swap3A_701 = tpu.vector_load %arg11[%swap3A_700] {strides = array<i32>} : memref<10240xf32, #tpu.memory_space<vmem>>, vector<16xf32>,
        %swap3A_702 = vector.shape_cast %swap3A_701 : vector<16xf32> to vector<16xf32>
        %swap3A_703 = vector.shape_cast %add3A_699 : vector<16xf32> to vector<16xf32>
        tpu.vector_store %arg11[%swap3A_700], %swap3A_703 {strides = array<i32>} : memref<10240xf32, #tpu.memory_space<vmem>>, vector<16xf32>,
        %slice3A_704 = vector.extract_strided_slice %get3A_222 {offsets = [11], sizes = [1], strides = [1]} : vector<16xi32> to vector<1xi32>
        %squeeze3A_705 = vector.extract %slice3A_704[0] : i32 from vector<1xi32>
        %jit3A_706 = arith.constant 16 : i32
        %div3A_707 = arith.divsi %squeeze3A_705, %jit3A_706 : i32
        %sign3A_708 = arith.constant 0 : i32
        %sign3A_709 = arith.cmpi sgt, %squeeze3A_705, %sign3A_708 : i32
        %sign3A_710 = arith.extui %sign3A_709 : i1 to i32
        %sign3A_711 = arith.constant 0 : i32
        %sign3A_712 = arith.cmpi slt, %squeeze3A_705, %sign3A_711 : i32
        %sign3A_713 = arith.extui %sign3A_712 : i1 to i32
        %sign3A_714 = arith.subi %sign3A_710, %sign3A_713 : i32
        %sign3A_715 = arith.constant 0 : i32
        %sign3A_716 = arith.cmpi sgt, %jit3A_706, %sign3A_715 : i32
        %sign3A_717 = arith.extui %sign3A_716 : i1 to i32
        %sign3A_718 = arith.constant 0 : i32
        %sign3A_719 = arith.cmpi slt, %jit3A_706, %sign3A_718 : i32
        %sign3A_720 = arith.extui %sign3A_719 : i1 to i32
        %sign3A_721 = arith.subi %sign3A_717, %sign3A_720 : i32
        %ne3A_722 = arith.cmpi ne, %sign3A_714, %sign3A_721 : i32
        %rem3A_723 = arith.remsi %squeeze3A_705, %jit3A_706 : i32
        %ne3A_724 = arith.constant 0 : i32
        %ne3A_725 = arith.cmpi ne, %rem3A_723, %ne3A_724 : i32
        %and3A_726 = arith.andi %ne3A_722, %ne3A_725 : i1
        %sub3A_727 = arith.constant 1 : i32
        %sub3A_728 = arith.subi %div3A_707, %sub3A_727 : i32
        %select_n3A_729 = arith.select %and3A_726, %sub3A_728, %div3A_707 : i32
        %mul3A_730 = arith.constant 16 : i32
        %mul3A_731 = arith.muli %select_n3A_729, %mul3A_730 : i32
        %get3A_732 = arith.index_cast %mul3A_731 : i32 to index
        %get3A_733 = tpu.vector_load %arg11[%get3A_732] {strides = array<i32>} : memref<10240xf32, #tpu.memory_space<vmem>>, vector<16xf32>,
        %get3A_734 = vector.shape_cast %get3A_733 : vector<16xf32> to vector<16xf32>
        %sub3A_735 = arith.subi %squeeze3A_705, %mul3A_731 : i32
        %eq3A_736 = vector.broadcast %sub3A_735 : i32 to vector<16xi32>
        %eq3A_737 = arith.cmpi eq, %iota3A, %eq3A_736 : vector<16xi32>
        %jit3A_738 = arith.constant 1.000000e+00 : f32
        %jit3A_739 = arith.constant 0.000000e+00 : f32
        %broadcast_in_dim3A_740 = vector.broadcast %jit3A_738 : f32 to vector<16xf32>
        %broadcast_in_dim3A_741 = vector.broadcast %jit3A_739 : f32 to vector<16xf32>
        %select_n3A_742 = arith.select %eq3A_737, %broadcast_in_dim3A_740, %broadcast_in_dim3A_741 : vector<16xi1>, vector<16xf32>
        %add3A_743 = arith.addf %get3A_734, %select_n3A_742 : vector<16xf32>
        %swap3A_744 = arith.index_cast %mul3A_731 : i32 to index
        %swap3A_745 = tpu.vector_load %arg11[%swap3A_744] {strides = array<i32>} : memref<10240xf32, #tpu.memory_space<vmem>>, vector<16xf32>,
        %swap3A_746 = vector.shape_cast %swap3A_745 : vector<16xf32> to vector<16xf32>
        %swap3A_747 = vector.shape_cast %add3A_743 : vector<16xf32> to vector<16xf32>
        tpu.vector_store %arg11[%swap3A_744], %swap3A_747 {strides = array<i32>} : memref<10240xf32, #tpu.memory_space<vmem>>, vector<16xf32>,
        %slice3A_748 = vector.extract_strided_slice %get3A_222 {offsets = [12], sizes = [1], strides = [1]} : vector<16xi32> to vector<1xi32>
        %squeeze3A_749 = vector.extract %slice3A_748[0] : i32 from vector<1xi32>
        %jit3A_750 = arith.constant 16 : i32
        %div3A_751 = arith.divsi %squeeze3A_749, %jit3A_750 : i32
        %sign3A_752 = arith.constant 0 : i32
        %sign3A_753 = arith.cmpi sgt, %squeeze3A_749, %sign3A_752 : i32
        %sign3A_754 = arith.extui %sign3A_753 : i1 to i32
        %sign3A_755 = arith.constant 0 : i32
        %sign3A_756 = arith.cmpi slt, %squeeze3A_749, %sign3A_755 : i32
        %sign3A_757 = arith.extui %sign3A_756 : i1 to i32
        %sign3A_758 = arith.subi %sign3A_754, %sign3A_757 : i32
        %sign3A_759 = arith.constant 0 : i32
        %sign3A_760 = arith.cmpi sgt, %jit3A_750, %sign3A_759 : i32
        %sign3A_761 = arith.extui %sign3A_760 : i1 to i32
        %sign3A_762 = arith.constant 0 : i32
        %sign3A_763 = arith.cmpi slt, %jit3A_750, %sign3A_762 : i32
        %sign3A_764 = arith.extui %sign3A_763 : i1 to i32
        %sign3A_765 = arith.subi %sign3A_761, %sign3A_764 : i32
        %ne3A_766 = arith.cmpi ne, %sign3A_758, %sign3A_765 : i32
        %rem3A_767 = arith.remsi %squeeze3A_749, %jit3A_750 : i32
        %ne3A_768 = arith.constant 0 : i32
        %ne3A_769 = arith.cmpi ne, %rem3A_767, %ne3A_768 : i32
        %and3A_770 = arith.andi %ne3A_766, %ne3A_769 : i1
        %sub3A_771 = arith.constant 1 : i32
        %sub3A_772 = arith.subi %div3A_751, %sub3A_771 : i32
        %select_n3A_773 = arith.select %and3A_770, %sub3A_772, %div3A_751 : i32
        %mul3A_774 = arith.constant 16 : i32
        %mul3A_775 = arith.muli %select_n3A_773, %mul3A_774 : i32
        %get3A_776 = arith.index_cast %mul3A_775 : i32 to index
        %get3A_777 = tpu.vector_load %arg11[%get3A_776] {strides = array<i32>} : memref<10240xf32, #tpu.memory_space<vmem>>, vector<16xf32>,
        %get3A_778 = vector.shape_cast %get3A_777 : vector<16xf32> to vector<16xf32>
        %sub3A_779 = arith.subi %squeeze3A_749, %mul3A_775 : i32
        %eq3A_780 = vector.broadcast %sub3A_779 : i32 to vector<16xi32>
        %eq3A_781 = arith.cmpi eq, %iota3A, %eq3A_780 : vector<16xi32>
        %jit3A_782 = arith.constant 1.000000e+00 : f32
        %jit3A_783 = arith.constant 0.000000e+00 : f32
        %broadcast_in_dim3A_784 = vector.broadcast %jit3A_782 : f32 to vector<16xf32>
        %broadcast_in_dim3A_785 = vector.broadcast %jit3A_783 : f32 to vector<16xf32>
        %select_n3A_786 = arith.select %eq3A_781, %broadcast_in_dim3A_784, %broadcast_in_dim3A_785 : vector<16xi1>, vector<16xf32>
        %add3A_787 = arith.addf %get3A_778, %select_n3A_786 : vector<16xf32>
        %swap3A_788 = arith.index_cast %mul3A_775 : i32 to index
        %swap3A_789 = tpu.vector_load %arg11[%swap3A_788] {strides = array<i32>} : memref<10240xf32, #tpu.memory_space<vmem>>, vector<16xf32>,
        %swap3A_790 = vector.shape_cast %swap3A_789 : vector<16xf32> to vector<16xf32>
        %swap3A_791 = vector.shape_cast %add3A_787 : vector<16xf32> to vector<16xf32>
        tpu.vector_store %arg11[%swap3A_788], %swap3A_791 {strides = array<i32>} : memref<10240xf32, #tpu.memory_space<vmem>>, vector<16xf32>,
        %slice3A_792 = vector.extract_strided_slice %get3A_222 {offsets = [13], sizes = [1], strides = [1]} : vector<16xi32> to vector<1xi32>
        %squeeze3A_793 = vector.extract %slice3A_792[0] : i32 from vector<1xi32>
        %jit3A_794 = arith.constant 16 : i32
        %div3A_795 = arith.divsi %squeeze3A_793, %jit3A_794 : i32
        %sign3A_796 = arith.constant 0 : i32
        %sign3A_797 = arith.cmpi sgt, %squeeze3A_793, %sign3A_796 : i32
        %sign3A_798 = arith.extui %sign3A_797 : i1 to i32
        %sign3A_799 = arith.constant 0 : i32
        %sign3A_800 = arith.cmpi slt, %squeeze3A_793, %sign3A_799 : i32
        %sign3A_801 = arith.extui %sign3A_800 : i1 to i32
        %sign3A_802 = arith.subi %sign3A_798, %sign3A_801 : i32
        %sign3A_803 = arith.constant 0 : i32
        %sign3A_804 = arith.cmpi sgt, %jit3A_794, %sign3A_803 : i32
        %sign3A_805 = arith.extui %sign3A_804 : i1 to i32
        %sign3A_806 = arith.constant 0 : i32
        %sign3A_807 = arith.cmpi slt, %jit3A_794, %sign3A_806 : i32
        %sign3A_808 = arith.extui %sign3A_807 : i1 to i32
        %sign3A_809 = arith.subi %sign3A_805, %sign3A_808 : i32
        %ne3A_810 = arith.cmpi ne, %sign3A_802, %sign3A_809 : i32
        %rem3A_811 = arith.remsi %squeeze3A_793, %jit3A_794 : i32
        %ne3A_812 = arith.constant 0 : i32
        %ne3A_813 = arith.cmpi ne, %rem3A_811, %ne3A_812 : i32
        %and3A_814 = arith.andi %ne3A_810, %ne3A_813 : i1
        %sub3A_815 = arith.constant 1 : i32
        %sub3A_816 = arith.subi %div3A_795, %sub3A_815 : i32
        %select_n3A_817 = arith.select %and3A_814, %sub3A_816, %div3A_795 : i32
        %mul3A_818 = arith.constant 16 : i32
        %mul3A_819 = arith.muli %select_n3A_817, %mul3A_818 : i32
        %get3A_820 = arith.index_cast %mul3A_819 : i32 to index
        %get3A_821 = tpu.vector_load %arg11[%get3A_820] {strides = array<i32>} : memref<10240xf32, #tpu.memory_space<vmem>>, vector<16xf32>,
        %get3A_822 = vector.shape_cast %get3A_821 : vector<16xf32> to vector<16xf32>
        %sub3A_823 = arith.subi %squeeze3A_793, %mul3A_819 : i32
        %eq3A_824 = vector.broadcast %sub3A_823 : i32 to vector<16xi32>
        %eq3A_825 = arith.cmpi eq, %iota3A, %eq3A_824 : vector<16xi32>
        %jit3A_826 = arith.constant 1.000000e+00 : f32
        %jit3A_827 = arith.constant 0.000000e+00 : f32
        %broadcast_in_dim3A_828 = vector.broadcast %jit3A_826 : f32 to vector<16xf32>
        %broadcast_in_dim3A_829 = vector.broadcast %jit3A_827 : f32 to vector<16xf32>
        %select_n3A_830 = arith.select %eq3A_825, %broadcast_in_dim3A_828, %broadcast_in_dim3A_829 : vector<16xi1>, vector<16xf32>
        %add3A_831 = arith.addf %get3A_822, %select_n3A_830 : vector<16xf32>
        %swap3A_832 = arith.index_cast %mul3A_819 : i32 to index
        %swap3A_833 = tpu.vector_load %arg11[%swap3A_832] {strides = array<i32>} : memref<10240xf32, #tpu.memory_space<vmem>>, vector<16xf32>,
        %swap3A_834 = vector.shape_cast %swap3A_833 : vector<16xf32> to vector<16xf32>
        %swap3A_835 = vector.shape_cast %add3A_831 : vector<16xf32> to vector<16xf32>
        tpu.vector_store %arg11[%swap3A_832], %swap3A_835 {strides = array<i32>} : memref<10240xf32, #tpu.memory_space<vmem>>, vector<16xf32>,
        %slice3A_836 = vector.extract_strided_slice %get3A_222 {offsets = [14], sizes = [1], strides = [1]} : vector<16xi32> to vector<1xi32>
        %squeeze3A_837 = vector.extract %slice3A_836[0] : i32 from vector<1xi32>
        %jit3A_838 = arith.constant 16 : i32
        %div3A_839 = arith.divsi %squeeze3A_837, %jit3A_838 : i32
        %sign3A_840 = arith.constant 0 : i32
        %sign3A_841 = arith.cmpi sgt, %squeeze3A_837, %sign3A_840 : i32
        %sign3A_842 = arith.extui %sign3A_841 : i1 to i32
        %sign3A_843 = arith.constant 0 : i32
        %sign3A_844 = arith.cmpi slt, %squeeze3A_837, %sign3A_843 : i32
        %sign3A_845 = arith.extui %sign3A_844 : i1 to i32
        %sign3A_846 = arith.subi %sign3A_842, %sign3A_845 : i32
        %sign3A_847 = arith.constant 0 : i32
        %sign3A_848 = arith.cmpi sgt, %jit3A_838, %sign3A_847 : i32
        %sign3A_849 = arith.extui %sign3A_848 : i1 to i32
        %sign3A_850 = arith.constant 0 : i32
        %sign3A_851 = arith.cmpi slt, %jit3A_838, %sign3A_850 : i32
        %sign3A_852 = arith.extui %sign3A_851 : i1 to i32
        %sign3A_853 = arith.subi %sign3A_849, %sign3A_852 : i32
        %ne3A_854 = arith.cmpi ne, %sign3A_846, %sign3A_853 : i32
        %rem3A_855 = arith.remsi %squeeze3A_837, %jit3A_838 : i32
        %ne3A_856 = arith.constant 0 : i32
        %ne3A_857 = arith.cmpi ne, %rem3A_855, %ne3A_856 : i32
        %and3A_858 = arith.andi %ne3A_854, %ne3A_857 : i1
        %sub3A_859 = arith.constant 1 : i32
        %sub3A_860 = arith.subi %div3A_839, %sub3A_859 : i32
        %select_n3A_861 = arith.select %and3A_858, %sub3A_860, %div3A_839 : i32
        %mul3A_862 = arith.constant 16 : i32
        %mul3A_863 = arith.muli %select_n3A_861, %mul3A_862 : i32
        %get3A_864 = arith.index_cast %mul3A_863 : i32 to index
        %get3A_865 = tpu.vector_load %arg11[%get3A_864] {strides = array<i32>} : memref<10240xf32, #tpu.memory_space<vmem>>, vector<16xf32>,
        %get3A_866 = vector.shape_cast %get3A_865 : vector<16xf32> to vector<16xf32>
        %sub3A_867 = arith.subi %squeeze3A_837, %mul3A_863 : i32
        %eq3A_868 = vector.broadcast %sub3A_867 : i32 to vector<16xi32>
        %eq3A_869 = arith.cmpi eq, %iota3A, %eq3A_868 : vector<16xi32>
        %jit3A_870 = arith.constant 1.000000e+00 : f32
        %jit3A_871 = arith.constant 0.000000e+00 : f32
        %broadcast_in_dim3A_872 = vector.broadcast %jit3A_870 : f32 to vector<16xf32>
        %broadcast_in_dim3A_873 = vector.broadcast %jit3A_871 : f32 to vector<16xf32>
        %select_n3A_874 = arith.select %eq3A_869, %broadcast_in_dim3A_872, %broadcast_in_dim3A_873 : vector<16xi1>, vector<16xf32>
        %add3A_875 = arith.addf %get3A_866, %select_n3A_874 : vector<16xf32>
        %swap3A_876 = arith.index_cast %mul3A_863 : i32 to index
        %swap3A_877 = tpu.vector_load %arg11[%swap3A_876] {strides = array<i32>} : memref<10240xf32, #tpu.memory_space<vmem>>, vector<16xf32>,
        %swap3A_878 = vector.shape_cast %swap3A_877 : vector<16xf32> to vector<16xf32>
        %swap3A_879 = vector.shape_cast %add3A_875 : vector<16xf32> to vector<16xf32>
        tpu.vector_store %arg11[%swap3A_876], %swap3A_879 {strides = array<i32>} : memref<10240xf32, #tpu.memory_space<vmem>>, vector<16xf32>,
        %slice3A_880 = vector.extract_strided_slice %get3A_222 {offsets = [15], sizes = [1], strides = [1]} : vector<16xi32> to vector<1xi32>
        %squeeze3A_881 = vector.extract %slice3A_880[0] : i32 from vector<1xi32>
        %jit3A_882 = arith.constant 16 : i32
        %div3A_883 = arith.divsi %squeeze3A_881, %jit3A_882 : i32
        %sign3A_884 = arith.constant 0 : i32
        %sign3A_885 = arith.cmpi sgt, %squeeze3A_881, %sign3A_884 : i32
        %sign3A_886 = arith.extui %sign3A_885 : i1 to i32
        %sign3A_887 = arith.constant 0 : i32
        %sign3A_888 = arith.cmpi slt, %squeeze3A_881, %sign3A_887 : i32
        %sign3A_889 = arith.extui %sign3A_888 : i1 to i32
        %sign3A_890 = arith.subi %sign3A_886, %sign3A_889 : i32
        %sign3A_891 = arith.constant 0 : i32
        %sign3A_892 = arith.cmpi sgt, %jit3A_882, %sign3A_891 : i32
        %sign3A_893 = arith.extui %sign3A_892 : i1 to i32
        %sign3A_894 = arith.constant 0 : i32
        %sign3A_895 = arith.cmpi slt, %jit3A_882, %sign3A_894 : i32
        %sign3A_896 = arith.extui %sign3A_895 : i1 to i32
        %sign3A_897 = arith.subi %sign3A_893, %sign3A_896 : i32
        %ne3A_898 = arith.cmpi ne, %sign3A_890, %sign3A_897 : i32
        %rem3A_899 = arith.remsi %squeeze3A_881, %jit3A_882 : i32
        %ne3A_900 = arith.constant 0 : i32
        %ne3A_901 = arith.cmpi ne, %rem3A_899, %ne3A_900 : i32
        %and3A_902 = arith.andi %ne3A_898, %ne3A_901 : i1
        %sub3A_903 = arith.constant 1 : i32
        %sub3A_904 = arith.subi %div3A_883, %sub3A_903 : i32
        %select_n3A_905 = arith.select %and3A_902, %sub3A_904, %div3A_883 : i32
        %mul3A_906 = arith.constant 16 : i32
        %mul3A_907 = arith.muli %select_n3A_905, %mul3A_906 : i32
        %get3A_908 = arith.index_cast %mul3A_907 : i32 to index
        %get3A_909 = tpu.vector_load %arg11[%get3A_908] {strides = array<i32>} : memref<10240xf32, #tpu.memory_space<vmem>>, vector<16xf32>,
        %get3A_910 = vector.shape_cast %get3A_909 : vector<16xf32> to vector<16xf32>
        %sub3A_911 = arith.subi %squeeze3A_881, %mul3A_907 : i32
        %eq3A_912 = vector.broadcast %sub3A_911 : i32 to vector<16xi32>
        %eq3A_913 = arith.cmpi eq, %iota3A, %eq3A_912 : vector<16xi32>
        %jit3A_914 = arith.constant 1.000000e+00 : f32
        %jit3A_915 = arith.constant 0.000000e+00 : f32
        %broadcast_in_dim3A_916 = vector.broadcast %jit3A_914 : f32 to vector<16xf32>
        %broadcast_in_dim3A_917 = vector.broadcast %jit3A_915 : f32 to vector<16xf32>
        %select_n3A_918 = arith.select %eq3A_913, %broadcast_in_dim3A_916, %broadcast_in_dim3A_917 : vector<16xi1>, vector<16xf32>
        %add3A_919 = arith.addf %get3A_910, %select_n3A_918 : vector<16xf32>
        %swap3A_920 = arith.index_cast %mul3A_907 : i32 to index
        %swap3A_921 = tpu.vector_load %arg11[%swap3A_920] {strides = array<i32>} : memref<10240xf32, #tpu.memory_space<vmem>>, vector<16xf32>,
        %swap3A_922 = vector.shape_cast %swap3A_921 : vector<16xf32> to vector<16xf32>
        %swap3A_923 = vector.shape_cast %add3A_919 : vector<16xf32> to vector<16xf32>
        tpu.vector_store %arg11[%swap3A_920], %swap3A_923 {strides = array<i32>} : memref<10240xf32, #tpu.memory_space<vmem>>, vector<16xf32>,
        %scan3A_924 = arith.constant 0 : i32
        scf.yield %scan3A_924 : i32
      }
      %scan3A_184 = arith.constant 64 : i32
      %scan3A_185 = arith.constant 0 : i32
      scf.yield %scan3A_185 : i32
    }
    %scan3A_33 = arith.constant 10 : i32
    %barrier3A_34 = arith.constant 0 : index
    tpu.barrier barrier_id(%barrier3A_34)
    %add3A_35 = arith.constant 0 : i32
    %add3A_36 = arith.addi %mul3A_2, %add3A_35 : i32
    "tpu.region"() ({
      %run_scoped3A = tpu.sem_alloc : memref<!tpu.dma_semaphore, #tpu.memory_space<semaphore_mem>>
      %dma_start3A = arith.constant 0 : i32
      %dma_start3A_55 = tpu.memref_slice %arg12[%add3A_36, %dma_start3A] : memref<10240x128xf32, #tpu.memory_space<vmem_shared>> -> memref<128x128xf32, #tpu.memory_space<vmem_shared>>
      %dma_start3A_56 = arith.constant 0 : i32
      %dma_start3A_57 = tpu.memref_slice %arg12[%add3A_36, %dma_start3A_56] : memref<10240x128xf32, #tpu.memory_space<vmem_shared>> -> memref<128x128xf32, #tpu.memory_space<vmem_shared>>
      tpu.enqueue_dma source(%dma_start3A_57 : memref<128x128xf32, #tpu.memory_space<vmem_shared>>) target(%arg9 : memref<128x128xf32, #tpu.memory_space<vmem>>) target_semaphore(%run_scoped3A : memref<!tpu.dma_semaphore, #tpu.memory_space<semaphore_mem>>)
      %dma_wait3A = arith.constant 0 : i32
      %dma_wait3A_58 = tpu.memref_slice %arg12[%add3A_36, %dma_wait3A] : memref<10240x128xf32, #tpu.memory_space<vmem_shared>> -> memref<128x128xf32, #tpu.memory_space<vmem_shared>>
      %dma_wait3A_59 = arith.constant 0 : i32
      %dma_wait3A_60 = tpu.memref_slice %arg12[%add3A_36, %dma_wait3A_59] : memref<10240x128xf32, #tpu.memory_space<vmem_shared>> -> memref<128x128xf32, #tpu.memory_space<vmem_shared>>
      tpu.wait_dma2 semaphore(%run_scoped3A : memref<!tpu.dma_semaphore, #tpu.memory_space<semaphore_mem>>) src(%dma_wait3A_60 : memref<128x128xf32, #tpu.memory_space<vmem_shared>>) dst(%arg9 : memref<128x128xf32, #tpu.memory_space<vmem>>)
      tpu.yield
    }) : () -> ()
    %add3A_37 = arith.constant 0 : i32
    %add3A_38 = arith.addi %mul3A_2, %add3A_37 : i32
    "tpu.region"() ({
      %run_scoped3A = tpu.sem_alloc : memref<!tpu.dma_semaphore, #tpu.memory_space<semaphore_mem>>
      %dma_start3A = arith.constant 0 : i32
      %dma_start3A_55 = tpu.memref_slice %arg5[%arg0, %add3A_38, %dma_start3A] : memref<2x10240x128xf32, #tpu.memory_space<hbm>> -> memref<1x128x128xf32, #tpu.memory_space<hbm>>
      %dma_start3A_56 = tpu.memref_squeeze %dma_start3A_55 : memref<1x128x128xf32, #tpu.memory_space<hbm>> -> memref<128x128xf32, #tpu.memory_space<hbm>>
      %dma_start3A_57 = arith.constant 0 : i32
      %dma_start3A_58 = tpu.memref_slice %arg5[%arg0, %add3A_38, %dma_start3A_57] : memref<2x10240x128xf32, #tpu.memory_space<hbm>> -> memref<1x128x128xf32, #tpu.memory_space<hbm>>
      %dma_start3A_59 = tpu.memref_squeeze %dma_start3A_58 : memref<1x128x128xf32, #tpu.memory_space<hbm>> -> memref<128x128xf32, #tpu.memory_space<hbm>>
      tpu.enqueue_dma source(%arg9 : memref<128x128xf32, #tpu.memory_space<vmem>>) target(%dma_start3A_59 : memref<128x128xf32, #tpu.memory_space<hbm>>) target_semaphore(%run_scoped3A : memref<!tpu.dma_semaphore, #tpu.memory_space<semaphore_mem>>)
      %dma_wait3A = arith.constant 0 : i32
      %dma_wait3A_60 = tpu.memref_slice %arg5[%arg0, %add3A_38, %dma_wait3A] : memref<2x10240x128xf32, #tpu.memory_space<hbm>> -> memref<1x128x128xf32, #tpu.memory_space<hbm>>
      %dma_wait3A_61 = tpu.memref_squeeze %dma_wait3A_60 : memref<1x128x128xf32, #tpu.memory_space<hbm>> -> memref<128x128xf32, #tpu.memory_space<hbm>>
      %dma_wait3A_62 = arith.constant 0 : i32
      %dma_wait3A_63 = tpu.memref_slice %arg5[%arg0, %add3A_38, %dma_wait3A_62] : memref<2x10240x128xf32, #tpu.memory_space<hbm>> -> memref<1x128x128xf32, #tpu.memory_space<hbm>>
      %dma_wait3A_64 = tpu.memref_squeeze %dma_wait3A_63 : memref<1x128x128xf32, #tpu.memory_space<hbm>> -> memref<128x128xf32, #tpu.memory_space<hbm>>
      tpu.wait_dma2 semaphore(%run_scoped3A : memref<!tpu.dma_semaphore, #tpu.memory_space<semaphore_mem>>) src(%arg9 : memref<128x128xf32, #tpu.memory_space<vmem>>) dst(%dma_wait3A_64 : memref<128x128xf32, #tpu.memory_space<hbm>>)
      tpu.yield
    }) : () -> ()
    %add3A_39 = arith.constant 128 : i32
    %add3A_40 = arith.addi %mul3A_2, %add3A_39 : i32
    "tpu.region"() ({
      %run_scoped3A = tpu.sem_alloc : memref<!tpu.dma_semaphore, #tpu.memory_space<semaphore_mem>>
      %dma_start3A = arith.constant 0 : i32
      %dma_start3A_55 = tpu.memref_slice %arg12[%add3A_40, %dma_start3A] : memref<10240x128xf32, #tpu.memory_space<vmem_shared>> -> memref<128x128xf32, #tpu.memory_space<vmem_shared>>
      %dma_start3A_56 = arith.constant 0 : i32
      %dma_start3A_57 = tpu.memref_slice %arg12[%add3A_40, %dma_start3A_56] : memref<10240x128xf32, #tpu.memory_space<vmem_shared>> -> memref<128x128xf32, #tpu.memory_space<vmem_shared>>
      tpu.enqueue_dma source(%dma_start3A_57 : memref<128x128xf32, #tpu.memory_space<vmem_shared>>) target(%arg9 : memref<128x128xf32, #tpu.memory_space<vmem>>) target_semaphore(%run_scoped3A : memref<!tpu.dma_semaphore, #tpu.memory_space<semaphore_mem>>)
      %dma_wait3A = arith.constant 0 : i32
      %dma_wait3A_58 = tpu.memref_slice %arg12[%add3A_40, %dma_wait3A] : memref<10240x128xf32, #tpu.memory_space<vmem_shared>> -> memref<128x128xf32, #tpu.memory_space<vmem_shared>>
      %dma_wait3A_59 = arith.constant 0 : i32
      %dma_wait3A_60 = tpu.memref_slice %arg12[%add3A_40, %dma_wait3A_59] : memref<10240x128xf32, #tpu.memory_space<vmem_shared>> -> memref<128x128xf32, #tpu.memory_space<vmem_shared>>
      tpu.wait_dma2 semaphore(%run_scoped3A : memref<!tpu.dma_semaphore, #tpu.memory_space<semaphore_mem>>) src(%dma_wait3A_60 : memref<128x128xf32, #tpu.memory_space<vmem_shared>>) dst(%arg9 : memref<128x128xf32, #tpu.memory_space<vmem>>)
      tpu.yield
    }) : () -> ()
    %add3A_41 = arith.constant 128 : i32
    %add3A_42 = arith.addi %mul3A_2, %add3A_41 : i32
    "tpu.region"() ({
      %run_scoped3A = tpu.sem_alloc : memref<!tpu.dma_semaphore, #tpu.memory_space<semaphore_mem>>
      %dma_start3A = arith.constant 0 : i32
      %dma_start3A_55 = tpu.memref_slice %arg5[%arg0, %add3A_42, %dma_start3A] : memref<2x10240x128xf32, #tpu.memory_space<hbm>> -> memref<1x128x128xf32, #tpu.memory_space<hbm>>
      %dma_start3A_56 = tpu.memref_squeeze %dma_start3A_55 : memref<1x128x128xf32, #tpu.memory_space<hbm>> -> memref<128x128xf32, #tpu.memory_space<hbm>>
      %dma_start3A_57 = arith.constant 0 : i32
      %dma_start3A_58 = tpu.memref_slice %arg5[%arg0, %add3A_42, %dma_start3A_57] : memref<2x10240x128xf32, #tpu.memory_space<hbm>> -> memref<1x128x128xf32, #tpu.memory_space<hbm>>
      %dma_start3A_59 = tpu.memref_squeeze %dma_start3A_58 : memref<1x128x128xf32, #tpu.memory_space<hbm>> -> memref<128x128xf32, #tpu.memory_space<hbm>>
      tpu.enqueue_dma source(%arg9 : memref<128x128xf32, #tpu.memory_space<vmem>>) target(%dma_start3A_59 : memref<128x128xf32, #tpu.memory_space<hbm>>) target_semaphore(%run_scoped3A : memref<!tpu.dma_semaphore, #tpu.memory_space<semaphore_mem>>)
      %dma_wait3A = arith.constant 0 : i32
      %dma_wait3A_60 = tpu.memref_slice %arg5[%arg0, %add3A_42, %dma_wait3A] : memref<2x10240x128xf32, #tpu.memory_space<hbm>> -> memref<1x128x128xf32, #tpu.memory_space<hbm>>
      %dma_wait3A_61 = tpu.memref_squeeze %dma_wait3A_60 : memref<1x128x128xf32, #tpu.memory_space<hbm>> -> memref<128x128xf32, #tpu.memory_space<hbm>>
      %dma_wait3A_62 = arith.constant 0 : i32
      %dma_wait3A_63 = tpu.memref_slice %arg5[%arg0, %add3A_42, %dma_wait3A_62] : memref<2x10240x128xf32, #tpu.memory_space<hbm>> -> memref<1x128x128xf32, #tpu.memory_space<hbm>>
      %dma_wait3A_64 = tpu.memref_squeeze %dma_wait3A_63 : memref<1x128x128xf32, #tpu.memory_space<hbm>> -> memref<128x128xf32, #tpu.memory_space<hbm>>
      tpu.wait_dma2 semaphore(%run_scoped3A : memref<!tpu.dma_semaphore, #tpu.memory_space<semaphore_mem>>) src(%arg9 : memref<128x128xf32, #tpu.memory_space<vmem>>) dst(%dma_wait3A_64 : memref<128x128xf32, #tpu.memory_space<hbm>>)
      tpu.yield
    }) : () -> ()
    %add3A_43 = arith.constant 256 : i32
    %add3A_44 = arith.addi %mul3A_2, %add3A_43 : i32
    "tpu.region"() ({
      %run_scoped3A = tpu.sem_alloc : memref<!tpu.dma_semaphore, #tpu.memory_space<semaphore_mem>>
      %dma_start3A = arith.constant 0 : i32
      %dma_start3A_55 = tpu.memref_slice %arg12[%add3A_44, %dma_start3A] : memref<10240x128xf32, #tpu.memory_space<vmem_shared>> -> memref<128x128xf32, #tpu.memory_space<vmem_shared>>
      %dma_start3A_56 = arith.constant 0 : i32
      %dma_start3A_57 = tpu.memref_slice %arg12[%add3A_44, %dma_start3A_56] : memref<10240x128xf32, #tpu.memory_space<vmem_shared>> -> memref<128x128xf32, #tpu.memory_space<vmem_shared>>
      tpu.enqueue_dma source(%dma_start3A_57 : memref<128x128xf32, #tpu.memory_space<vmem_shared>>) target(%arg9 : memref<128x128xf32, #tpu.memory_space<vmem>>) target_semaphore(%run_scoped3A : memref<!tpu.dma_semaphore, #tpu.memory_space<semaphore_mem>>)
      %dma_wait3A = arith.constant 0 : i32
      %dma_wait3A_58 = tpu.memref_slice %arg12[%add3A_44, %dma_wait3A] : memref<10240x128xf32, #tpu.memory_space<vmem_shared>> -> memref<128x128xf32, #tpu.memory_space<vmem_shared>>
      %dma_wait3A_59 = arith.constant 0 : i32
      %dma_wait3A_60 = tpu.memref_slice %arg12[%add3A_44, %dma_wait3A_59] : memref<10240x128xf32, #tpu.memory_space<vmem_shared>> -> memref<128x128xf32, #tpu.memory_space<vmem_shared>>
      tpu.wait_dma2 semaphore(%run_scoped3A : memref<!tpu.dma_semaphore, #tpu.memory_space<semaphore_mem>>) src(%dma_wait3A_60 : memref<128x128xf32, #tpu.memory_space<vmem_shared>>) dst(%arg9 : memref<128x128xf32, #tpu.memory_space<vmem>>)
      tpu.yield
    }) : () -> ()
    %add3A_45 = arith.constant 256 : i32
    %add3A_46 = arith.addi %mul3A_2, %add3A_45 : i32
    "tpu.region"() ({
      %run_scoped3A = tpu.sem_alloc : memref<!tpu.dma_semaphore, #tpu.memory_space<semaphore_mem>>
      %dma_start3A = arith.constant 0 : i32
      %dma_start3A_55 = tpu.memref_slice %arg5[%arg0, %add3A_46, %dma_start3A] : memref<2x10240x128xf32, #tpu.memory_space<hbm>> -> memref<1x128x128xf32, #tpu.memory_space<hbm>>
      %dma_start3A_56 = tpu.memref_squeeze %dma_start3A_55 : memref<1x128x128xf32, #tpu.memory_space<hbm>> -> memref<128x128xf32, #tpu.memory_space<hbm>>
      %dma_start3A_57 = arith.constant 0 : i32
      %dma_start3A_58 = tpu.memref_slice %arg5[%arg0, %add3A_46, %dma_start3A_57] : memref<2x10240x128xf32, #tpu.memory_space<hbm>> -> memref<1x128x128xf32, #tpu.memory_space<hbm>>
      %dma_start3A_59 = tpu.memref_squeeze %dma_start3A_58 : memref<1x128x128xf32, #tpu.memory_space<hbm>> -> memref<128x128xf32, #tpu.memory_space<hbm>>
      tpu.enqueue_dma source(%arg9 : memref<128x128xf32, #tpu.memory_space<vmem>>) target(%dma_start3A_59 : memref<128x128xf32, #tpu.memory_space<hbm>>) target_semaphore(%run_scoped3A : memref<!tpu.dma_semaphore, #tpu.memory_space<semaphore_mem>>)
      %dma_wait3A = arith.constant 0 : i32
      %dma_wait3A_60 = tpu.memref_slice %arg5[%arg0, %add3A_46, %dma_wait3A] : memref<2x10240x128xf32, #tpu.memory_space<hbm>> -> memref<1x128x128xf32, #tpu.memory_space<hbm>>
      %dma_wait3A_61 = tpu.memref_squeeze %dma_wait3A_60 : memref<1x128x128xf32, #tpu.memory_space<hbm>> -> memref<128x128xf32, #tpu.memory_space<hbm>>
      %dma_wait3A_62 = arith.constant 0 : i32
      %dma_wait3A_63 = tpu.memref_slice %arg5[%arg0, %add3A_46, %dma_wait3A_62] : memref<2x10240x128xf32, #tpu.memory_space<hbm>> -> memref<1x128x128xf32, #tpu.memory_space<hbm>>
      %dma_wait3A_64 = tpu.memref_squeeze %dma_wait3A_63 : memref<1x128x128xf32, #tpu.memory_space<hbm>> -> memref<128x128xf32, #tpu.memory_space<hbm>>
      tpu.wait_dma2 semaphore(%run_scoped3A : memref<!tpu.dma_semaphore, #tpu.memory_space<semaphore_mem>>) src(%arg9 : memref<128x128xf32, #tpu.memory_space<vmem>>) dst(%dma_wait3A_64 : memref<128x128xf32, #tpu.memory_space<hbm>>)
      tpu.yield
    }) : () -> ()
    %add3A_47 = arith.constant 384 : i32
    %add3A_48 = arith.addi %mul3A_2, %add3A_47 : i32
    "tpu.region"() ({
      %run_scoped3A = tpu.sem_alloc : memref<!tpu.dma_semaphore, #tpu.memory_space<semaphore_mem>>
      %dma_start3A = arith.constant 0 : i32
      %dma_start3A_55 = tpu.memref_slice %arg12[%add3A_48, %dma_start3A] : memref<10240x128xf32, #tpu.memory_space<vmem_shared>> -> memref<128x128xf32, #tpu.memory_space<vmem_shared>>
      %dma_start3A_56 = arith.constant 0 : i32
      %dma_start3A_57 = tpu.memref_slice %arg12[%add3A_48, %dma_start3A_56] : memref<10240x128xf32, #tpu.memory_space<vmem_shared>> -> memref<128x128xf32, #tpu.memory_space<vmem_shared>>
      tpu.enqueue_dma source(%dma_start3A_57 : memref<128x128xf32, #tpu.memory_space<vmem_shared>>) target(%arg9 : memref<128x128xf32, #tpu.memory_space<vmem>>) target_semaphore(%run_scoped3A : memref<!tpu.dma_semaphore, #tpu.memory_space<semaphore_mem>>)
      %dma_wait3A = arith.constant 0 : i32
      %dma_wait3A_58 = tpu.memref_slice %arg12[%add3A_48, %dma_wait3A] : memref<10240x128xf32, #tpu.memory_space<vmem_shared>> -> memref<128x128xf32, #tpu.memory_space<vmem_shared>>
      %dma_wait3A_59 = arith.constant 0 : i32
      %dma_wait3A_60 = tpu.memref_slice %arg12[%add3A_48, %dma_wait3A_59] : memref<10240x128xf32, #tpu.memory_space<vmem_shared>> -> memref<128x128xf32, #tpu.memory_space<vmem_shared>>
      tpu.wait_dma2 semaphore(%run_scoped3A : memref<!tpu.dma_semaphore, #tpu.memory_space<semaphore_mem>>) src(%dma_wait3A_60 : memref<128x128xf32, #tpu.memory_space<vmem_shared>>) dst(%arg9 : memref<128x128xf32, #tpu.memory_space<vmem>>)
      tpu.yield
    }) : () -> ()
    %add3A_49 = arith.constant 384 : i32
    %add3A_50 = arith.addi %mul3A_2, %add3A_49 : i32
    "tpu.region"() ({
      %run_scoped3A = tpu.sem_alloc : memref<!tpu.dma_semaphore, #tpu.memory_space<semaphore_mem>>
      %dma_start3A = arith.constant 0 : i32
      %dma_start3A_55 = tpu.memref_slice %arg5[%arg0, %add3A_50, %dma_start3A] : memref<2x10240x128xf32, #tpu.memory_space<hbm>> -> memref<1x128x128xf32, #tpu.memory_space<hbm>>
      %dma_start3A_56 = tpu.memref_squeeze %dma_start3A_55 : memref<1x128x128xf32, #tpu.memory_space<hbm>> -> memref<128x128xf32, #tpu.memory_space<hbm>>
      %dma_start3A_57 = arith.constant 0 : i32
      %dma_start3A_58 = tpu.memref_slice %arg5[%arg0, %add3A_50, %dma_start3A_57] : memref<2x10240x128xf32, #tpu.memory_space<hbm>> -> memref<1x128x128xf32, #tpu.memory_space<hbm>>
      %dma_start3A_59 = tpu.memref_squeeze %dma_start3A_58 : memref<1x128x128xf32, #tpu.memory_space<hbm>> -> memref<128x128xf32, #tpu.memory_space<hbm>>
      tpu.enqueue_dma source(%arg9 : memref<128x128xf32, #tpu.memory_space<vmem>>) target(%dma_start3A_59 : memref<128x128xf32, #tpu.memory_space<hbm>>) target_semaphore(%run_scoped3A : memref<!tpu.dma_semaphore, #tpu.memory_space<semaphore_mem>>)
      %dma_wait3A = arith.constant 0 : i32
      %dma_wait3A_60 = tpu.memref_slice %arg5[%arg0, %add3A_50, %dma_wait3A] : memref<2x10240x128xf32, #tpu.memory_space<hbm>> -> memref<1x128x128xf32, #tpu.memory_space<hbm>>
      %dma_wait3A_61 = tpu.memref_squeeze %dma_wait3A_60 : memref<1x128x128xf32, #tpu.memory_space<hbm>> -> memref<128x128xf32, #tpu.memory_space<hbm>>
      %dma_wait3A_62 = arith.constant 0 : i32
      %dma_wait3A_63 = tpu.memref_slice %arg5[%arg0, %add3A_50, %dma_wait3A_62] : memref<2x10240x128xf32, #tpu.memory_space<hbm>> -> memref<1x128x128xf32, #tpu.memory_space<hbm>>
      %dma_wait3A_64 = tpu.memref_squeeze %dma_wait3A_63 : memref<1x128x128xf32, #tpu.memory_space<hbm>> -> memref<128x128xf32, #tpu.memory_space<hbm>>
      tpu.wait_dma2 semaphore(%run_scoped3A : memref<!tpu.dma_semaphore, #tpu.memory_space<semaphore_mem>>) src(%arg9 : memref<128x128xf32, #tpu.memory_space<vmem>>) dst(%dma_wait3A_64 : memref<128x128xf32, #tpu.memory_space<hbm>>)
      tpu.yield
    }) : () -> ()
    %add3A_51 = arith.constant 512 : i32
    %add3A_52 = arith.addi %mul3A_2, %add3A_51 : i32
    "tpu.region"() ({
      %run_scoped3A = tpu.sem_alloc : memref<!tpu.dma_semaphore, #tpu.memory_space<semaphore_mem>>
      %dma_start3A = arith.constant 0 : i32
      %dma_start3A_55 = tpu.memref_slice %arg12[%add3A_52, %dma_start3A] : memref<10240x128xf32, #tpu.memory_space<vmem_shared>> -> memref<128x128xf32, #tpu.memory_space<vmem_shared>>
      %dma_start3A_56 = arith.constant 0 : i32
      %dma_start3A_57 = tpu.memref_slice %arg12[%add3A_52, %dma_start3A_56] : memref<10240x128xf32, #tpu.memory_space<vmem_shared>> -> memref<128x128xf32, #tpu.memory_space<vmem_shared>>
      tpu.enqueue_dma source(%dma_start3A_57 : memref<128x128xf32, #tpu.memory_space<vmem_shared>>) target(%arg9 : memref<128x128xf32, #tpu.memory_space<vmem>>) target_semaphore(%run_scoped3A : memref<!tpu.dma_semaphore, #tpu.memory_space<semaphore_mem>>)
      %dma_wait3A = arith.constant 0 : i32
      %dma_wait3A_58 = tpu.memref_slice %arg12[%add3A_52, %dma_wait3A] : memref<10240x128xf32, #tpu.memory_space<vmem_shared>> -> memref<128x128xf32, #tpu.memory_space<vmem_shared>>
      %dma_wait3A_59 = arith.constant 0 : i32
      %dma_wait3A_60 = tpu.memref_slice %arg12[%add3A_52, %dma_wait3A_59] : memref<10240x128xf32, #tpu.memory_space<vmem_shared>> -> memref<128x128xf32, #tpu.memory_space<vmem_shared>>
      tpu.wait_dma2 semaphore(%run_scoped3A : memref<!tpu.dma_semaphore, #tpu.memory_space<semaphore_mem>>) src(%dma_wait3A_60 : memref<128x128xf32, #tpu.memory_space<vmem_shared>>) dst(%arg9 : memref<128x128xf32, #tpu.memory_space<vmem>>)
      tpu.yield
    }) : () -> ()
    %add3A_53 = arith.constant 512 : i32
    %add3A_54 = arith.addi %mul3A_2, %add3A_53 : i32
    "tpu.region"() ({
      %run_scoped3A = tpu.sem_alloc : memref<!tpu.dma_semaphore, #tpu.memory_space<semaphore_mem>>
      %dma_start3A = arith.constant 0 : i32
      %dma_start3A_55 = tpu.memref_slice %arg5[%arg0, %add3A_54, %dma_start3A] : memref<2x10240x128xf32, #tpu.memory_space<hbm>> -> memref<1x128x128xf32, #tpu.memory_space<hbm>>
      %dma_start3A_56 = tpu.memref_squeeze %dma_start3A_55 : memref<1x128x128xf32, #tpu.memory_space<hbm>> -> memref<128x128xf32, #tpu.memory_space<hbm>>
      %dma_start3A_57 = arith.constant 0 : i32
      %dma_start3A_58 = tpu.memref_slice %arg5[%arg0, %add3A_54, %dma_start3A_57] : memref<2x10240x128xf32, #tpu.memory_space<hbm>> -> memref<1x128x128xf32, #tpu.memory_space<hbm>>
      %dma_start3A_59 = tpu.memref_squeeze %dma_start3A_58 : memref<1x128x128xf32, #tpu.memory_space<hbm>> -> memref<128x128xf32, #tpu.memory_space<hbm>>
      tpu.enqueue_dma source(%arg9 : memref<128x128xf32, #tpu.memory_space<vmem>>) target(%dma_start3A_59 : memref<128x128xf32, #tpu.memory_space<hbm>>) target_semaphore(%run_scoped3A : memref<!tpu.dma_semaphore, #tpu.memory_space<semaphore_mem>>)
      %dma_wait3A = arith.constant 0 : i32
      %dma_wait3A_60 = tpu.memref_slice %arg5[%arg0, %add3A_54, %dma_wait3A] : memref<2x10240x128xf32, #tpu.memory_space<hbm>> -> memref<1x128x128xf32, #tpu.memory_space<hbm>>
      %dma_wait3A_61 = tpu.memref_squeeze %dma_wait3A_60 : memref<1x128x128xf32, #tpu.memory_space<hbm>> -> memref<128x128xf32, #tpu.memory_space<hbm>>
      %dma_wait3A_62 = arith.constant 0 : i32
      %dma_wait3A_63 = tpu.memref_slice %arg5[%arg0, %add3A_54, %dma_wait3A_62] : memref<2x10240x128xf32, #tpu.memory_space<hbm>> -> memref<1x128x128xf32, #tpu.memory_space<hbm>>
      %dma_wait3A_64 = tpu.memref_squeeze %dma_wait3A_63 : memref<1x128x128xf32, #tpu.memory_space<hbm>> -> memref<128x128xf32, #tpu.memory_space<hbm>>
      tpu.wait_dma2 semaphore(%run_scoped3A : memref<!tpu.dma_semaphore, #tpu.memory_space<semaphore_mem>>) src(%arg9 : memref<128x128xf32, #tpu.memory_space<vmem>>) dst(%dma_wait3A_64 : memref<128x128xf32, #tpu.memory_space<hbm>>)
      tpu.yield
    }) : () -> ()
    "tpu.region"() ({
      %run_scoped3A = tpu.sem_alloc : memref<!tpu.dma_semaphore, #tpu.memory_space<semaphore_mem>>
      %dma_start3A = arith.constant 0 : i32
      %dma_start3A_55 = tpu.memref_slice %arg6[%add3A, %dma_start3A] : memref<32x10240xf32, #tpu.memory_space<hbm>> -> memref<1x10240xf32, #tpu.memory_space<hbm>>
      %dma_start3A_56 = tpu.memref_squeeze %dma_start3A_55 : memref<1x10240xf32, #tpu.memory_space<hbm>> -> memref<10240xf32, #tpu.memory_space<hbm>>
      %dma_start3A_57 = arith.constant 0 : i32
      %dma_start3A_58 = tpu.memref_slice %arg6[%add3A, %dma_start3A_57] : memref<32x10240xf32, #tpu.memory_space<hbm>> -> memref<1x10240xf32, #tpu.memory_space<hbm>>
      %dma_start3A_59 = tpu.memref_squeeze %dma_start3A_58 : memref<1x10240xf32, #tpu.memory_space<hbm>> -> memref<10240xf32, #tpu.memory_space<hbm>>
      tpu.enqueue_dma source(%arg11 : memref<10240xf32, #tpu.memory_space<vmem>>) target(%dma_start3A_59 : memref<10240xf32, #tpu.memory_space<hbm>>) target_semaphore(%run_scoped3A : memref<!tpu.dma_semaphore, #tpu.memory_space<semaphore_mem>>)
      %dma_wait3A = arith.constant 0 : i32
      %dma_wait3A_60 = tpu.memref_slice %arg6[%add3A, %dma_wait3A] : memref<32x10240xf32, #tpu.memory_space<hbm>> -> memref<1x10240xf32, #tpu.memory_space<hbm>>
      %dma_wait3A_61 = tpu.memref_squeeze %dma_wait3A_60 : memref<1x10240xf32, #tpu.memory_space<hbm>> -> memref<10240xf32, #tpu.memory_space<hbm>>
      %dma_wait3A_62 = arith.constant 0 : i32
      %dma_wait3A_63 = tpu.memref_slice %arg6[%add3A, %dma_wait3A_62] : memref<32x10240xf32, #tpu.memory_space<hbm>> -> memref<1x10240xf32, #tpu.memory_space<hbm>>
      %dma_wait3A_64 = tpu.memref_squeeze %dma_wait3A_63 : memref<1x10240xf32, #tpu.memory_space<hbm>> -> memref<10240xf32, #tpu.memory_space<hbm>>
      tpu.wait_dma2 semaphore(%run_scoped3A : memref<!tpu.dma_semaphore, #tpu.memory_space<semaphore_mem>>) src(%arg11 : memref<10240xf32, #tpu.memory_space<vmem>>) dst(%dma_wait3A_64 : memref<10240xf32, #tpu.memory_space<hbm>>)
      tpu.yield
    }) : () -> ()
    return
  }
}

module attributes {stable_mosaic.version = 14 : i64} {
  func.func @_dense_body(%arg0: i32, %arg1: memref<2x1000x128xf32, #tpu.memory_space<vmem>>, %arg2: memref<1000x32xf32, #tpu.memory_space<vmem>>, %arg3: memref<1000x128xf32, #tpu.memory_space<vmem>>, %arg4: memref<128x128xf32, #tpu.memory_space<vmem>>, %arg5: memref<128x128xf32, #tpu.memory_space<vmem>>, %arg6: memref<1x128xf32, #tpu.memory_space<vmem>>, %arg7: memref<1x128xf32, #tpu.memory_space<vmem>>, %arg8: memref<1x128xf32, #tpu.memory_space<vmem>>, %arg9: memref<1000x128xf32, #tpu.memory_space<vmem>>) attributes {dimension_semantics = [#tpu.dimension_semantics<arbitrary>], iteration_bounds = array<i64: 10>, scalar_prefetch = 0 : i64, scratch_operands = 0 : i64, tpu.core_type = #tpu.core_type<tc>, window_params = [{transform_indices = @transform_0, window_bounds = array<i64: 2, 1000, 128>}, {transform_indices = @transform_1, window_bounds = array<i64: 1000, 32>}, {transform_indices = @transform_2, window_bounds = array<i64: 1000, 128>}, {pipeline_mode = #tpu.pipeline_mode<synchronous>, transform_indices = @transform_3, window_bounds = array<i64: 128, 128>}, {pipeline_mode = #tpu.pipeline_mode<synchronous>, transform_indices = @transform_4, window_bounds = array<i64: 128, 128>}, {pipeline_mode = #tpu.pipeline_mode<synchronous>, transform_indices = @transform_5, window_bounds = array<i64: 1, 128>}, {pipeline_mode = #tpu.pipeline_mode<synchronous>, transform_indices = @transform_6, window_bounds = array<i64: 1, 128>}, {pipeline_mode = #tpu.pipeline_mode<synchronous>, transform_indices = @transform_7, window_bounds = array<i64: 1, 128>}, {transform_indices = @transform_8, window_bounds = array<i64: 1000, 128>}]} {
    %get3A = arith.constant 0 : index
    %get3A_0 = arith.constant 0 : index
    %get3A_1 = arith.constant 0 : index
    %get3A_2 = vector.load %arg1[%get3A, %get3A_0, %get3A_1] : memref<2x1000x128xf32, #tpu.memory_space<vmem>>, vector<1x1000x128xf32>
    %get3A_3 = vector.shape_cast %get3A_2 : vector<1x1000x128xf32> to vector<1000x128xf32>
    %get3A_4 = arith.constant 1 : index
    %get3A_5 = arith.constant 0 : index
    %get3A_6 = arith.constant 0 : index
    %get3A_7 = vector.load %arg1[%get3A_4, %get3A_5, %get3A_6] : memref<2x1000x128xf32, #tpu.memory_space<vmem>>, vector<1x1000x128xf32>
    %get3A_8 = vector.shape_cast %get3A_7 : vector<1x1000x128xf32> to vector<1000x128xf32>
    %add3A = arith.addf %get3A_3, %get3A_8 : vector<1000x128xf32>
    %get3A_9 = arith.constant 0 : index
    %get3A_10 = arith.constant 0 : index
    %get3A_11 = vector.load %arg2[%get3A_9, %get3A_10] : memref<1000x32xf32, #tpu.memory_space<vmem>>, vector<1000x32xf32>
    %reduce_sum3A = arith.constant dense<0.000000e+00> : vector<1000xf32>
    %reduce_sum3A_12 = vector.multi_reduction <add>, %get3A_11, %reduce_sum3A [1] : vector<1000x32xf32> to vector<1000xf32>
    %broadcast_in_dim3A = vector.shape_cast %reduce_sum3A_12 : vector<1000xf32> to vector<1000x1xf32>
    %max3A = arith.constant 1.000000e+00 : f32
    %max3A_13 = vector.broadcast %max3A : f32 to vector<1000x1xf32>
    %max3A_14 = arith.maximumf %broadcast_in_dim3A, %max3A_13 : vector<1000x1xf32>
    %div3A = vector.broadcast %max3A_14 : vector<1000x1xf32> to vector<1000x128xf32>
    %div3A_15 = arith.divf %add3A, %div3A : vector<1000x128xf32>
    %get3A_16 = arith.constant 0 : index
    %get3A_17 = arith.constant 0 : index
    %get3A_18 = vector.load %arg3[%get3A_16, %get3A_17] : memref<1000x128xf32, #tpu.memory_space<vmem>>, vector<1000x128xf32>
    %get3A_19 = arith.constant 0 : index
    %get3A_20 = arith.constant 0 : index
    %get3A_21 = vector.load %arg4[%get3A_19, %get3A_20] : memref<128x128xf32, #tpu.memory_space<vmem>>, vector<128x128xf32>
    %dot_general3A = arith.constant dense<0.000000e+00> : vector<1000x128xf32>
    %dot_general3A_22 = tpu.matmul %div3A_15, %get3A_21, %dot_general3A {dimension_numbers = #tpu.dot_dimension_numbers<[1], [0], [0], [1], [0, 0, 1, 1], [], []>, precision = #tpu.contract_precision<fp32>, transpose_lhs_hint = false} : vector<1000x128xf32>, vector<128x128xf32>, vector<1000x128xf32> -> vector<1000x128xf32>
    %get3A_23 = arith.constant 0 : index
    %get3A_24 = arith.constant 0 : index
    %get3A_25 = vector.load %arg5[%get3A_23, %get3A_24] : memref<128x128xf32, #tpu.memory_space<vmem>>, vector<128x128xf32>
    %dot_general3A_26 = arith.constant dense<0.000000e+00> : vector<1000x128xf32>
    %dot_general3A_27 = tpu.matmul %get3A_18, %get3A_25, %dot_general3A_26 {dimension_numbers = #tpu.dot_dimension_numbers<[1], [0], [0], [1], [0, 0, 1, 1], [], []>, precision = #tpu.contract_precision<fp32>, transpose_lhs_hint = false} : vector<1000x128xf32>, vector<128x128xf32>, vector<1000x128xf32> -> vector<1000x128xf32>
    %add3A_28 = arith.addf %dot_general3A_22, %dot_general3A_27 : vector<1000x128xf32>
    %get3A_29 = arith.constant 0 : index
    %get3A_30 = arith.constant 0 : index
    %get3A_31 = vector.load %arg6[%get3A_29, %get3A_30] : memref<1x128xf32, #tpu.memory_space<vmem>>, vector<1x128xf32>
    %add3A_32 = vector.broadcast %get3A_31 : vector<1x128xf32> to vector<1000x128xf32>
    %add3A_33 = arith.addf %add3A_28, %add3A_32 : vector<1000x128xf32>
    %mul3A = arith.constant 5.000000e-01 : f32
    %mul3A_34 = vector.broadcast %mul3A : f32 to vector<1000x128xf32>
    %mul3A_35 = arith.mulf %mul3A_34, %add3A_33 : vector<1000x128xf32>
    %mul3A_36 = arith.constant 0.707106769 : f32
    %mul3A_37 = vector.broadcast %mul3A_36 : f32 to vector<1000x128xf32>
    %mul3A_38 = arith.mulf %add3A_33, %mul3A_37 : vector<1000x128xf32>
    %erf3A = math.erf %mul3A_38 : vector<1000x128xf32>
    %add3A_39 = arith.constant 1.000000e+00 : f32
    %add3A_40 = vector.broadcast %add3A_39 : f32 to vector<1000x128xf32>
    %add3A_41 = arith.addf %add3A_40, %erf3A : vector<1000x128xf32>
    %mul3A_42 = arith.mulf %mul3A_35, %add3A_41 : vector<1000x128xf32>
    %add3A_43 = arith.addf %mul3A_42, %get3A_18 : vector<1000x128xf32>
    %reduce_sum3A_44 = arith.constant dense<0.000000e+00> : vector<1000xf32>
    %reduce_sum3A_45 = vector.multi_reduction <add>, %add3A_43, %reduce_sum3A_44 [1] : vector<1000x128xf32> to vector<1000xf32>
    %broadcast_in_dim3A_46 = vector.shape_cast %reduce_sum3A_45 : vector<1000xf32> to vector<1000x1xf32>
    %div3A_47 = arith.constant 1.280000e+02 : f32
    %div3A_48 = vector.broadcast %div3A_47 : f32 to vector<1000x1xf32>
    %div3A_49 = arith.divf %broadcast_in_dim3A_46, %div3A_48 : vector<1000x1xf32>
    %sub3A = vector.broadcast %div3A_49 : vector<1000x1xf32> to vector<1000x128xf32>
    %sub3A_50 = arith.subf %add3A_43, %sub3A : vector<1000x128xf32>
    %integer_pow3A = arith.mulf %sub3A_50, %sub3A_50 : vector<1000x128xf32>
    %reduce_sum3A_51 = arith.constant dense<0.000000e+00> : vector<1000xf32>
    %reduce_sum3A_52 = vector.multi_reduction <add>, %integer_pow3A, %reduce_sum3A_51 [1] : vector<1000x128xf32> to vector<1000xf32>
    %broadcast_in_dim3A_53 = vector.shape_cast %reduce_sum3A_52 : vector<1000xf32> to vector<1000x1xf32>
    %div3A_54 = arith.constant 1.280000e+02 : f32
    %div3A_55 = vector.broadcast %div3A_54 : f32 to vector<1000x1xf32>
    %div3A_56 = arith.divf %broadcast_in_dim3A_53, %div3A_55 : vector<1000x1xf32>
    %sub3A_57 = vector.broadcast %div3A_49 : vector<1000x1xf32> to vector<1000x128xf32>
    %sub3A_58 = arith.subf %add3A_43, %sub3A_57 : vector<1000x128xf32>
    %add3A_59 = arith.constant 9.99999974E-6 : f32
    %add3A_60 = vector.broadcast %add3A_59 : f32 to vector<1000x1xf32>
    %add3A_61 = arith.addf %div3A_56, %add3A_60 : vector<1000x1xf32>
    %rsqrt3A = math.rsqrt %add3A_61 : vector<1000x1xf32>
    %mul3A_62 = vector.broadcast %rsqrt3A : vector<1000x1xf32> to vector<1000x128xf32>
    %mul3A_63 = arith.mulf %sub3A_58, %mul3A_62 : vector<1000x128xf32>
    %get3A_64 = arith.constant 0 : index
    %get3A_65 = arith.constant 0 : index
    %get3A_66 = vector.load %arg7[%get3A_64, %get3A_65] : memref<1x128xf32, #tpu.memory_space<vmem>>, vector<1x128xf32>
    %mul3A_67 = vector.broadcast %get3A_66 : vector<1x128xf32> to vector<1000x128xf32>
    %mul3A_68 = arith.mulf %mul3A_63, %mul3A_67 : vector<1000x128xf32>
    %get3A_69 = arith.constant 0 : index
    %get3A_70 = arith.constant 0 : index
    %get3A_71 = vector.load %arg8[%get3A_69, %get3A_70] : memref<1x128xf32, #tpu.memory_space<vmem>>, vector<1x128xf32>
    %add3A_72 = vector.broadcast %get3A_71 : vector<1x128xf32> to vector<1000x128xf32>
    %add3A_73 = arith.addf %mul3A_68, %add3A_72 : vector<1000x128xf32>
    %swap3A = arith.constant 0 : index
    %swap3A_74 = arith.constant 0 : index
    %swap3A_75 = vector.load %arg9[%swap3A, %swap3A_74] : memref<1000x128xf32, #tpu.memory_space<vmem>>, vector<1000x128xf32>
    tpu.vector_store %arg9[%swap3A, %swap3A_74], %add3A_73 {strides = array<i32>} : memref<1000x128xf32, #tpu.memory_space<vmem>>, vector<1000x128xf32>,
    return
  }
  func.func @transform_0(%arg0: i32) -> (i32, i32, i32) {
    %c0_i32 = arith.constant 0 : i32
    %c0_i32_0 = arith.constant 0 : i32
    %c0_i32_1 = arith.constant 0 : i32
    return %c0_i32, %arg0, %c0_i32_0 : i32, i32, i32
  }
  func.func @transform_1(%arg0: i32) -> (i32, i32) {
    %c0_i32 = arith.constant 0 : i32
    %c0_i32_0 = arith.constant 0 : i32
    return %arg0, %c0_i32 : i32, i32
  }
  func.func @transform_2(%arg0: i32) -> (i32, i32) {
    %c0_i32 = arith.constant 0 : i32
    %c0_i32_0 = arith.constant 0 : i32
    return %arg0, %c0_i32 : i32, i32
  }
  func.func @transform_3(%arg0: i32) -> (i32, i32) {
    %c0_i32 = arith.constant 0 : i32
    %c0_i32_0 = arith.constant 0 : i32
    %c0_i32_1 = arith.constant 0 : i32
    return %c0_i32, %c0_i32_0 : i32, i32
  }
  func.func @transform_4(%arg0: i32) -> (i32, i32) {
    %c0_i32 = arith.constant 0 : i32
    %c0_i32_0 = arith.constant 0 : i32
    %c0_i32_1 = arith.constant 0 : i32
    return %c0_i32, %c0_i32_0 : i32, i32
  }
  func.func @transform_5(%arg0: i32) -> (i32, i32) {
    %c0_i32 = arith.constant 0 : i32
    %c0_i32_0 = arith.constant 0 : i32
    %c0_i32_1 = arith.constant 0 : i32
    return %c0_i32, %c0_i32_0 : i32, i32
  }
  func.func @transform_6(%arg0: i32) -> (i32, i32) {
    %c0_i32 = arith.constant 0 : i32
    %c0_i32_0 = arith.constant 0 : i32
    %c0_i32_1 = arith.constant 0 : i32
    return %c0_i32, %c0_i32_0 : i32, i32
  }
  func.func @transform_7(%arg0: i32) -> (i32, i32) {
    %c0_i32 = arith.constant 0 : i32
    %c0_i32_0 = arith.constant 0 : i32
    %c0_i32_1 = arith.constant 0 : i32
    return %c0_i32, %c0_i32_0 : i32, i32
  }
  func.func @transform_8(%arg0: i32) -> (i32, i32) {
    %c0_i32 = arith.constant 0 : i32
    %c0_i32_0 = arith.constant 0 : i32
    return %arg0, %c0_i32 : i32, i32
  }
}

</mosaic_0001>

<sc_bundles>
// kernel: kernel.4.cloned.1.call-start
scs
__scs_entry_jumppad:
0x0: {  	(pc) =	sbr.rel $0x88, $3  }
0x1: {  	(tag) =	ssettag $0x0;
	lr =	simm.s32 $0x1  }
0x2: {  	[smem:$0x3F9A] =	sst lr;
	_ =	strace $0xD0000000  }
0x3: {  	_ = 	snop  }
0x4: {  	_ = 	snop  }
0x5: {  	_ = 	snop  }
0x6: {  	_ = 	snop  }
0x7: {  	_ = 	snop  }
__scs_overlays_trampoline_lowered:
0x8: {  	[smem:$0x3FA9] =	sst s0  }
0x9: {  	[smem:$0x3FAA] =	sst s1  }
0xa: {  	[smem:$0x3FAB] =	sst s2  }
0xb: {  	[smem:$0x3FAC] =	sst s3  }
0xc: {  	[smem:$0x3FAD] =	sst s4  }
0xd: {  	[smem:$0x3FAE] =	sst s5  }
0xe: {  	[smem:$0x3FAF] =	sst s6  }
0xf: {  	[smem:$0x3FB0] =	sst s7  }
0x10: {  	[smem:$0x3FB1] =	sst s8  }
0x11: {  	[smem:$0x3FB2] =	sst s9;
	s0 =	simm.s32 @!p0 $0x0  }
0x12: {  	s1 =	sld [smem:$0x3F98];
	s0 =	simm.s32 @p0 $0x1  }
0x13: {  	[smem:$0x3FB3] =	sst s0;
	s0 =	simm.s32 @!p1 $0x0  }
0x14: {  	s2 =	sld [smem:$0x3F97];
	s0 =	simm.s32 @p1 $0x1  }
0x15: {  	[smem:$0x3FB4] =	sst s0;
	s0 =	simm.s32 @!p2 $0x0  }
0x16: {  	s3 =	sld [smem:$0x3FDB];
	s0 =	simm.s32 @p2 $0x1  }
0x17: {  	s4 =	simm.s32 $0x1BF5;
	[smem:$0x3FB6] =	sst s0  }
0x18: {  	s0 =	sld [smem:$0x3F99];
	_ =	swait.ge [sflag:s4], $0x0  }
0x19: {  	s7 =	sld [smem:$0x3F9A]  }
0x1a: {  	s8 =	sadd.s32 $0xFFFFE003, lr  }
0x1b: {  	s9 =	sadd.s32 $0xFFFFFEF7, lr;
	s5 =	simm.s32 $0xFFFFFFFF;
	p2 =	slt.u32 s8, $0xFFFFF086  }
0x1c: {  	p1 =	slt.u32 s9, $0xF7A;
	s5 =	simm.s32 @!p2 $0x0  }
0x1d: {  	s5 =	simm.s32 @p1 $0x1;
	p0 =	seq.s32 s7, s2  }
0x1e: {  	s7 =	smul.u32 @!p0 $0xF7A, s2;
	p2 =	seq.s32 @!p0 s5, $0x0  }
0x1f: {  	s9 =	smul.u32 $0xF7A, s1;
	s8 =	simm.s32 @!p0 $0x1BF5;
	p2 =	por !p2, p0  }
0x20: {  	[sflag:s8] =	ssyncset.s32 @!p0 $0xFFFFF086;
	s6 =	sadd.s32 @!p0 s3, s7;
	s7 =	simm.s32 @!p0 $0x108  }
0x21: {  	s3 =	sadd.s32 s3, s9;
	s6 =	sadd.s32 @!p0 $0x88, s6;
	s7 =	simm.s32 @p2 $0x1082  }
0x22: {  	[simem:s7], [sflag:s8] =	dma.local @!p0 [hbm:s6], $0xF7A  }
0x23: {  	s9 =	sor.u32 $0xD0000000, s2;
	s6 =	simm.s32 $0x108;
	_ =	swait.ge @!p0 [sflag:s8], $0x0  }
0x24: {  	s3 =	sadd.s32 $0x88, s3;
	s6 =	simm.s32 @!p1 $0x1082;
	[sflag:s4] =	ssyncset.s32 $0xFFFFF086  }
0x25: {  	[simem:s6], [sflag:s4] =	dma.local [hbm:s3], $0xF7A  }
0x26: {  	[smem:$0x3F9A] =	sst s1;
	(tag) =	ssettag s2;
	_ =	strace s9  }
0x27: {  	s1 =	sld [smem:$0x3FAA]  }
0x28: {  	s2 =	sld [smem:$0x3FAB]  }
0x29: {  	s4 =	sld [smem:$0x3FAD]  }
0x2a: {  	p0 =	seq.s32 s5, $0x0;
	s5 =	sld [smem:$0x3FAE]  }
0x2b: {  	s6 =	sld [smem:$0x3FAF]  }
0x2c: {  	s7 =	sld [smem:$0x3FB0]  }
0x2d: {  	s3 =	simm.s32 $0x108;
	s8 =	sld [smem:$0x3FB1]  }
0x2e: {  	s3 =	simm.s32 @!p0 $0x1082;
	s9 =	sld [smem:$0x3FB2]  }
0x2f: {  	lr =	sadd.s32 s0, s3;
	s0 =	sld [smem:$0x3FA9]  }
0x30: {  	s3 =	sld [smem:$0x3FAC]  }
0x31: {  	[smem:$0x3FB5] =	sst s10  }
0x32: {  	s10 =	sld [smem:$0x3FB3];
	_ =	sdelay $0x3  }
0x33: {  	p0 =	seq.s32 s10, $0x1;
	s10 =	sld [smem:$0x3FB5];
	_ =	sdelay $0x3  }
0x34: {  	[smem:$0x3FB5] =	sst s10  }
0x35: {  	s10 =	sld [smem:$0x3FB4];
	_ =	sdelay $0x3  }
0x36: {  	p1 =	seq.s32 s10, $0x1;
	s10 =	sld [smem:$0x3FB5];
	_ =	sdelay $0x3  }
0x37: {  	[smem:$0x3FB5] =	sst s10  }
0x38: {  	s10 =	sld [smem:$0x3FB6]  }
0x39: {  	_ = 	snop;
	(pc) =	sbr.ind lr, $3  }
0x3a: {  	_ = 	snop  }
0x3b: {  	_ = 	snop  }
0x3c: {  	p2 =	seq.s32 s10, $0x1;
	s10 =	sld [smem:$0x3FB5]  }
0x3d: {  	_ =	shalt  }
0x3e: {  	_ =	shalt  }
0x3f: {  	_ =	shalt  }
0x40: {  	_ =	shalt  }
0x41: {  	_ =	shalt  }
0x42: {  	_ =	shalt  }
0x43: {  	_ =	shalt  }
0x44: {  	_ =	shalt  }
0x45: {  	_ =	shalt  }
0x46: {  	_ =	shalt  }
0x47: {  	_ =	shalt  }
0x48: {  	_ =	shalt  }
0x49: {  	_ =	shalt  }
0x4a: {  	_ =	shalt  }
0x4b: {  	_ =	shalt  }
0x4c: {  	_ =	shalt  }
0x4d: {  	_ =	shalt  }
0x4e: {  	_ =	shalt  }
0x4f: {  	_ =	shalt  }
0x50: {  	_ =	shalt  }
0x51: {  	_ =	shalt  }
0x52: {  	_ =	shalt  }
0x53: {  	_ =	shalt  }
0x54: {  	_ =	shalt  }
0x55: {  	_ =	shalt  }
0x56: {  	_ =	shalt  }
0x57: {  	_ =	shalt  }
0x58: {  	_ =	shalt  }
0x59: {  	_ =	shalt  }
0x5a: {  	_ =	shalt  }
0x5b: {  	_ =	shalt  }
0x5c: {  	_ =	shalt  }
0x5d: {  	_ =	shalt  }
0x5e: {  	_ =	shalt  }
0x5f: {  	_ =	shalt  }
0x60: {  	_ =	shalt  }
0x61: {  	_ =	shalt  }
0x62: {  	_ =	shalt  }
0x63: {  	_ =	shalt  }
0x64: {  	_ =	shalt  }
0x65: {  	_ =	shalt  }
0x66: {  	_ =	shalt  }
0x67: {  	_ =	shalt  }
0x68: {  	_ =	shalt  }
0x69: {  	_ =	shalt  }
0x6a: {  	_ =	shalt  }
0x6b: {  	_ =	shalt  }
0x6c: {  	_ =	shalt  }
0x6d: {  	_ =	shalt  }
0x6e: {  	_ =	shalt  }
0x6f: {  	_ =	shalt  }
0x70: {  	_ =	shalt  }
0x71: {  	_ =	shalt  }
0x72: {  	_ =	shalt  }
0x73: {  	_ =	shalt  }
0x74: {  	_ =	shalt  }
0x75: {  	_ =	shalt  }
0x76: {  	_ =	shalt  }
0x77: {  	_ =	shalt  }
0x78: {  	_ =	shalt  }
0x79: {  	_ =	shalt  }
0x7a: {  	_ =	shalt  }
0x7b: {  	_ =	shalt  }
0x7c: {  	_ =	shalt  }
0x7d: {  	_ =	shalt  }
0x7e: {  	_ =	shalt  }
0x7f: {  	_ =	shalt  }
0x80: {  	_ =	shalt  }
0x81: {  	_ =	shalt  }
0x82: {  	_ =	shalt  }
0x83: {  	_ =	shalt  }
0x84: {  	_ =	shalt  }
0x85: {  	_ =	shalt  }
0x86: {  	_ =	shalt  }
0x87: {  	_ =	shalt  }
.Lfunc_end0:
.L_simem_size_0:
called_computation_lowered:
.L_overlay_start_0:
0x88: {  	s2 =	sld [smem:$0x3FD9]  }
0x89: {  	s3 =	sld [smem:$0x3FFE];
	_ =	sdelay $0x1  }
0x8a: {  	s1 =	srdreg.scid  }
0x8b: {  	s0 =	sand.u32 $0x1, s1  }
0x8c: {  	s17 =	sshll.u32 s0, $0xA;
	s2 =	sadd.s32 s3, s2  }
0x8d: {  	s2 =	sadd.s32 s2, s17  }
0x8e: {  	[smem:$0x3FC1] =	sst s2  }
0x8f: {  	_ = 	snop  }
0x90: {  	s2 =	sld [smem:$0x3FC9]  }
0x91: {  	s18 =	sld [smem:$0x3FD0];
	(tm) =	ssettm $0x1  }
0x92: {  	s4 =	sld [smem:$0x3FFB];
	_ =	sdelay $0x3  }
0x93: {  	_ =	strace s4  }
0x94: {  	s4 =	sld [smem:$0x3FFC];
	_ =	sdelay $0x3  }
0x95: {  	_ =	strace s4  }
0x96: {  	s4 =	sld [smem:$0x3FFD];
	_ =	sdelay $0x3  }
0x97: {  	_ =	strace s4  }
0x98: {  	_ =	strace $0x8FFFFFFF  }
0x99: {  	s19 =	sld [smem:$0x3FDB];
	_ =	sdelay $0x1  }
0x9a: {  	s5 =	simm.s32 $_scs_section_size  }
0x9b: {  	s6 =	simm.s32 $_size__tile_overlayer_lowered;
	s7 =	simm.s32 $_tile_overlayer_lowered  }
0x9c: {  	s22 =	simm.s32 $0x1BFF;
	s21 =	sshll.u32 s7, $0x1;
	s4 =	sadd.s32 s5, s19  }
0x9d: {  	s8 =	simm.s32 $0x0;
	s20 =	sshll.u32 s6, $0x1;
	s6 =	sadd.s32 s21, s4  }
0x9e: {  	[timem:s8], [sflag:s22] =	dma.local [hbm:s6], s20  }
0x9f: {  	_ =	swait.ge [sflag:s22], s20  }
0xa0: {  	s5 =	ssub.s32 $0x0, s20;
	[sflag:s22] =	ssyncset.done $0x0  }
0xa1: {  	[sflag:s22] =	ssyncadd.s32 s5;
	_ =	sdelay $0x1  }
0xa2: {  	s23 =	simm.s32 $0x1B8B  }
0xa3: {  	_ =	swait.ge [sflag:s23], $0x1  }
0xa4: {  	[sflag:s23] =	ssyncset.done $0x0  }
0xa5: {  	s25 =	simm.s32 $0x1B8E;
	s24 =	sld [smem:$0x3FFE];
	[sflag:s23] =	ssyncadd.s32 $0xFFFFFFFF  }
0xa6: {  	s26 =	simm.s32 $execute0_lowered;
	[smem:$0x3FD2] =	sst s25  }
0xa7: {  	s6 =	sshll.u32 s26, $0x1;
	_ =	strace $0x80000046;
	[dreg:$0x1] =	wrdreg $0xFFFFFFFF  }
0xa8: {  	s28 =	simm.s32 $_size_execute0_lowered;
	s4 =	sadd.s32 s4, s6;
	[dreg:$0x0] =	wrdreg $0x0  }
0xa9: {  	s6 =	sshll.u32 s28, $0x1;
	[dreg:$0x2] =	wrdreg s4  }
0xaa: {  	[dreg:$0x3] =	wrdreg s6  }
0xab: {  	[dreg:$0x4] =	wrdreg $0xC0  }
0xac: {  	_ =	task [dreg:s8], $0x5FFFF  }
0xad: {  	[dreg:$0x1] =	wrdreg $0xFFFFFFFF  }
0xae: {  	[dreg:$0x0] =	wrdreg $0x60  }
0xaf: {  	[dreg:$0x2] =	wrdreg s2  }
0xb0: {  	[dreg:$0x3] =	wrdreg s18  }
0xb1: {  	[dreg:$0x4] =	wrdreg s24  }
0xb2: {  	[dreg:$0x5] =	wrdreg $0xB0000  }
0xb3: {  	[dreg:$0x6] =	wrdreg $0x9  }
0xb4: {  	_ =	task.clear_ibuf [dreg:s8], $0x7FFFF;
	_ =	strace $0x90000046  }
0xb5: {  	s29 =	simm.s32 $0x9;
	_ =	strace $0x80000048  }
0xb6: {  	_ =	swait.ge [sflag:s29], $0x1  }
0xb7: {  	[sflag:s29] =	ssyncadd.s32 $0xFFFFFFFF  }
0xb8: {  	_ =	strace $0x90000048  }
0xb9: {  	_ =	sfence  }
0xba: {  	s30 =	sld [smem:$0x0];
	_ =	sdelay $0x2  }
0xbb: {  	s31 =	sshll.u32 s1, $0xD;
	s1 =	sshrl.u32 s1, $0x2  }
0xbc: {  	s3 =	sand.u32 $0x4000, s31;
	s1 =	sadd.s32 s1, s30  }
0xbd: {  	s0 =	sor.u32 s3, s0;
	s1 =	sshll.u32 s1, $0x11  }
0xbe: {  	s0 =	sor.u32 s1, s0  }
0xbf: {  	s0 =	sadd.s32 $0x8F2B, s0  }
0xc0: {  	[sflag:s0] =	ssyncadd.remote.s32 $0x1  }
0xc1: {  	_ =	sfence.sel $0xFFFF  }
0xc2: {  	[dreg:$0x0] =	wrdreg $0xFFFFFFFF;
	(pc) =	sbr.abs _section_cstart, $3  }
0xc3: {  	[dreg:$0x1] =	wrdreg $0xFFFFFFFF  }
0xc4: {  	_ =	task.clear_ibuf [dreg:s8], $0x2FFFF;
	_ =	strace $0x9FFFFFFF  }
0xc5: {  	(tm) =	ssettm $0x7FFFFFFF  }
tec
execute0_lowered:
.L_overlay_start_1:
0x0: {  	(tag) =	ssettag $0x1  }
0x1: {  	s0 =	rddreg [dreg:$0x2]  }
0x2: {  	s4 =	rddreg [dreg:$0x3]  }
0x3: {  	s2 =	srdreg.scid;
	s1 =	stileid.u32;
	s6 =	simm.s32 $0x0  }
0x4: {  	s28 =	simm.s32 $0x2;
	s2 =	sand.u32 $0x1, s2;
	s3 =	sshll.u32 s1, $0x1  }
0x5: {  	s5 =	sshrl.u32 s1, $0x2;
	[smem:$0x7FF] =	sst s6;
	s20 =	smul.u32 $0x50000, s1  }
0x6: {  	s19 =	sadd.s32 $0x1400, s0;
	s8 =	sadd.s32 $0x15400, s0;
	s10 =	smul.u32 $0x14000, s1  }
0x7: {  	s3 =	sor.u32 s2, s3;
	s5 =	smul.u32 $0x14000, s5;
	_ =	strace $0x80000047  }
0x8: {  	[dreg:$0x5] =	wrdreg s19;
	s9 =	ssub.s32 $0x2, s2;
	s2 =	smul.u32 $0x140000, s2  }
0x9: {  	s7 =	sshll.u32 s3, $0x7;
	s21 =	sshrl.u32 s9, $0x1;
	s22 =	sadd.s32 $0x4000, s10  }
0xa: {  	s23 =	sadd.s32 $0x8000, s10;
	s11 =	sadd.s32 $0xC000, s10;
	s13 =	sadd.s32 $0x10000, s10  }
0xb: {  	s3 =	smul.u32 $0x2800, s3;
	s7 =	sand.u32 $0x380, s7;
	s6 =	sadd.s32 s22, s4  }
0xc: {  	s12 =	sadd.s32 s23, s4;
	s14 =	sadd.s32 s11, s4;
	s10 =	sadd.s32 s10, s2  }
0xd: {  	s15 =	sadd.s32 s13, s4;
	s26 =	sadd.s32 s2, s23;
	[dreg:$0xb] =	wrdreg s3  }
0xe: {  	s29 =	sadd.s32 s2, s11;
	s23 =	simm.s32 $0x80;
	[dreg:$0x7] =	wrdreg s6  }
0xf: {  	s5 =	sor.u32 s5, s7;
	s7 =	sshrl.u32 s20, $0x2;
	[dreg:$0x8] =	wrdreg s12  }
0x10: {  	s10 =	sshrl.u32 s10, $0x3;
	s3 =	sshrl.u32 s26, $0x3;
	[dreg:$0x9] =	wrdreg s14  }
0x11: {  	s20 =	simm.s32 $0x800;
	[dreg:$0xa] =	wrdreg s15;
	s5 =	sshrl.u32 s5, $0x3  }
0x12: {  	s1 =	sadd.s32 s7, s4;
	s7 =	sadd.s32 s2, s22;
	s24 =	sadd.s32 s8, s10  }
0x13: {  	s2 =	sadd.s32 s2, s13;
	s3 =	sadd.s32 s8, s3;
	[dreg:$0xc] =	wrdreg s24  }
0x14: {  	s0 =	sadd.s32 s5, s0;
	s7 =	sshrl.u32 s7, $0x3;
	[dreg:$0xe] =	wrdreg s3  }
0x15: {  	s2 =	sshrl.u32 s2, $0x3;
	[dreg:$0x6] =	wrdreg s1;
	s25 =	sadd.s32 s8, s7  }
0x16: {  	s5 =	ssub.s32 s9, s21;
	s2 =	sadd.s32 s8, s2;
	[dreg:$0xd] =	wrdreg s25  }
0x17: {  	s21 =	simm.s32 $0x3;
	s0 =	sadd.s32 $0xB400, s0;
	[dreg:$0x10] =	wrdreg s2  }
0x18: {  	s7 =	sshrl.u32 s29, $0x3;
	s31 =	smax.u32 s5, $0x1;
	[dreg:$0x11] =	wrdreg s0  }
0x19: {  	s24 =	simm.s32 $0x4800;
	s30 =	sadd.s32 s8, s7;
	[dreg:$0x12] =	wrdreg s31  }
0x1a: {  	v0 =	vimm.f32 $0.0e+00;
	v1 =	vlaneseq.u32;
	s25 =	simm.s32 $0x1;
	s2 =	simm.s32 $0x0;
	[dreg:$0xf] =	wrdreg s30  }
.LBB2_1:
0x1b: {  	[dreg:$0x13] =	wrdreg s2;
	s0 =	simm.s32 $0x0;
	s2 =	simm.s32 $0x200  }
.LBB2_2:
0x1c: {  	p0 =	sne.s32 s2, $0xFE00;
	[tilespmem:s0+$0x870] =	vst v0  }
0x1d: {  	[tilespmem:s0+$0x800] =	vst v0  }
0x1e: {  	[tilespmem:s0+$0x810] =	vst v0  }
.Ltmp0:
0x1f: {  	[tilespmem:s0+$0x820] =	vst v0;
	(pc) =	sbr.rel @p0 .LBB2_2-.Ltmp0, $4  }
0x20: {  	[tilespmem:s0+$0x830] =	vst v0  }
0x21: {  	[tilespmem:s0+$0x840] =	vst v0  }
0x22: {  	[tilespmem:s0+$0x850] =	vst v0  }
0x23: {  	[tilespmem:s0+$0x860] =	vst v0;
	s0 =	sshra.s32 s2, $0x2;
	s2 =	sadd.s32 $0x200, s2  }
0x24: {  	[tilespmem:s0+$0x870] =	vst v0  }
0x25: {  	[tilespmem:s0+$0x800] =	vst v0  }
0x26: {  	[tilespmem:s0+$0x810] =	vst v0  }
0x27: {  	[tilespmem:s0+$0x820] =	vst v0  }
0x28: {  	[tilespmem:s0+$0x830] =	vst v0  }
0x29: {  	[tilespmem:s0+$0x840] =	vst v0  }
0x2a: {  	[tilespmem:s0+$0x850] =	vst v0  }
0x2b: {  	[tilespmem:s0+$0x860] =	vst v0;
	s0 =	simm.s32 $0x40;
	s2 =	simm.s32 $0x0  }
.LBB2_4:
0x2c: {  	p0 =	sne.s32 s0, $0x9FC0;
	[tilespmem:s2+$0x8800] =	vst v0;
	s2 =	smov.u32 s0;
	s0 =	sadd.s32 $0x40, s0  }
.Ltmp1:
0x2d: {  	(pc) =	sbr.rel @p0 .LBB2_4-.Ltmp1, $2  }
0x2e: {  	_ =	sdelay $0x2  }
0x2f: {  	s2 =	sshra.s32 s2, $0x2  }
0x30: {  	[tilespmem:s2+$0x8800] =	vst v0  }
0x31: {  	[spmem:s1] =	stream.linear.scatter [tilespmem:s20], [sflag:$0x3], $0x4000, $0x38;
	[tilespmem:$0x1F000] =	vst v63  }
0x32: {  	_ =	swait.ge [sflag:s21], $0x4000  }
0x33: {  	[sflag:s21] =	ssyncset.done $0x0  }
0x34: {  	[sflag:s21] =	ssyncadd.s32 $0xFFFFC000  }
0x35: {  	[spmem:s6] =	stream.linear.scatter [tilespmem:s20], [sflag:$0x3], $0x4000, $0x38;
	[tilespmem:$0x1F000] =	vst v63  }
0x36: {  	_ =	swait.ge [sflag:s21], $0x4000  }
0x37: {  	[sflag:s21] =	ssyncset.done $0x0  }
0x38: {  	[sflag:s21] =	ssyncadd.s32 $0xFFFFC000  }
0x39: {  	[spmem:s12] =	stream.linear.scatter [tilespmem:s20], [sflag:$0x3], $0x4000, $0x38;
	[tilespmem:$0x1F000] =	vst v63  }
0x3a: {  	_ =	swait.ge [sflag:s21], $0x4000  }
0x3b: {  	[sflag:s21] =	ssyncset.done $0x0  }
0x3c: {  	[sflag:s21] =	ssyncadd.s32 $0xFFFFC000  }
0x3d: {  	[spmem:s14] =	stream.linear.scatter [tilespmem:s20], [sflag:$0x3], $0x4000, $0x38;
	[tilespmem:$0x1F000] =	vst v63  }
0x3e: {  	_ =	swait.ge [sflag:s21], $0x4000  }
0x3f: {  	[sflag:s21] =	ssyncset.done $0x0  }
0x40: {  	[sflag:s21] =	ssyncadd.s32 $0xFFFFC000  }
0x41: {  	[spmem:s15] =	stream.linear.scatter [tilespmem:s20], [sflag:$0x3], $0x4000, $0x38;
	[tilespmem:$0x1F000] =	vst v63  }
0x42: {  	_ =	swait.ge [sflag:s21], $0x4000  }
0x43: {  	[sflag:s21] =	ssyncset.done $0x0  }
0x44: {  	[sflag:s21] =	ssyncadd.s32 $0xFFFFC000  }
0x45: {  	s9 =	simm.s32 $0x0;
	[bflag:$0x0] =	sbarrier.arrive $0xFFFF  }
.LBB2_6:
0x46: {  	s0 =	sshll.u32 s9, $0xA;
	s1 =	rddreg [dreg:$0xb]  }
0x47: {  	s0 =	sadd.s32 s1, s0  }
0x48: {  	s5 =	rddreg [dreg:$0x1];
	s0 =	sshrl.u32 s0, $0x3  }
0x49: {  	s3 =	simm.s32 $0x0;
	s2 =	sadd.s32 s5, s0  }
0x4a: {  	[tilespmem:s3], [sflag:$0x3] =	stream.linear.gather [hbm4b:s2+s3], $0x400, $0x38;
	[tilespmem:$0x1F000] =	vst v63  }
0x4b: {  	_ =	swait.ge [sflag:s21], $0x400  }
0x4c: {  	[sflag:s21] =	ssyncset.done $0x0;
	s6 =	rddreg [dreg:$0x5]  }
0x4d: {  	s7 =	simm.s32 $0x400;
	[sflag:s21] =	ssyncadd.s32 $0xFFFFFC00;
	s0 =	sadd.s32 s6, s0  }
0x4e: {  	[tilespmem:s7], [sflag:$0x3] =	stream.linear.gather [hbm4b:s0+s3], $0x400, $0x38;
	[tilespmem:$0x1F000] =	vst v63  }
0x4f: {  	_ =	swait.ge [sflag:s21], $0x400  }
0x50: {  	[sflag:s21] =	ssyncset.done $0x0  }
0x51: {  	[sflag:s21] =	ssyncadd.s32 $0xFFFFFC00  }
0x52: {  	s8 =	rddreg [dreg:$0x0]  }
0x53: {  	[tilespmem:s20], [sflag:$0x1] =	stream.indirect.gather [hbm4b:s8+s23], $0x80, s3, s23, $0xb8;
	[tilespmem:$0x1F000] =	vst v63  }
0x54: {  	_ = 	snop  }
0x55: {  	[tilespmem:s24], [sflag:$0x2] =	stream.indirect.gather [hbm4b:s8+s23], $0x80, s23, s23, $0xb8;
	[tilespmem:$0x1F000] =	vst v63  }
0x56: {  	_ =	swait.ge [sflag:s25], $0x4000  }
0x57: {  	[sflag:s25] =	ssyncset.done $0x0  }
0x58: {  	[sflag:s25] =	ssyncadd.s32 $0xFFFFC000  }
0x59: {  	[spmem:s4] =	stream.indirect.scatter.add.f32 [tilespmem:s20], [sflag:$0x3], $0x80, s7, s23, $0xb8;
	[tilespmem:$0x1F000] =	vst v63  }
0x5a: {  	_ =	swait.ge [sflag:s21], $0x4000  }
0x5b: {  	[sflag:s21] =	ssyncset.done $0x0  }
0x5c: {  	s10 =	simm.s32 $0x100;
	[sflag:s21] =	ssyncadd.s32 $0xFFFFC000  }
0x5d: {  	[tilespmem:s20], [sflag:$0x1] =	stream.indirect.gather [hbm4b:s8+s23], $0x80, s10, s23, $0xb8;
	[tilespmem:$0x1F000] =	vst v63  }
0x5e: {  	_ =	swait.ge [sflag:s28], $0x4000  }
0x5f: {  	[sflag:s28] =	ssyncset.done $0x0  }
0x60: {  	s11 =	simm.s32 $0x480;
	[sflag:s28] =	ssyncadd.s32 $0xFFFFC000  }
0x61: {  	[spmem:s4] =	stream.indirect.scatter.add.f32 [tilespmem:s24], [sflag:$0x3], $0x80, s11, s23, $0xb8;
	[tilespmem:$0x1F000] =	vst v63  }
0x62: {  	_ =	swait.ge [sflag:s21], $0x4000  }
0x63: {  	[sflag:s21] =	ssyncset.done $0x0  }
0x64: {  	s12 =	simm.s32 $0x180;
	[sflag:s21] =	ssyncadd.s32 $0xFFFFC000  }
0x65: {  	[tilespmem:s24], [sflag:$0x2] =	stream.indirect.gather [hbm4b:s8+s23], $0x80, s12, s23, $0xb8;
	[tilespmem:$0x1F000] =	vst v63  }
0x66: {  	_ =	swait.ge [sflag:s25], $0x4000  }
0x67: {  	[sflag:s25] =	ssyncset.done $0x0  }
0x68: {  	s13 =	simm.s32 $0x500;
	[sflag:s25] =	ssyncadd.s32 $0xFFFFC000  }
0x69: {  	[spmem:s4] =	stream.indirect.scatter.add.f32 [tilespmem:s20], [sflag:$0x3], $0x80, s13, s23, $0xb8;
	[tilespmem:$0x1F000] =	vst v63  }
0x6a: {  	_ =	swait.ge [sflag:s21], $0x4000  }
0x6b: {  	[sflag:s21] =	ssyncset.done $0x0  }
0x6c: {  	s14 =	simm.s32 $0x200;
	[sflag:s21] =	ssyncadd.s32 $0xFFFFC000  }
0x6d: {  	[tilespmem:s20], [sflag:$0x1] =	stream.indirect.gather [hbm4b:s8+s23], $0x80, s14, s23, $0xb8;
	[tilespmem:$0x1F000] =	vst v63  }
0x6e: {  	_ =	swait.ge [sflag:s28], $0x4000  }
0x6f: {  	[sflag:s28] =	ssyncset.done $0x0  }
0x70: {  	s15 =	simm.s32 $0x580;
	[sflag:s28] =	ssyncadd.s32 $0xFFFFC000  }
0x71: {  	[spmem:s4] =	stream.indirect.scatter.add.f32 [tilespmem:s24], [sflag:$0x3], $0x80, s15, s23, $0xb8;
	[tilespmem:$0x1F000] =	vst v63  }
0x72: {  	_ =	swait.ge [sflag:s21], $0x4000  }
0x73: {  	[sflag:s21] =	ssyncset.done $0x0  }
0x74: {  	s16 =	simm.s32 $0x280;
	[sflag:s21] =	ssyncadd.s32 $0xFFFFC000  }
0x75: {  	[tilespmem:s24], [sflag:$0x2] =	stream.indirect.gather [hbm4b:s8+s23], $0x80, s16, s23, $0xb8;
	[tilespmem:$0x1F000] =	vst v63  }
0x76: {  	_ =	swait.ge [sflag:s25], $0x4000  }
0x77: {  	[sflag:s25] =	ssyncset.done $0x0  }
0x78: {  	s17 =	simm.s32 $0x600;
	[sflag:s25] =	ssyncadd.s32 $0xFFFFC000  }
0x79: {  	[spmem:s4] =	stream.indirect.scatter.add.f32 [tilespmem:s20], [sflag:$0x3], $0x80, s17, s23, $0xb8;
	[tilespmem:$0x1F000] =	vst v63  }
0x7a: {  	_ =	swait.ge [sflag:s21], $0x4000  }
0x7b: {  	[sflag:s21] =	ssyncset.done $0x0  }
0x7c: {  	s18 =	simm.s32 $0x300;
	[sflag:s21] =	ssyncadd.s32 $0xFFFFC000  }
0x7d: {  	[tilespmem:s20], [sflag:$0x1] =	stream.indirect.gather [hbm4b:s8+s23], $0x80, s18, s23, $0xb8;
	[tilespmem:$0x1F000] =	vst v63  }
0x7e: {  	_ =	swait.ge [sflag:s28], $0x4000  }
0x7f: {  	[sflag:s28] =	ssyncset.done $0x0  }
0x80: {  	s19 =	simm.s32 $0x680;
	[sflag:s28] =	ssyncadd.s32 $0xFFFFC000  }
0x81: {  	[spmem:s4] =	stream.indirect.scatter.add.f32 [tilespmem:s24], [sflag:$0x3], $0x80, s19, s23, $0xb8;
	[tilespmem:$0x1F000] =	vst v63  }
0x82: {  	_ =	swait.ge [sflag:s21], $0x4000  }
0x83: {  	[sflag:s21] =	ssyncset.done $0x0  }
0x84: {  	s22 =	simm.s32 $0x380;
	[sflag:s21] =	ssyncadd.s32 $0xFFFFC000  }
0x85: {  	[tilespmem:s24], [sflag:$0x2] =	stream.indirect.gather [hbm4b:s8+s23], $0x80, s22, s23, $0xb8;
	[tilespmem:$0x1F000] =	vst v63  }
0x86: {  	_ =	swait.ge [sflag:s25], $0x4000  }
0x87: {  	[sflag:s25] =	ssyncset.done $0x0  }
0x88: {  	s26 =	simm.s32 $0x700;
	[sflag:s25] =	ssyncadd.s32 $0xFFFFC000  }
0x89: {  	[spmem:s4] =	stream.indirect.scatter.add.f32 [tilespmem:s20], [sflag:$0x3], $0x80, s26, s23, $0xb8;
	[tilespmem:$0x1F000] =	vst v63  }
0x8a: {  	_ =	swait.ge [sflag:s21], $0x4000  }
0x8b: {  	[sflag:s21] =	ssyncset.done $0x0  }
0x8c: {  	[sflag:s21] =	ssyncadd.s32 $0xFFFFC000  }
0x8d: {  	_ =	swait.ge [sflag:s28], $0x4000  }
0x8e: {  	[sflag:s28] =	ssyncset.done $0x0  }
0x8f: {  	s29 =	simm.s32 $0x780;
	[sflag:s28] =	ssyncadd.s32 $0xFFFFC000  }
0x90: {  	[spmem:s4] =	stream.indirect.scatter.add.f32 [tilespmem:s24], [sflag:$0x3], $0x80, s29, s23, $0xb8;
	[tilespmem:$0x1F000] =	vst v63  }
0x91: {  	s30 =	sand.u32 $0xE00, s3;
	_ =	swait.ge [sflag:s21], $0x4000  }
0x92: {  	s31 =	sand.u32 $0x70, s3;
	s0 =	sshrl.u32 s30, $0x2;
	[sflag:s21] =	ssyncset.done $0x0  }
0x93: {  	s0 =	sor.u32 s31, s0;
	[sflag:s21] =	ssyncadd.s32 $0xFFFFC000  }
0x94: {  	v2 =	vld [tilespmem:s0+$0x400];
	_ =	sdelay $0x4  }
0x95: {  	(v2sf) =	vpush v2, $0x0;
	_ =	sdelay $0x7  }
0x96: {  	(v2sf) =	vpush v2, $0x1;
	_ =	sdelay $0x6  }
0x97: {  	s1 =	spop (v2sf)  }
0x98: {  	(v2sf) =	vpush v2, $0x2;
	s6 =	sand.u32 $0xF, s1  }
0x99: {  	s7 =	sshra.s32 s1, $0x1F;
	p0 =	slt.s32 s1, $0x1;
	p1 =	sne.s32 s6, $0x0  }
0x9a: {  	s8 =	sshrl.u32 s7, $0x1C;
	p0 =	por !p0, !p1  }
0x9b: {  	s3 =	simm.s32 $0x1;
	s2 =	sadd.s32 s8, s1;
	p0 =	por !p0, !p0  }
0x9c: {  	s2 =	sshrl.u32 s2, $0x4;
	s3 =	simm.s32 @!p0 $0x0  }
0x9d: {  	s2 =	ssub.s32 s2, s3  }
0x9e: {  	s2 =	sshll.u32 s2, $0x4  }
0x9f: {  	s10 =	spop (v2sf);
	v3 =	vld [tilespmem:s2+$0x8800]  }
0xa0: {  	(v2sf) =	vpush v2, $0x3;
	s5 =	sand.u32 $0xF, s10;
	s0 =	ssub.s32 s1, s2  }
0xa1: {  	s11 =	sshra.s32 s10, $0x1F;
	p2 =	slt.s32 s10, $0x1;
	p1 =	sne.s32 s5, $0x0;
	v4 =	vmov s0  }
0xa2: {  	s12 =	sshrl.u32 s11, $0x1C;
	p0 =	por !p2, !p1;
	vm0 =	veq.s32 v4, v1  }
0xa3: {  	s5 =	simm.s32 $0x1;
	p0 =	por !p0, !p0;
	s0 =	sadd.s32 s12, s10;
	v4 =	vsel vm0, $0x3F800000, v0  }
0xa4: {  	s5 =	simm.s32 @!p0 $0x0;
	s0 =	sshrl.u32 s0, $0x4;
	v3 =	vadd.f32 v4, v3  }
0xa5: {  	s0 =	ssub.s32 s0, s5  }
0xa6: {  	s0 =	sshll.u32 s0, $0x4;
	[tilespmem:s2+$0x8800] =	vst v3  }
0xa7: {  	s13 =	spop (v2sf);
	v3 =	vld [tilespmem:s0+$0x8800]  }
0xa8: {  	(v2sf) =	vpush v2, $0x4;
	s14 =	sand.u32 $0xF, s13;
	s3 =	ssub.s32 s10, s0  }
0xa9: {  	s7 =	sshra.s32 s13, $0x1F;
	p3 =	slt.s32 s13, $0x1;
	p4 =	sne.s32 s14, $0x0;
	v4 =	vmov s3  }
0xaa: {  	s15 =	sshrl.u32 s7, $0x1C;
	p0 =	por !p3, !p4;
	vm13 =	veq.s32 v4, v1  }
0xab: {  	p0 =	por !p0, !p0;
	s5 =	simm.s32 $0x1;
	s3 =	sadd.s32 s15, s13;
	v4 =	vsel vm13, $0x3F800000, v0  }
0xac: {  	s5 =	simm.s32 @!p0 $0x0;
	s3 =	sshrl.u32 s3, $0x4;
	v3 =	vadd.f32 v4, v3  }
0xad: {  	s3 =	ssub.s32 s3, s5  }
0xae: {  	s16 =	sshll.u32 s3, $0x4;
	[tilespmem:s0+$0x8800] =	vst v3  }
0xaf: {  	s17 =	spop (v2sf);
	v3 =	vld [tilespmem:s16+$0x8800]  }
0xb0: {  	(v2sf) =	vpush v2, $0x5;
	s18 =	sand.u32 $0xF, s17;
	s2 =	ssub.s32 s13, s16  }
0xb1: {  	p5 =	slt.s32 s17, $0x1;
	s19 =	sshra.s32 s17, $0x1F;
	p6 =	sne.s32 s18, $0x0;
	v4 =	vmov s2  }
0xb2: {  	s22 =	sshrl.u32 s19, $0x1C;
	p0 =	por !p5, !p6;
	vm14 =	veq.s32 v4, v1  }
0xb3: {  	s5 =	simm.s32 $0x1;
	p0 =	por !p0, !p0;
	s2 =	sadd.s32 s22, s17;
	v4 =	vsel vm14, $0x3F800000, v0  }
0xb4: {  	s5 =	simm.s32 @!p0 $0x0;
	s2 =	sshrl.u32 s2, $0x4;
	v3 =	vadd.f32 v4, v3  }
0xb5: {  	s2 =	ssub.s32 s2, s5  }
0xb6: {  	s26 =	sshll.u32 s2, $0x4;
	[tilespmem:s16+$0x8800] =	vst v3  }
0xb7: {  	s29 =	spop (v2sf);
	v3 =	vld [tilespmem:s26+$0x8800]  }
0xb8: {  	(v2sf) =	vpush v2, $0x6;
	s30 =	sand.u32 $0xF, s29;
	s3 =	ssub.s32 s17, s26  }
0xb9: {  	s31 =	sshra.s32 s29, $0x1F;
	p1 =	slt.s32 s29, $0x1;
	p2 =	sne.s32 s30, $0x0;
	v4 =	vmov s3  }
0xba: {  	s1 =	sshrl.u32 s31, $0x1C;
	p0 =	por !p1, !p2;
	vm15 =	veq.s32 v4, v1  }
0xbb: {  	p0 =	por !p0, !p0;
	s5 =	simm.s32 $0x1;
	s3 =	sadd.s32 s1, s29;
	v4 =	vsel vm15, $0x3F800000, v0  }
0xbc: {  	s5 =	simm.s32 @!p0 $0x0;
	s3 =	sshrl.u32 s3, $0x4;
	v3 =	vadd.f32 v4, v3  }
0xbd: {  	s3 =	ssub.s32 s3, s5  }
0xbe: {  	s3 =	sshll.u32 s3, $0x4;
	[tilespmem:s26+$0x8800] =	vst v3  }
0xbf: {  	s6 =	spop (v2sf);
	v3 =	vld [tilespmem:s3+$0x8800]  }
0xc0: {  	(v2sf) =	vpush v2, $0x7;
	s7 =	sand.u32 $0xF, s6;
	s2 =	ssub.s32 s29, s3  }
0xc1: {  	p3 =	slt.s32 s6, $0x1;
	s8 =	sshra.s32 s6, $0x1F;
	p4 =	sne.s32 s7, $0x0;
	v4 =	vmov s2  }
0xc2: {  	s10 =	sshrl.u32 s8, $0x1C;
	p0 =	por !p3, !p4;
	vm4 =	veq.s32 v4, v1  }
0xc3: {  	s5 =	simm.s32 $0x1;
	p0 =	por !p0, !p0;
	s2 =	sadd.s32 s10, s6;
	v4 =	vsel vm4, $0x3F800000, v0  }
0xc4: {  	s5 =	simm.s32 @!p0 $0x0;
	s2 =	sshrl.u32 s2, $0x4;
	v3 =	vadd.f32 v4, v3  }
0xc5: {  	s2 =	ssub.s32 s2, s5  }
0xc6: {  	s11 =	sshll.u32 s2, $0x4;
	[tilespmem:s3+$0x8800] =	vst v3  }
0xc7: {  	s12 =	spop (v2sf);
	v3 =	vld [tilespmem:s11+$0x8800]  }
0xc8: {  	(v2sf) =	vpush v2, $0x8;
	s13 =	sand.u32 $0xF, s12;
	s3 =	ssub.s32 s6, s11  }
0xc9: {  	s14 =	sshra.s32 s12, $0x1F;
	p6 =	slt.s32 s12, $0x1;
	p5 =	sne.s32 s13, $0x0;
	v4 =	vmov s3  }
0xca: {  	s15 =	sshrl.u32 s14, $0x1C;
	p0 =	por !p6, !p5;
	vm5 =	veq.s32 v4, v1  }
0xcb: {  	p0 =	por !p0, !p0;
	s5 =	simm.s32 $0x1;
	s3 =	sadd.s32 s15, s12;
	v4 =	vsel vm5, $0x3F800000, v0  }
0xcc: {  	s5 =	simm.s32 @!p0 $0x0;
	s3 =	sshrl.u32 s3, $0x4;
	v3 =	vadd.f32 v4, v3  }
0xcd: {  	s3 =	ssub.s32 s3, s5  }
0xce: {  	s16 =	sshll.u32 s3, $0x4;
	[tilespmem:s11+$0x8800] =	vst v3  }
0xcf: {  	s17 =	spop (v2sf);
	v3 =	vld [tilespmem:s16+$0x8800]  }
0xd0: {  	(v2sf) =	vpush v2, $0x9;
	s18 =	sand.u32 $0xF, s17;
	s2 =	ssub.s32 s12, s16  }
0xd1: {  	s19 =	sshra.s32 s17, $0x1F;
	p1 =	slt.s32 s17, $0x1;
	p2 =	sne.s32 s18, $0x0;
	v4 =	vmov s2  }
0xd2: {  	s22 =	sshrl.u32 s19, $0x1C;
	p0 =	por !p1, !p2;
	vm6 =	veq.s32 v4, v1  }
0xd3: {  	p0 =	por !p0, !p0;
	s5 =	simm.s32 $0x1;
	s2 =	sadd.s32 s22, s17;
	v4 =	vsel vm6, $0x3F800000, v0  }
0xd4: {  	s5 =	simm.s32 @!p0 $0x0;
	s2 =	sshrl.u32 s2, $0x4;
	v3 =	vadd.f32 v3, v4  }
0xd5: {  	s2 =	ssub.s32 s2, s5  }
0xd6: {  	s26 =	sshll.u32 s2, $0x4;
	[tilespmem:s16+$0x8800] =	vst v3  }
0xd7: {  	s29 =	spop (v2sf);
	v3 =	vld [tilespmem:s26+$0x8800]  }
0xd8: {  	(v2sf) =	vpush v2, $0xA;
	s30 =	sand.u32 $0xF, s29;
	s3 =	ssub.s32 s17, s26  }
0xd9: {  	p3 =	slt.s32 s29, $0x1;
	s31 =	sshra.s32 s29, $0x1F;
	p4 =	sne.s32 s30, $0x0;
	v4 =	vmov s3  }
0xda: {  	s1 =	sshrl.u32 s31, $0x1C;
	p0 =	por !p3, !p4;
	vm7 =	veq.s32 v4, v1  }
0xdb: {  	p0 =	por !p0, !p0;
	s5 =	simm.s32 $0x1;
	s3 =	sadd.s32 s1, s29;
	v4 =	vsel vm7, $0x3F800000, v0  }
0xdc: {  	s5 =	simm.s32 @!p0 $0x0;
	s3 =	sshrl.u32 s3, $0x4;
	v3 =	vadd.f32 v3, v4  }
0xdd: {  	s3 =	ssub.s32 s3, s5  }
0xde: {  	s6 =	sshll.u32 s3, $0x4;
	[tilespmem:s26+$0x8800] =	vst v3  }
0xdf: {  	s8 =	spop (v2sf);
	v3 =	vld [tilespmem:s6+$0x8800]  }
0xe0: {  	(v2sf) =	vpush v2, $0xB;
	s10 =	sand.u32 $0xF, s8;
	s2 =	ssub.s32 s29, s6  }
0xe1: {  	s11 =	sshra.s32 s8, $0x1F;
	p6 =	slt.s32 s8, $0x1;
	p5 =	sne.s32 s10, $0x0;
	v4 =	vmov s2  }
0xe2: {  	s12 =	sshrl.u32 s11, $0x1C;
	p0 =	por !p6, !p5;
	vm8 =	veq.s32 v4, v1  }
0xe3: {  	s5 =	simm.s32 $0x1;
	p0 =	por !p0, !p0;
	s2 =	sadd.s32 s12, s8;
	v4 =	vsel vm8, $0x3F800000, v0  }
0xe4: {  	s5 =	simm.s32 @!p0 $0x0;
	s2 =	sshrl.u32 s2, $0x4;
	v3 =	vadd.f32 v3, v4  }
0xe5: {  	s2 =	ssub.s32 s2, s5  }
0xe6: {  	s13 =	sshll.u32 s2, $0x4;
	[tilespmem:s6+$0x8800] =	vst v3  }
0xe7: {  	s14 =	spop (v2sf);
	v3 =	vld [tilespmem:s13+$0x8800]  }
0xe8: {  	(v2sf) =	vpush v2, $0xC;
	s15 =	sand.u32 $0xF, s14;
	s3 =	ssub.s32 s8, s13  }
0xe9: {  	s16 =	sshra.s32 s14, $0x1F;
	p1 =	slt.s32 s14, $0x1;
	p2 =	sne.s32 s15, $0x0;
	v4 =	vmov s3  }
0xea: {  	s17 =	sshrl.u32 s16, $0x1C;
	p0 =	por !p1, !p2;
	vm9 =	veq.s32 v4, v1  }
0xeb: {  	p0 =	por !p0, !p0;
	s5 =	simm.s32 $0x1;
	s3 =	sadd.s32 s17, s14;
	v4 =	vsel vm9, $0x3F800000, v0  }
0xec: {  	s5 =	simm.s32 @!p0 $0x0;
	s3 =	sshrl.u32 s3, $0x4;
	v3 =	vadd.f32 v3, v4  }
0xed: {  	s3 =	ssub.s32 s3, s5  }
0xee: {  	s18 =	sshll.u32 s3, $0x4;
	[tilespmem:s13+$0x8800] =	vst v3  }
0xef: {  	s19 =	spop (v2sf);
	v3 =	vld [tilespmem:s18+$0x8800]  }
0xf0: {  	(v2sf) =	vpush v2, $0xD;
	s22 =	sand.u32 $0xF, s19;
	s2 =	ssub.s32 s14, s18  }
0xf1: {  	s26 =	sshra.s32 s19, $0x1F;
	p3 =	slt.s32 s19, $0x1;
	p4 =	sne.s32 s22, $0x0;
	v4 =	vmov s2  }
0xf2: {  	s29 =	sshrl.u32 s26, $0x1C;
	p0 =	por !p3, !p4;
	vm10 =	veq.s32 v4, v1  }
0xf3: {  	s5 =	simm.s32 $0x1;
	p0 =	por !p0, !p0;
	s2 =	sadd.s32 s29, s19;
	v4 =	vsel vm10, $0x3F800000, v0  }
0xf4: {  	s5 =	simm.s32 @!p0 $0x0;
	s2 =	sshrl.u32 s2, $0x4;
	v3 =	vadd.f32 v3, v4  }
0xf5: {  	s2 =	ssub.s32 s2, s5  }
0xf6: {  	s30 =	sshll.u32 s2, $0x4;
	[tilespmem:s18+$0x8800] =	vst v3  }
0xf7: {  	s31 =	spop (v2sf);
	v3 =	vld [tilespmem:s30+$0x8800]  }
0xf8: {  	(v2sf) =	vpush v2, $0xE;
	s1 =	sand.u32 $0xF, s31;
	s3 =	ssub.s32 s19, s30  }
0xf9: {  	p6 =	slt.s32 s31, $0x1;
	p5 =	sne.s32 s1, $0x0;
	s6 =	sshra.s32 s31, $0x1F;
	v4 =	vmov s3  }
0xfa: {  	s7 =	sshrl.u32 s6, $0x1C;
	p0 =	por !p6, !p5;
	vm11 =	veq.s32 v4, v1  }
0xfb: {  	p0 =	por !p0, !p0;
	s5 =	simm.s32 $0x1;
	s3 =	sadd.s32 s7, s31;
	v4 =	vsel vm11, $0x3F800000, v0  }
0xfc: {  	(v2sf) =	vpush v2, $0xF;
	s5 =	simm.s32 @!p0 $0x0;
	s3 =	sshrl.u32 s3, $0x4;
	v2 =	vadd.f32 v3, v4  }
0xfd: {  	s3 =	ssub.s32 s3, s5  }
0xfe: {  	s8 =	sshll.u32 s3, $0x4;
	[tilespmem:s30+$0x8800] =	vst v2  }
0xff: {  	s10 =	spop (v2sf);
	v2 =	vld [tilespmem:s8+$0x8800]  }
0x100: {  	s11 =	sand.u32 $0xF, s10;
	s2 =	ssub.s32 s31, s8  }
0x101: {  	s12 =	sshra.s32 s10, $0x1F;
	p1 =	slt.s32 s10, $0x1;
	p2 =	sne.s32 s11, $0x0;
	v3 =	vmov s2  }
0x102: {  	s13 =	sshrl.u32 s12, $0x1C;
	p0 =	por !p1, !p2;
	vm12 =	veq.s32 v3, v1  }
0x103: {  	p0 =	por !p0, !p0;
	s5 =	simm.s32 $0x1;
	s2 =	sadd.s32 s13, s10;
	v3 =	vsel vm12, $0x3F800000, v0  }
0x104: {  	s5 =	simm.s32 @!p0 $0x0;
	s2 =	sshrl.u32 s2, $0x4;
	v2 =	vadd.f32 v2, v3  }
0x105: {  	s2 =	ssub.s32 s2, s5  }
0x106: {  	s14 =	sshll.u32 s2, $0x4;
	[tilespmem:s8+$0x8800] =	vst v2  }
0x107: {  	s15 =	spop (v2sf);
	v2 =	vld [tilespmem:s14+$0x8800]  }
0x108: {  	s17 =	sand.u32 $0xF, s15;
	s3 =	ssub.s32 s10, s14  }
0x109: {  	s16 =	sshra.s32 s15, $0x1F;
	p4 =	slt.s32 s15, $0x1;
	p3 =	sne.s32 s17, $0x0;
	v3 =	vmov s3  }
0x10a: {  	p0 =	por !p4, !p3;
	s5 =	sshrl.u32 s16, $0x1C;
	vm13 =	veq.s32 v3, v1  }
0x10b: {  	s7 =	simm.s32 $0x1;
	p0 =	por !p0, !p0;
	s18 =	sadd.s32 s5, s15;
	v3 =	vsel vm13, $0x3F800000, v0  }
0x10c: {  	s7 =	simm.s32 @!p0 $0x0;
	s3 =	sshrl.u32 s18, $0x4;
	v2 =	vadd.f32 v2, v3  }
0x10d: {  	s3 =	ssub.s32 s3, s7  }
0x10e: {  	s19 =	spop (v2sf);
	s3 =	sshll.u32 s3, $0x4;
	[tilespmem:s14+$0x8800] =	vst v2  }
0x10f: {  	s22 =	sshra.s32 s19, $0x1F;
	s10 =	sand.u32 $0xF, s19;
	v2 =	vld [tilespmem:s3+$0x8800]  }
0x110: {  	p6 =	slt.s32 s19, $0x1;
	p5 =	sne.s32 s10, $0x0;
	s2 =	ssub.s32 s15, s3  }
0x111: {  	p0 =	por !p6, !p5;
	s7 =	sshrl.u32 s22, $0x1C;
	v3 =	vmov s2  }
0x112: {  	p0 =	por !p0, !p0;
	s26 =	sadd.s32 s7, s19;
	s7 =	simm.s32 $0x1;
	vm14 =	veq.s32 v3, v1  }
0x113: {  	s0 =	sshrl.u32 s26, $0x4;
	s7 =	simm.s32 @!p0 $0x0;
	v3 =	vsel vm14, $0x3F800000, v0  }
0x114: {  	s0 =	ssub.s32 s0, s7;
	v2 =	vadd.f32 v2, v3  }
0x115: {  	s0 =	sshll.u32 s0, $0x4  }
0x116: {  	s29 =	ssub.s32 s19, s0;
	[tilespmem:s3+$0x8800] =	vst v2  }
0x117: {  	s30 =	simm.s32 $0x40;
	v3 =	vmov s29;
	v2 =	vld [tilespmem:s0+$0x8800]  }
0x118: {  	s31 =	sand.u32 $0xE00, s30;
	s10 =	simm.s32 $0x10;
	vm15 =	veq.s32 v3, v1  }
0x119: {  	s11 =	simm.s32 $0x80;
	s2 =	sand.u32 $0x70, s10;
	s3 =	sshrl.u32 s31, $0x2;
	v3 =	vsel vm15, $0x3F800000, v0  }
.LBB2_7:
0x11a: {  	p0 =	sne.s32 s11, $0xFC0  }
0x11b: {  	s2 =	sor.u32 s2, s3;
	s5 =	smov.u32 s11;
	s11 =	sadd.s32 $0x40, s11  }
0x11c: {  	v2 =	vadd.f32 v2, v3;
	_ =	sdelay $0x1  }
0x11d: {  	[tilespmem:s0+$0x8800] =	vst v2  }
0x11e: {  	v2 =	vld [tilespmem:s2+$0x400];
	_ =	sdelay $0x4  }
0x11f: {  	(v2sf) =	vpush v2, $0x0;
	_ =	sdelay $0x1  }
0x120: {  	(v2sf) =	vpush v2, $0x1;
	_ =	sdelay $0x6  }
0x121: {  	(v2sf) =	vpush v2, $0x2  }
0x122: {  	(v2sf) =	vpush v2, $0x3;
	_ =	sdelay $0x4  }
0x123: {  	s0 =	spop (v2sf)  }
0x124: {  	s2 =	sshra.s32 s0, $0x1F;
	p1 =	slt.s32 s0, $0x1;
	s3 =	sand.u32 $0xF, s0  }
0x125: {  	s7 =	sshrl.u32 s2, $0x1C;
	p2 =	sne.s32 s3, $0x0;
	s2 =	spop (v2sf)  }
0x126: {  	(v2sf) =	vpush v2, $0x4;
	s3 =	sadd.s32 s7, s0;
	p1 =	por !p1, !p2;
	s7 =	sand.u32 $0xF, s2  }
0x127: {  	p1 =	por !p1, !p1;
	p2 =	sne.s32 s7, $0x0;
	s7 =	simm.s32 $0x1  }
0x128: {  	s3 =	sshrl.u32 s3, $0x4;
	s7 =	simm.s32 @!p1 $0x0  }
0x129: {  	s13 =	sshra.s32 s2, $0x1F;
	p1 =	slt.s32 s2, $0x1;
	s3 =	ssub.s32 s3, s7  }
0x12a: {  	s7 =	sshrl.u32 s13, $0x1C;
	p1 =	por !p1, !p2;
	(v2sf) =	vpush v2, $0x5;
	s13 =	simm.s32 $0x1  }
0x12b: {  	s3 =	sshll.u32 s3, $0x4;
	s7 =	sadd.s32 s7, s2;
	p1 =	por !p1, !p1  }
0x12c: {  	v3 =	vld [tilespmem:s3+$0x8800];
	s0 =	ssub.s32 s0, s3;
	s7 =	sshrl.u32 s7, $0x4;
	s13 =	simm.s32 @!p1 $0x0  }
0x12d: {  	v4 =	vmov s0;
	s13 =	ssub.s32 s7, s13;
	s0 =	spop (v2sf)  }
0x12e: {  	s14 =	sshra.s32 s0, $0x1F;
	s15 =	sand.u32 $0xF, s0;
	s7 =	spop (v2sf)  }
0x12f: {  	vm0 =	veq.s32 v4, v1;
	(v2sf) =	vpush v2, $0x6;
	p1 =	slt.s32 s0, $0x1;
	s13 =	sshll.u32 s13, $0x4;
	p2 =	sne.s32 s15, $0x0  }
0x130: {  	s15 =	sand.u32 $0xF, s7;
	s14 =	sshrl.u32 s14, $0x1C;
	s16 =	sshra.s32 s7, $0x1F  }
0x131: {  	v4 =	vsel vm0, $0x3F800000, v0;
	s2 =	ssub.s32 s2, s13;
	p1 =	por !p1, !p2;
	p2 =	slt.s32 s7, $0x1  }
0x132: {  	p3 =	sne.s32 s15, $0x0;
	s15 =	simm.s32 $0x1;
	v3 =	vadd.f32 v4, v3;
	p1 =	por !p1, !p1  }
0x133: {  	s14 =	sadd.s32 s14, s0;
	s15 =	simm.s32 @!p1 $0x0;
	p1 =	por !p2, !p3;
	(v2sf) =	vpush v2, $0x7  }
0x134: {  	v4 =	vmov s2;
	s2 =	sshrl.u32 s16, $0x1C;
	[tilespmem:s3+$0x8800] =	vst v3;
	s3 =	sshrl.u32 s14, $0x4  }
0x135: {  	p1 =	por !p1, !p1;
	s14 =	ssub.s32 s3, s15;
	s15 =	simm.s32 $0x1  }
0x136: {  	s2 =	sadd.s32 s2, s7;
	v3 =	vld [tilespmem:s13+$0x8800];
	s15 =	simm.s32 @!p1 $0x0  }
0x137: {  	s2 =	sshrl.u32 s2, $0x4;
	s3 =	spop (v2sf)  }
0x138: {  	vm0 =	veq.s32 v4, v1;
	s18 =	sshll.u32 s14, $0x4;
	s16 =	sshra.s32 s3, $0x1F;
	s17 =	sand.u32 $0xF, s3  }
0x139: {  	s15 =	ssub.s32 s2, s15;
	p1 =	slt.s32 s3, $0x1;
	p2 =	sne.s32 s17, $0x0;
	(v2sf) =	vpush v2, $0x8  }
0x13a: {  	v4 =	vsel vm0, $0x3F800000, v0;
	s2 =	sshrl.u32 s16, $0x1C;
	s17 =	simm.s32 $0x1;
	p1 =	por !p1, !p2  }
0x13b: {  	v3 =	vadd.f32 v4, v3;
	s16 =	sadd.s32 s2, s3;
	p1 =	por !p1, !p1;
	s2 =	spop (v2sf)  }
0x13c: {  	s16 =	sshrl.u32 s16, $0x4;
	s17 =	simm.s32 @!p1 $0x0;
	p1 =	slt.s32 s2, $0x1  }
0x13d: {  	s0 =	ssub.s32 s0, s18;
	[tilespmem:s13+$0x8800] =	vst v3;
	s13 =	sand.u32 $0xF, s2  }
0x13e: {  	s14 =	ssub.s32 s16, s17;
	(v2sf) =	vpush v2, $0x9;
	s16 =	sshra.s32 s2, $0x1F;
	p2 =	sne.s32 s13, $0x0  }
0x13f: {  	s17 =	simm.s32 $0x1;
	v3 =	vld [tilespmem:s18+$0x8800];
	s13 =	sshrl.u32 s16, $0x1C;
	p1 =	por !p1, !p2  }
0x140: {  	v4 =	vmov s0;
	s0 =	spop (v2sf);
	(v2sf) =	vpush v2, $0xA;
	s13 =	sadd.s32 s13, s2;
	p1 =	por !p1, !p1  }
0x141: {  	vm0 =	veq.s32 v4, v1;
	s16 =	sand.u32 $0xF, s0;
	s13 =	sshrl.u32 s13, $0x4;
	p2 =	slt.s32 s0, $0x1  }
0x142: {  	s17 =	simm.s32 @!p1 $0x0;
	p1 =	sne.s32 s16, $0x0;
	(v2sf) =	vpush v2, $0xB;
	s16 =	sshra.s32 s0, $0x1F  }
0x143: {  	v4 =	vsel vm0, $0x3F800000, v0;
	s13 =	ssub.s32 s13, s17;
	s16 =	sshrl.u32 s16, $0x1C;
	p1 =	por !p2, !p1  }
0x144: {  	v3 =	vadd.f32 v4, v3;
	s30 =	spop (v2sf);
	s16 =	sadd.s32 s16, s0;
	p1 =	por !p1, !p1  }
0x145: {  	s6 =	sshll.u32 s13, $0x4;
	s19 =	sshra.s32 s30, $0x1F;
	s26 =	sand.u32 $0xF, s30  }
0x146: {  	s16 =	sshrl.u32 s16, $0x4;
	[tilespmem:s18+$0x8800] =	vst v3;
	s18 =	sshll.u32 s15, $0x4;
	s15 =	simm.s32 $0x1  }
0x147: {  	p2 =	sne.s32 s26, $0x0;
	s15 =	simm.s32 @!p1 $0x0;
	s7 =	ssub.s32 s7, s18  }
0x148: {  	p1 =	slt.s32 s30, $0x1;
	v3 =	vld [tilespmem:s18+$0x8800];
	v4 =	vmov s7;
	s17 =	ssub.s32 s16, s15;
	s7 =	sshrl.u32 s19, $0x1C  }
0x149: {  	p1 =	por !p1, !p2;
	s16 =	simm.s32 $0x1;
	s7 =	sadd.s32 s7, s30  }
0x14a: {  	p1 =	por !p1, !p1;
	s26 =	spop (v2sf);
	s7 =	sshrl.u32 s7, $0x4  }
0x14b: {  	vm0 =	veq.s32 v4, v1;
	s16 =	simm.s32 @!p1 $0x0;
	p2 =	slt.s32 s26, $0x1;
	s15 =	sand.u32 $0xF, s26  }
0x14c: {  	p1 =	sne.s32 s15, $0x0;
	s15 =	ssub.s32 s7, s16;
	s7 =	sshra.s32 s26, $0x1F  }
0x14d: {  	v4 =	vsel vm0, $0x3F800000, v0;
	(v2sf) =	vpush v2, $0xC;
	s16 =	sshll.u32 s14, $0x4;
	s14 =	simm.s32 $0x1;
	p1 =	por !p2, !p1  }
0x14e: {  	v3 =	vadd.f32 v4, v3;
	s7 =	sshrl.u32 s7, $0x1C;
	s19 =	ssub.s32 s3, s16;
	p1 =	por !p1, !p1  }
0x14f: {  	s29 =	spop (v2sf);
	s7 =	sadd.s32 s7, s26;
	s14 =	simm.s32 @!p1 $0x0  }
0x150: {  	v4 =	vmov s19;
	[tilespmem:s18+$0x8800] =	vst v3;
	s18 =	sand.u32 $0xF, s29;
	s19 =	sshrl.u32 s7, $0x4;
	s7 =	sshra.s32 s29, $0x1F  }
0x151: {  	v3 =	vld [tilespmem:s16+$0x8800];
	s3 =	spop (v2sf);
	p1 =	sne.s32 s18, $0x0;
	s18 =	sshrl.u32 s7, $0x1C  }
0x152: {  	p2 =	slt.s32 s29, $0x1;
	s14 =	ssub.s32 s19, s14;
	s18 =	sadd.s32 s18, s29  }
0x153: {  	vm0 =	veq.s32 v4, v1;
	p1 =	por !p2, !p1;
	s19 =	sand.u32 $0xF, s3;
	s7 =	spop (v2sf);
	(v2sf) =	vpush v2, $0xD  }
0x154: {  	s31 =	sshra.s32 s3, $0x1F;
	p2 =	slt.s32 s3, $0x1;
	s18 =	sshrl.u32 s18, $0x4  }
0x155: {  	v4 =	vsel vm0, $0x3F800000, v0;
	p1 =	por !p1, !p1;
	p3 =	sne.s32 s19, $0x0;
	s19 =	simm.s32 $0x1  }
0x156: {  	s31 =	sshrl.u32 s31, $0x1C;
	s19 =	simm.s32 @!p1 $0x0;
	p1 =	por !p2, !p3;
	v3 =	vadd.f32 v4, v3;
	(v2sf) =	vpush v2, $0xE  }
0x157: {  	s2 =	ssub.s32 s2, s6;
	s13 =	sadd.s32 s31, s3;
	p1 =	por !p1, !p1  }
0x158: {  	s13 =	sshrl.u32 s13, $0x4;
	v4 =	vmov s2;
	s2 =	sand.u32 $0xF, s7;
	[tilespmem:s16+$0x8800] =	vst v3;
	s16 =	simm.s32 $0x1  }
0x159: {  	s18 =	ssub.s32 s18, s19;
	p2 =	sne.s32 s2, $0x0;
	v3 =	vld [tilespmem:s6+$0x8800];
	s16 =	simm.s32 @!p1 $0x0  }
0x15a: {  	p1 =	slt.s32 s7, $0x1;
	s13 =	ssub.s32 s13, s16;
	s16 =	sshra.s32 s7, $0x1F  }
0x15b: {  	s19 =	simm.s32 $0x1;
	vm0 =	veq.s32 v4, v1;
	p1 =	por !p1, !p2;
	(v2sf) =	vpush v2, $0xF;
	s2 =	sshrl.u32 s16, $0x1C  }
0x15c: {  	p1 =	por !p1, !p1;
	s31 =	spop (v2sf);
	s2 =	sadd.s32 s2, s7  }
0x15d: {  	v2 =	vsel vm0, $0x3F800000, v0;
	s19 =	simm.s32 @!p1 $0x0;
	s16 =	sand.u32 $0xF, s31;
	s2 =	sshrl.u32 s2, $0x4  }
0x15e: {  	v2 =	vadd.f32 v2, v3;
	p1 =	sne.s32 s16, $0x0;
	s16 =	ssub.s32 s2, s19;
	s2 =	sshra.s32 s31, $0x1F  }
0x15f: {  	p2 =	slt.s32 s31, $0x1;
	s2 =	sshrl.u32 s2, $0x1C  }
0x160: {  	p1 =	por !p2, !p1;
	[tilespmem:s6+$0x8800] =	vst v2;
	s6 =	sshll.u32 s17, $0x4;
	s2 =	sadd.s32 s2, s31  }
0x161: {  	p1 =	por !p1, !p1;
	s17 =	simm.s32 $0x1;
	v2 =	vld [tilespmem:s6+$0x8800];
	s0 =	ssub.s32 s0, s6  }
0x162: {  	s17 =	simm.s32 @!p1 $0x0;
	v3 =	vmov s0;
	s0 =	sshrl.u32 s2, $0x4;
	s2 =	spop (v2sf)  }
0x163: {  	s17 =	ssub.s32 s0, s17;
	s19 =	sand.u32 $0xF, s2  }
0x164: {  	vm0 =	veq.s32 v3, v1;
	s0 =	sshra.s32 s2, $0x1F;
	p1 =	slt.s32 s2, $0x1;
	p2 =	sne.s32 s19, $0x0  }
0x165: {  	s8 =	simm.s32 $0x1;
	s0 =	sshrl.u32 s0, $0x1C;
	p1 =	por !p1, !p2  }
0x166: {  	v3 =	vsel vm0, $0x3F800000, v0;
	s19 =	sadd.s32 s0, s2;
	s0 =	spop (v2sf);
	p1 =	por !p1, !p1  }
0x167: {  	v2 =	vadd.f32 v2, v3;
	s12 =	sshra.s32 s0, $0x1F;
	s22 =	sand.u32 $0xF, s0;
	s19 =	sshrl.u32 s19, $0x4  }
0x168: {  	p2 =	slt.s32 s0, $0x1;
	s8 =	simm.s32 @!p1 $0x0;
	s12 =	sshrl.u32 s12, $0x1C  }
0x169: {  	p1 =	sne.s32 s22, $0x0;
	[tilespmem:s6+$0x8800] =	vst v2;
	s6 =	sshll.u32 s15, $0x4;
	s15 =	ssub.s32 s19, s8  }
0x16a: {  	s12 =	sadd.s32 s12, s0;
	p1 =	por !p2, !p1;
	v2 =	vld [tilespmem:s6+$0x8800];
	s8 =	ssub.s32 s30, s6  }
0x16b: {  	p1 =	por !p1, !p1;
	v3 =	vmov s8;
	s30 =	spop (v2sf)  }
0x16c: {  	s8 =	sshrl.u32 s12, $0x4;
	s12 =	simm.s32 $0x1;
	vm0 =	veq.s32 v3, v1;
	p2 =	slt.s32 s30, $0x1  }
0x16d: {  	s12 =	simm.s32 @!p1 $0x0;
	s22 =	sshra.s32 s30, $0x1F;
	s1 =	sand.u32 $0xF, s30  }
0x16e: {  	v3 =	vsel vm0, $0x3F800000, v0;
	s19 =	ssub.s32 s8, s12;
	s8 =	sshrl.u32 s22, $0x1C;
	p1 =	sne.s32 s1, $0x0  }
0x16f: {  	s1 =	sadd.s32 s8, s30;
	p1 =	por !p2, !p1;
	v2 =	vadd.f32 v2, v3  }
0x170: {  	s8 =	simm.s32 $0x1;
	s1 =	sshrl.u32 s1, $0x4;
	p1 =	por !p1, !p1  }
0x171: {  	s8 =	simm.s32 @!p1 $0x0;
	[tilespmem:s6+$0x8800] =	vst v2;
	s6 =	sshll.u32 s14, $0x4  }
0x172: {  	s14 =	ssub.s32 s1, s8;
	v2 =	vld [tilespmem:s6+$0x8800];
	s12 =	ssub.s32 s26, s6  }
0x173: {  	v3 =	vmov s12  }
0x174: {  	vm0 =	veq.s32 v3, v1;
	_ =	sdelay $0x1  }
0x175: {  	v3 =	vsel vm0, $0x3F800000, v0  }
0x176: {  	v2 =	vadd.f32 v2, v3;
	_ =	sdelay $0x1  }
0x177: {  	s1 =	sshll.u32 s18, $0x4;
	[tilespmem:s6+$0x8800] =	vst v2  }
0x178: {  	s6 =	ssub.s32 s29, s1;
	v2 =	vld [tilespmem:s1+$0x8800]  }
0x179: {  	v3 =	vmov s6  }
0x17a: {  	vm0 =	veq.s32 v3, v1;
	_ =	sdelay $0x1  }
0x17b: {  	v3 =	vsel vm0, $0x3F800000, v0  }
0x17c: {  	v2 =	vadd.f32 v2, v3;
	_ =	sdelay $0x1  }
0x17d: {  	[tilespmem:s1+$0x8800] =	vst v2;
	s1 =	sshll.u32 s13, $0x4  }
0x17e: {  	v2 =	vld [tilespmem:s1+$0x8800];
	s3 =	ssub.s32 s3, s1  }
0x17f: {  	v3 =	vmov s3  }
0x180: {  	vm0 =	veq.s32 v3, v1;
	_ =	sdelay $0x1  }
0x181: {  	v3 =	vsel vm0, $0x3F800000, v0  }
0x182: {  	v2 =	vadd.f32 v2, v3;
	_ =	sdelay $0x1  }
0x183: {  	[tilespmem:s1+$0x8800] =	vst v2;
	s1 =	sshll.u32 s16, $0x4  }
0x184: {  	v2 =	vld [tilespmem:s1+$0x8800];
	s3 =	ssub.s32 s7, s1  }
0x185: {  	v3 =	vmov s3  }
0x186: {  	vm0 =	veq.s32 v3, v1;
	_ =	sdelay $0x1  }
0x187: {  	v3 =	vsel vm0, $0x3F800000, v0  }
0x188: {  	v2 =	vadd.f32 v2, v3;
	_ =	sdelay $0x1  }
0x189: {  	[tilespmem:s1+$0x8800] =	vst v2;
	s1 =	sshll.u32 s17, $0x4  }
0x18a: {  	v2 =	vld [tilespmem:s1+$0x8800];
	s3 =	ssub.s32 s31, s1  }
0x18b: {  	v3 =	vmov s3  }
0x18c: {  	vm0 =	veq.s32 v3, v1;
	_ =	sdelay $0x1  }
0x18d: {  	v3 =	vsel vm0, $0x3F800000, v0  }
0x18e: {  	v2 =	vadd.f32 v2, v3;
	_ =	sdelay $0x1  }
0x18f: {  	[tilespmem:s1+$0x8800] =	vst v2;
	s1 =	sshll.u32 s15, $0x4  }
0x190: {  	v2 =	vld [tilespmem:s1+$0x8800];
	s2 =	ssub.s32 s2, s1  }
0x191: {  	v3 =	vmov s2  }
0x192: {  	vm0 =	veq.s32 v3, v1;
	_ =	sdelay $0x1  }
0x193: {  	v3 =	vsel vm0, $0x3F800000, v0  }
0x194: {  	v2 =	vadd.f32 v2, v3;
	_ =	sdelay $0x1  }
0x195: {  	[tilespmem:s1+$0x8800] =	vst v2;
	s1 =	sshll.u32 s19, $0x4  }
0x196: {  	v2 =	vld [tilespmem:s1+$0x8800];
	s0 =	ssub.s32 s0, s1  }
0x197: {  	v3 =	vmov s0  }
0x198: {  	vm0 =	veq.s32 v3, v1;
	_ =	sdelay $0x1  }
0x199: {  	v3 =	vsel vm0, $0x3F800000, v0  }
0x19a: {  	v2 =	vadd.f32 v2, v3;
	_ =	sdelay $0x1  }
.Ltmp2:
0x19b: {  	s0 =	sshll.u32 s14, $0x4;
	[tilespmem:s1+$0x8800] =	vst v2;
	(pc) =	sbr.rel @p0 .LBB2_7-.Ltmp2, $4  }
0x19c: {  	s1 =	ssub.s32 s30, s0;
	v2 =	vld [tilespmem:s0+$0x8800]  }
0x19d: {  	v3 =	vmov s1  }
0x19e: {  	s10 =	sadd.s32 $0x10, s10;
	s1 =	sand.u32 $0xE00, s5;
	vm0 =	veq.s32 v3, v1  }
0x19f: {  	s2 =	sand.u32 $0x70, s10;
	s3 =	sshrl.u32 s1, $0x2;
	v3 =	vsel vm0, $0x3F800000, v0  }
0x1a0: {  	_ = 	snop  }
0x1a1: {  	v2 =	vadd.f32 v2, v3;
	_ =	sdelay $0x1  }
0x1a2: {  	s1 =	sor.u32 s2, s3;
	[tilespmem:s0+$0x8800] =	vst v2  }
0x1a3: {  	v2 =	vld [tilespmem:s1+$0x400];
	_ =	sdelay $0x4  }
0x1a4: {  	(v2sf) =	vpush v2, $0x0;
	_ =	sdelay $0x7  }
0x1a5: {  	(v2sf) =	vpush v2, $0x1;
	_ =	sdelay $0x6  }
0x1a6: {  	s3 =	spop (v2sf)  }
0x1a7: {  	(v2sf) =	vpush v2, $0x2;
	s5 =	sand.u32 $0xF, s3  }
0x1a8: {  	s6 =	sshra.s32 s3, $0x1F;
	p0 =	slt.s32 s3, $0x1;
	p1 =	sne.s32 s5, $0x0  }
0x1a9: {  	s7 =	sshrl.u32 s6, $0x1C;
	p0 =	por !p0, !p1  }
0x1aa: {  	s2 =	simm.s32 $0x1;
	s1 =	sadd.s32 s7, s3;
	p0 =	por !p0, !p0  }
0x1ab: {  	s1 =	sshrl.u32 s1, $0x4;
	s2 =	simm.s32 @!p0 $0x0  }
0x1ac: {  	s1 =	ssub.s32 s1, s2  }
0x1ad: {  	s1 =	sshll.u32 s1, $0x4  }
0x1ae: {  	s8 =	spop (v2sf);
	v3 =	vld [tilespmem:s1+$0x8800]  }
0x1af: {  	(v2sf) =	vpush v2, $0x3;
	s10 =	sand.u32 $0xF, s8;
	s0 =	ssub.s32 s3, s1  }
0x1b0: {  	s11 =	sshra.s32 s8, $0x1F;
	p2 =	slt.s32 s8, $0x1;
	p1 =	sne.s32 s10, $0x0;
	v4 =	vmov s0  }
0x1b1: {  	s12 =	sshrl.u32 s11, $0x1C;
	p0 =	por !p2, !p1;
	vm0 =	veq.s32 v4, v1  }
0x1b2: {  	p0 =	por !p0, !p0;
	s3 =	simm.s32 $0x1;
	s0 =	sadd.s32 s12, s8;
	v4 =	vsel vm0, $0x3F800000, v0  }
0x1b3: {  	s3 =	simm.s32 @!p0 $0x0;
	s0 =	sshrl.u32 s0, $0x4;
	v3 =	vadd.f32 v4, v3  }
0x1b4: {  	s0 =	ssub.s32 s0, s3  }
0x1b5: {  	s0 =	sshll.u32 s0, $0x4;
	[tilespmem:s1+$0x8800] =	vst v3  }
0x1b6: {  	s13 =	spop (v2sf);
	v3 =	vld [tilespmem:s0+$0x8800]  }
0x1b7: {  	s2 =	ssub.s32 s8, s0;
	(v2sf) =	vpush v2, $0x4;
	s14 =	sand.u32 $0xF, s13  }
0x1b8: {  	v53 =	vmov s2;
	s5 =	sshra.s32 s13, $0x1F;
	p3 =	slt.s32 s13, $0x1;
	p4 =	sne.s32 s14, $0x0  }
0x1b9: {  	vm13 =	veq.s32 v53, v1;
	s15 =	sshrl.u32 s5, $0x1C;
	p0 =	por !p3, !p4  }
0x1ba: {  	s3 =	simm.s32 $0x1;
	v4 =	vsel vm13, $0x3F800000, v0;
	s2 =	sadd.s32 s15, s13;
	p0 =	por !p0, !p0  }
0x1bb: {  	s2 =	sshrl.u32 s2, $0x4;
	s3 =	simm.s32 @!p0 $0x0;
	v3 =	vadd.f32 v4, v3  }
0x1bc: {  	s2 =	ssub.s32 s2, s3  }
0x1bd: {  	s16 =	sshll.u32 s2, $0x4;
	[tilespmem:s0+$0x8800] =	vst v3  }
0x1be: {  	s17 =	spop (v2sf);
	v3 =	vld [tilespmem:s16+$0x8800]  }
0x1bf: {  	(v2sf) =	vpush v2, $0x5;
	s18 =	sand.u32 $0xF, s17;
	s1 =	ssub.s32 s13, s16  }
0x1c0: {  	p5 =	slt.s32 s17, $0x1;
	s19 =	sshra.s32 s17, $0x1F;
	p6 =	sne.s32 s18, $0x0;
	v54 =	vmov s1  }
0x1c1: {  	s22 =	sshrl.u32 s19, $0x1C;
	p0 =	por !p5, !p6;
	vm14 =	veq.s32 v54, v1  }
0x1c2: {  	p0 =	por !p0, !p0;
	s3 =	simm.s32 $0x1;
	s1 =	sadd.s32 s22, s17;
	v4 =	vsel vm14, $0x3F800000, v0  }
0x1c3: {  	s3 =	simm.s32 @!p0 $0x0;
	s1 =	sshrl.u32 s1, $0x4;
	v3 =	vadd.f32 v4, v3  }
0x1c4: {  	s1 =	ssub.s32 s1, s3  }
0x1c5: {  	s26 =	sshll.u32 s1, $0x4;
	[tilespmem:s16+$0x8800] =	vst v3  }
0x1c6: {  	s29 =	spop (v2sf);
	v3 =	vld [tilespmem:s26+$0x8800]  }
0x1c7: {  	s2 =	ssub.s32 s17, s26;
	(v2sf) =	vpush v2, $0x6;
	s30 =	sand.u32 $0xF, s29  }
0x1c8: {  	v55 =	vmov s2;
	s31 =	sshra.s32 s29, $0x1F;
	p1 =	slt.s32 s29, $0x1;
	p2 =	sne.s32 s30, $0x0  }
0x1c9: {  	vm15 =	veq.s32 v55, v1;
	s5 =	sshrl.u32 s31, $0x1C;
	p0 =	por !p1, !p2  }
0x1ca: {  	s3 =	simm.s32 $0x1;
	v4 =	vsel vm15, $0x3F800000, v0;
	s2 =	sadd.s32 s5, s29;
	p0 =	por !p0, !p0  }
0x1cb: {  	s2 =	sshrl.u32 s2, $0x4;
	s3 =	simm.s32 @!p0 $0x0;
	v3 =	vadd.f32 v4, v3  }
0x1cc: {  	s2 =	ssub.s32 s2, s3  }
0x1cd: {  	s6 =	sshll.u32 s2, $0x4;
	[tilespmem:s26+$0x8800] =	vst v3  }
0x1ce: {  	s7 =	spop (v2sf);
	v3 =	vld [tilespmem:s6+$0x8800]  }
0x1cf: {  	(v2sf) =	vpush v2, $0x7;
	s8 =	sand.u32 $0xF, s7;
	s1 =	ssub.s32 s29, s6  }
0x1d0: {  	p3 =	slt.s32 s7, $0x1;
	s10 =	sshra.s32 s7, $0x1F;
	p4 =	sne.s32 s8, $0x0;
	v56 =	vmov s1  }
0x1d1: {  	s11 =	sshrl.u32 s10, $0x1C;
	p0 =	por !p3, !p4;
	vm4 =	veq.s32 v56, v1  }
0x1d2: {  	p0 =	por !p0, !p0;
	s3 =	simm.s32 $0x1;
	s1 =	sadd.s32 s11, s7;
	v4 =	vsel vm4, $0x3F800000, v0  }
0x1d3: {  	s3 =	simm.s32 @!p0 $0x0;
	s1 =	sshrl.u32 s1, $0x4;
	v3 =	vadd.f32 v4, v3  }
0x1d4: {  	s1 =	ssub.s32 s1, s3  }
0x1d5: {  	s12 =	sshll.u32 s1, $0x4;
	[tilespmem:s6+$0x8800] =	vst v3  }
0x1d6: {  	s13 =	spop (v2sf);
	v3 =	vld [tilespmem:s12+$0x8800]  }
0x1d7: {  	s2 =	ssub.s32 s7, s12;
	(v2sf) =	vpush v2, $0x8;
	s14 =	sand.u32 $0xF, s13  }
0x1d8: {  	v57 =	vmov s2;
	s15 =	sshra.s32 s13, $0x1F;
	p6 =	slt.s32 s13, $0x1;
	p5 =	sne.s32 s14, $0x0  }
0x1d9: {  	vm5 =	veq.s32 v57, v1;
	s16 =	sshrl.u32 s15, $0x1C;
	p0 =	por !p6, !p5  }
0x1da: {  	s3 =	simm.s32 $0x1;
	v4 =	vsel vm5, $0x3F800000, v0;
	s2 =	sadd.s32 s16, s13;
	p0 =	por !p0, !p0  }
0x1db: {  	s2 =	sshrl.u32 s2, $0x4;
	s3 =	simm.s32 @!p0 $0x0;
	v3 =	vadd.f32 v4, v3  }
0x1dc: {  	s2 =	ssub.s32 s2, s3  }
0x1dd: {  	s17 =	sshll.u32 s2, $0x4;
	[tilespmem:s12+$0x8800] =	vst v3  }
0x1de: {  	s18 =	spop (v2sf);
	v3 =	vld [tilespmem:s17+$0x8800]  }
0x1df: {  	(v2sf) =	vpush v2, $0x9;
	s19 =	sand.u32 $0xF, s18;
	s1 =	ssub.s32 s13, s17  }
0x1e0: {  	s22 =	sshra.s32 s18, $0x1F;
	p1 =	slt.s32 s18, $0x1;
	p2 =	sne.s32 s19, $0x0;
	v58 =	vmov s1  }
0x1e1: {  	s26 =	sshrl.u32 s22, $0x1C;
	p0 =	por !p1, !p2;
	vm6 =	veq.s32 v58, v1  }
0x1e2: {  	p0 =	por !p0, !p0;
	s3 =	simm.s32 $0x1;
	s1 =	sadd.s32 s26, s18;
	v4 =	vsel vm6, $0x3F800000, v0  }
0x1e3: {  	s3 =	simm.s32 @!p0 $0x0;
	s1 =	sshrl.u32 s1, $0x4;
	v3 =	vadd.f32 v3, v4  }
0x1e4: {  	s1 =	ssub.s32 s1, s3  }
0x1e5: {  	s29 =	sshll.u32 s1, $0x4;
	[tilespmem:s17+$0x8800] =	vst v3  }
0x1e6: {  	s30 =	spop (v2sf);
	v3 =	vld [tilespmem:s29+$0x8800]  }
0x1e7: {  	s2 =	ssub.s32 s18, s29;
	(v2sf) =	vpush v2, $0xA;
	s31 =	sand.u32 $0xF, s30  }
0x1e8: {  	v59 =	vmov s2;
	p3 =	slt.s32 s30, $0x1;
	s5 =	sshra.s32 s30, $0x1F;
	p4 =	sne.s32 s31, $0x0  }
0x1e9: {  	vm7 =	veq.s32 v59, v1;
	s6 =	sshrl.u32 s5, $0x1C;
	p0 =	por !p3, !p4  }
0x1ea: {  	s3 =	simm.s32 $0x1;
	v4 =	vsel vm7, $0x3F800000, v0;
	s2 =	sadd.s32 s6, s30;
	p0 =	por !p0, !p0  }
0x1eb: {  	s2 =	sshrl.u32 s2, $0x4;
	s3 =	simm.s32 @!p0 $0x0;
	v3 =	vadd.f32 v3, v4  }
0x1ec: {  	s2 =	ssub.s32 s2, s3  }
0x1ed: {  	s7 =	sshll.u32 s2, $0x4;
	[tilespmem:s29+$0x8800] =	vst v3  }
0x1ee: {  	s8 =	spop (v2sf);
	v3 =	vld [tilespmem:s7+$0x8800]  }
0x1ef: {  	(v2sf) =	vpush v2, $0xB;
	s10 =	sand.u32 $0xF, s8;
	s1 =	ssub.s32 s30, s7  }
0x1f0: {  	s11 =	sshra.s32 s8, $0x1F;
	p6 =	slt.s32 s8, $0x1;
	p5 =	sne.s32 s10, $0x0;
	v60 =	vmov s1  }
0x1f1: {  	s12 =	sshrl.u32 s11, $0x1C;
	p0 =	por !p6, !p5;
	vm8 =	veq.s32 v60, v1  }
0x1f2: {  	p0 =	por !p0, !p0;
	s3 =	simm.s32 $0x1;
	s1 =	sadd.s32 s12, s8;
	v4 =	vsel vm8, $0x3F800000, v0  }
0x1f3: {  	s3 =	simm.s32 @!p0 $0x0;
	s1 =	sshrl.u32 s1, $0x4;
	v3 =	vadd.f32 v3, v4  }
0x1f4: {  	s1 =	ssub.s32 s1, s3  }
0x1f5: {  	s13 =	sshll.u32 s1, $0x4;
	[tilespmem:s7+$0x8800] =	vst v3  }
0x1f6: {  	s14 =	spop (v2sf);
	v3 =	vld [tilespmem:s13+$0x8800]  }
0x1f7: {  	s2 =	ssub.s32 s8, s13;
	(v2sf) =	vpush v2, $0xC;
	s15 =	sand.u32 $0xF, s14  }
0x1f8: {  	v61 =	vmov s2;
	s16 =	sshra.s32 s14, $0x1F;
	p1 =	slt.s32 s14, $0x1;
	p2 =	sne.s32 s15, $0x0  }
0x1f9: {  	vm9 =	veq.s32 v61, v1;
	s17 =	sshrl.u32 s16, $0x1C;
	p0 =	por !p1, !p2  }
0x1fa: {  	s3 =	simm.s32 $0x1;
	v4 =	vsel vm9, $0x3F800000, v0;
	s2 =	sadd.s32 s17, s14;
	p0 =	por !p0, !p0  }
0x1fb: {  	s2 =	sshrl.u32 s2, $0x4;
	s3 =	simm.s32 @!p0 $0x0;
	v3 =	vadd.f32 v3, v4  }
0x1fc: {  	s2 =	ssub.s32 s2, s3  }
0x1fd: {  	s18 =	sshll.u32 s2, $0x4;
	[tilespmem:s13+$0x8800] =	vst v3  }
0x1fe: {  	s19 =	spop (v2sf);
	v3 =	vld [tilespmem:s18+$0x8800]  }
0x1ff: {  	(v2sf) =	vpush v2, $0xD;
	s22 =	sand.u32 $0xF, s19;
	s1 =	ssub.s32 s14, s18  }
0x200: {  	s26 =	sshra.s32 s19, $0x1F;
	p3 =	slt.s32 s19, $0x1;
	p4 =	sne.s32 s22, $0x0;
	v62 =	vmov s1  }
0x201: {  	s29 =	sshrl.u32 s26, $0x1C;
	p0 =	por !p3, !p4;
	vm10 =	veq.s32 v62, v1  }
0x202: {  	p0 =	por !p0, !p0;
	s3 =	simm.s32 $0x1;
	s1 =	sadd.s32 s29, s19;
	v4 =	vsel vm10, $0x3F800000, v0  }
0x203: {  	s3 =	simm.s32 @!p0 $0x0;
	s1 =	sshrl.u32 s1, $0x4;
	v3 =	vadd.f32 v3, v4  }
0x204: {  	s1 =	ssub.s32 s1, s3  }
0x205: {  	s30 =	sshll.u32 s1, $0x4;
	[tilespmem:s18+$0x8800] =	vst v3  }
0x206: {  	s31 =	spop (v2sf);
	v3 =	vld [tilespmem:s30+$0x8800]  }
0x207: {  	s2 =	ssub.s32 s19, s30;
	(v2sf) =	vpush v2, $0xE;
	s5 =	sand.u32 $0xF, s31  }
0x208: {  	v63 =	vmov s2;
	s6 =	sshra.s32 s31, $0x1F;
	p6 =	slt.s32 s31, $0x1;
	p5 =	sne.s32 s5, $0x0  }
0x209: {  	vm11 =	veq.s32 v63, v1;
	s7 =	sshrl.u32 s6, $0x1C;
	p0 =	por !p6, !p5  }
0x20a: {  	s3 =	simm.s32 $0x1;
	s2 =	sadd.s32 s7, s31;
	v4 =	vsel vm11, $0x3F800000, v0;
	p0 =	por !p0, !p0  }
0x20b: {  	s2 =	sshrl.u32 s2, $0x4;
	s3 =	simm.s32 @!p0 $0x0;
	v3 =	vadd.f32 v3, v4  }
0x20c: {  	s2 =	ssub.s32 s2, s3  }
0x20d: {  	s8 =	sshll.u32 s2, $0x4;
	[tilespmem:s30+$0x8800] =	vst v3  }
0x20e: {  	s10 =	spop (v2sf);
	v3 =	vld [tilespmem:s8+$0x8800]  }
0x20f: {  	(v2sf) =	vpush v2, $0xF;
	s11 =	sand.u32 $0xF, s10;
	s1 =	ssub.s32 s31, s8  }
0x210: {  	s12 =	sshra.s32 s10, $0x1F;
	p1 =	slt.s32 s10, $0x1;
	p2 =	sne.s32 s11, $0x0;
	v2 =	vmov s1  }
0x211: {  	s13 =	sshrl.u32 s12, $0x1C;
	p0 =	por !p1, !p2;
	vm12 =	veq.s32 v2, v1  }
0x212: {  	p0 =	por !p0, !p0;
	s3 =	simm.s32 $0x1;
	s1 =	sadd.s32 s13, s10;
	v2 =	vsel vm12, $0x3F800000, v0  }
0x213: {  	s3 =	simm.s32 @!p0 $0x0;
	s1 =	sshrl.u32 s1, $0x4;
	v2 =	vadd.f32 v3, v2  }
0x214: {  	s1 =	ssub.s32 s1, s3  }
0x215: {  	s14 =	sshll.u32 s1, $0x4;
	[tilespmem:s8+$0x8800] =	vst v2  }
0x216: {  	s15 =	spop (v2sf);
	v2 =	vld [tilespmem:s14+$0x8800]  }
0x217: {  	s2 =	ssub.s32 s10, s14;
	s16 =	sand.u32 $0xF, s15  }
0x218: {  	s17 =	sshra.s32 s15, $0x1F;
	p4 =	slt.s32 s15, $0x1;
	p3 =	sne.s32 s16, $0x0;
	v3 =	vmov s2  }
0x219: {  	s18 =	sshrl.u32 s17, $0x1C;
	p0 =	por !p4, !p3;
	vm13 =	veq.s32 v3, v1  }
0x21a: {  	s3 =	simm.s32 $0x1;
	s2 =	sadd.s32 s18, s15;
	p0 =	por !p0, !p0;
	v3 =	vsel vm13, $0x3F800000, v0  }
0x21b: {  	s2 =	sshrl.u32 s2, $0x4;
	s3 =	simm.s32 @!p0 $0x0;
	v2 =	vadd.f32 v2, v3  }
0x21c: {  	s2 =	ssub.s32 s2, s3  }
0x21d: {  	s19 =	sshll.u32 s2, $0x4;
	[tilespmem:s14+$0x8800] =	vst v2  }
0x21e: {  	s22 =	spop (v2sf);
	v2 =	vld [tilespmem:s19+$0x8800]  }
0x21f: {  	s26 =	sand.u32 $0xF, s22;
	s1 =	ssub.s32 s15, s19  }
0x220: {  	p5 =	slt.s32 s22, $0x1;
	s29 =	sshra.s32 s22, $0x1F;
	p6 =	sne.s32 s26, $0x0;
	v3 =	vmov s1  }
0x221: {  	s30 =	sshrl.u32 s29, $0x1C;
	p0 =	por !p5, !p6;
	vm14 =	veq.s32 v3, v1  }
0x222: {  	p0 =	por !p0, !p0;
	s3 =	simm.s32 $0x1;
	s1 =	sadd.s32 s30, s22;
	v3 =	vsel vm14, $0x3F800000, v0  }
0x223: {  	s3 =	simm.s32 @!p0 $0x0;
	s1 =	sshrl.u32 s1, $0x4;
	v2 =	vadd.f32 v2, v3  }
0x224: {  	s1 =	ssub.s32 s1, s3  }
0x225: {  	s31 =	sshll.u32 s1, $0x4;
	[tilespmem:s19+$0x8800] =	vst v2  }
0x226: {  	v2 =	vld [tilespmem:s31+$0x8800]  }
0x227: {  	s9 =	sadd.s32 $0x1, s9;
	s1 =	ssub.s32 s22, s31  }
0x228: {  	p0 =	sne.s32 s9, $0xA;
	v3 =	vmov s1  }
.Ltmp3:
0x229: {  	vm15 =	veq.s32 v3, v1;
	(pc) =	sbr.rel @p0 .LBB2_6-.Ltmp3, $3  }
0x22a: {  	v3 =	vsel vm15, $0x3F800000, v0  }
0x22b: {  	v2 =	vadd.f32 v2, v3;
	_ =	sdelay $0x1  }
0x22c: {  	[tilespmem:s31+$0x8800] =	vst v2  }
0x22d: {  	[bflag:$0x0] =	sbarrier.arrive $0xFFFF  }
0x22e: {  	s1 =	rddreg [dreg:$0x6]  }
0x22f: {  	[tilespmem:s20], [sflag:$0x3] =	stream.linear.gather [spmem:s1], $0x4000, $0x38;
	[tilespmem:$0x1F000] =	vst v63  }
0x230: {  	_ =	swait.ge [sflag:s21], $0x4000  }
0x231: {  	[sflag:s21] =	ssyncset.done $0x0  }
0x232: {  	s0 =	simm.s32 $0x0;
	s2 =	rddreg [dreg:$0xc];
	[sflag:s21] =	ssyncadd.s32 $0xFFFFC000  }
0x233: {  	[hbm4b:s2+s0] =	stream.linear.scatter [tilespmem:s20], [sflag:$0x3], $0x4000, $0x38;
	[tilespmem:$0x1F000] =	vst v63  }
0x234: {  	_ =	swait.ge [sflag:s21], $0x4000  }
0x235: {  	[sflag:s21] =	ssyncset.done $0x0  }
0x236: {  	s6 =	rddreg [dreg:$0x7];
	[sflag:s21] =	ssyncadd.s32 $0xFFFFC000  }
0x237: {  	[tilespmem:s20], [sflag:$0x3] =	stream.linear.gather [spmem:s6], $0x4000, $0x38;
	[tilespmem:$0x1F000] =	vst v63  }
0x238: {  	_ =	swait.ge [sflag:s21], $0x4000  }
0x239: {  	[sflag:s21] =	ssyncset.done $0x0  }
0x23a: {  	s17 =	rddreg [dreg:$0xd];
	[sflag:s21] =	ssyncadd.s32 $0xFFFFC000  }
0x23b: {  	[hbm4b:s17+s0] =	stream.linear.scatter [tilespmem:s20], [sflag:$0x3], $0x4000, $0x38;
	[tilespmem:$0x1F000] =	vst v63  }
0x23c: {  	_ =	swait.ge [sflag:s21], $0x4000  }
0x23d: {  	[sflag:s21] =	ssyncset.done $0x0  }
0x23e: {  	s12 =	rddreg [dreg:$0x8];
	[sflag:s21] =	ssyncadd.s32 $0xFFFFC000  }
0x23f: {  	[tilespmem:s20], [sflag:$0x3] =	stream.linear.gather [spmem:s12], $0x4000, $0x38;
	[tilespmem:$0x1F000] =	vst v63  }
0x240: {  	_ =	swait.ge [sflag:s21], $0x4000  }
0x241: {  	[sflag:s21] =	ssyncset.done $0x0  }
0x242: {  	s18 =	rddreg [dreg:$0xe];
	[sflag:s21] =	ssyncadd.s32 $0xFFFFC000  }
0x243: {  	[hbm4b:s18+s0] =	stream.linear.scatter [tilespmem:s20], [sflag:$0x3], $0x4000, $0x38;
	[tilespmem:$0x1F000] =	vst v63  }
0x244: {  	_ =	swait.ge [sflag:s21], $0x4000  }
0x245: {  	[sflag:s21] =	ssyncset.done $0x0  }
0x246: {  	s14 =	rddreg [dreg:$0x9];
	[sflag:s21] =	ssyncadd.s32 $0xFFFFC000  }
0x247: {  	[tilespmem:s20], [sflag:$0x3] =	stream.linear.gather [spmem:s14], $0x4000, $0x38;
	[tilespmem:$0x1F000] =	vst v63  }
0x248: {  	_ =	swait.ge [sflag:s21], $0x4000  }
0x249: {  	[sflag:s21] =	ssyncset.done $0x0  }
0x24a: {  	s19 =	rddreg [dreg:$0xf];
	[sflag:s21] =	ssyncadd.s32 $0xFFFFC000  }
0x24b: {  	[hbm4b:s19+s0] =	stream.linear.scatter [tilespmem:s20], [sflag:$0x3], $0x4000, $0x38;
	[tilespmem:$0x1F000] =	vst v63  }
0x24c: {  	_ =	swait.ge [sflag:s21], $0x4000  }
0x24d: {  	[sflag:s21] =	ssyncset.done $0x0  }
0x24e: {  	s15 =	rddreg [dreg:$0xa];
	[sflag:s21] =	ssyncadd.s32 $0xFFFFC000  }
0x24f: {  	[tilespmem:s20], [sflag:$0x3] =	stream.linear.gather [spmem:s15], $0x4000, $0x38;
	[tilespmem:$0x1F000] =	vst v63  }
0x250: {  	_ =	swait.ge [sflag:s21], $0x4000  }
0x251: {  	[sflag:s21] =	ssyncset.done $0x0  }
0x252: {  	s22 =	rddreg [dreg:$0x10];
	[sflag:s21] =	ssyncadd.s32 $0xFFFFC000  }
0x253: {  	[hbm4b:s22+s0] =	stream.linear.scatter [tilespmem:s20], [sflag:$0x3], $0x4000, $0x38;
	[tilespmem:$0x1F000] =	vst v63  }
0x254: {  	_ =	swait.ge [sflag:s21], $0x4000  }
0x255: {  	s29 =	simm.s32 $0x400;
	[sflag:s21] =	ssyncset.done $0x0  }
0x256: {  	s3 =	simm.s32 $0x8800;
	s26 =	rddreg [dreg:$0x11];
	[sflag:s21] =	ssyncadd.s32 $0xFFFFC000  }
0x257: {  	[hbm4b:s26+s23] =	stream.strided.scatter [tilespmem:s3], [sflag:$0x3], $0x2800, s29, s23, $0x38;
	[tilespmem:$0x1F000] =	vst v63  }
0x258: {  	_ =	swait.ge [sflag:s21], $0x2800  }
0x259: {  	s30 =	rddreg [dreg:$0x13]  }
0x25a: {  	s31 =	rddreg [dreg:$0x12];
	s2 =	sadd.s32 $0x1, s30  }
0x25b: {  	p0 =	sne.s32 s2, s31  }
.Ltmp4:
0x25c: {  	_ = 	snop;
	(pc) =	sbr.rel @p0 .LBB2_1-.Ltmp4, $3  }
0x25d: {  	_ =	sdelay $0x1  }
0x25e: {  	[sflag:s21] =	ssyncset.done $0x0  }
0x25f: {  	[sflag:s21] =	ssyncadd.s32 $0xFFFFD800  }
0x260: {  	_ =	sfence.sel $0x180000  }
0x261: {  	[bflag:$0x0] =	sbarrier.arrive $0xFFFF  }
0x262: {  	_ =	strace $0x90000047  }
0x263: {  	s0 =	stileid.u32;
	[bflag:$0x2] =	sbarrier.arrive $0xFFFF  }
0x264: {  	p0 =	sne.s32 s0, $0x0;
	s0 =	rddreg [dreg:$0x4]  }
0x265: {  	s0 =	sadd.s32 @!p0 $0x100000, s0  }
0x266: {  	[sflag:s0] =	ssyncadd.tile.s32 @!p0 $0x1;
	_ =	shalt  }
.Lfunc_end2:
_tile_overlayer_lowered:
.L_overlay_start_2:
0x267: {  	(tag) =	ssettag $0x2  }
0x268: {  	s0 =	rddreg [dreg:$0x0];
	s2 =	stileid.u32  }
0x269: {  	s1 =	rddreg [dreg:$0x1];
	p0 =	sne.s32 s2, $0x0  }
0x26a: {  	s3 =	rddreg [dreg:$0x2];
	[bflag:$0x3] =	sbarrier.arrive $0xFFFF;
	s2 =	simm.s32 @!p0 $0x1C03  }
0x26b: {  	[timem:s3], [sflag:s2] =	dma.local @!p0 [hbm:s0], s1  }
0x26c: {  	s0 =	simm.s32 @!p0 $0x3  }
0x26d: {  	_ =	swait.ge @!p0 [sflag:s0], s1  }
0x26e: {  	s1 =	ssub.s32 @!p0 $0x0, s1;
	[sflag:s0] =	ssyncset.done @!p0 $0x0  }
0x26f: {  	[sflag:s0] =	ssyncadd.s32 @!p0 s1  }
0x270: {  	[bflag:$0x3] =	sbarrier.arrive $0xFFFF  }
0x271: {  	_ =	shalt  }

</sc_bundles>
